<compile_context>
chip_gen: v7x
topology: tpu7x:2x2x1
jax: 0.10.2.dev20260603
libtpu: 0.0.44.dev20260713+nightly
codegen_flags: <defaults>
</compile_context>

<pallas_src>
import jax
import jax.numpy as jnp
from jax import lax
from jax.experimental import pallas as pl
from jax.experimental.pallas import tpu as pltpu
from jax.experimental.pallas import tpu_sc as plsc

B, T, D = 8, 4096, 2048
K = 10
L = 16
NQ = 4
SLEN = T // NQ
DQ = D // NQ
NEG = float("-inf")
INT_MAX = 2147483647

PAIRS = [(i, j) for i in range(K) for j in range(i, K)]
DIAG_SLOTS = [p for p, (i, j) in enumerate(PAIRS) if i == j]
NP_ = len(PAIRS)
GROUPS = [
    [p for p in PAIRS if p[0] < 2],
    [p for p in PAIRS if 2 <= p[0] < 5],
    [p for p in PAIRS if p[0] >= 5],
]


def _sc_diversity(feat_hbm, scores_hbm, c_band, stage2, out_hbm,
                  scores_v, idx_v, rows_v, cb_v, mat_v, t16_v, t2x16_v,
                  t4x16_v, comb_v, sem):
  c = lax.axis_index("c")
  s = lax.axis_index("s")
  lanes = lax.iota(jnp.int32, L)
  bl = s // NQ
  q = s % NQ
  b = NQ * c + bl

  pltpu.sync_copy(scores_hbm.at[b, pl.ds(q * SLEN, SLEN)], scores_v)

  def pass_body(kk, carry):
    mxv, fiv = carry
    def chunk_body(i, carry2):
      mv, iv = carry2
      v = scores_v[pl.ds(i * L, L)]
      ids = lanes + i * L
      gt = v > mv
      return jnp.where(gt, v, mv), jnp.where(gt, ids, iv)
    mv, iv = lax.fori_loop(
        0, SLEN // L, chunk_body,
        (jnp.full((L,), NEG, jnp.float32), jnp.zeros((L,), jnp.int32)),
        unroll=8)
    mx = jnp.max(mv)
    cand = jnp.where(mv == mx, iv, INT_MAX)
    idx = jnp.min(cand)
    mxv = jnp.where(lanes == kk, mx, mxv)
    fiv = jnp.where(lanes == kk, idx + q * SLEN, fiv)
    plsc.store_scatter(scores_v, [jnp.full((L,), idx, jnp.int32)],
                       jnp.full((L,), NEG, jnp.float32), mask=lanes == 0)
    return mxv, fiv

  mxv, fiv = lax.fori_loop(
      0, K, pass_body,
      (jnp.full((L,), NEG, jnp.float32), jnp.zeros((L,), jnp.int32)))
  t2x16_v[0, :] = mxv
  t2x16_v[1, :] = plsc.bitcast(fiv, jnp.float32)
  pltpu.sync_copy(t2x16_v, c_band.at[c, s])

  plsc.subcore_barrier()

  pltpu.sync_copy(c_band.at[c, pl.ds(NQ * bl, NQ)], cb_v)
  ix = [plsc.bitcast(cb_v[r, 1, :], jnp.int32) for r in range(NQ)]

  def merge_body(kk, carry):
    v0, v1, v2, v3, fiv = carry
    vs = [v0, v1, v2, v3]
    def comb(v1_, i1, v2_, i2):
      take1 = (v1_ > v2_) | ((v1_ == v2_) & (i1 < i2))
      return jnp.where(take1, v1_, v2_), jnp.where(take1, i1, i2)
    va, ia = comb(vs[0], ix[0], vs[1], ix[1])
    vb, ib = comb(vs[2], ix[2], vs[3], ix[3])
    vm, im = comb(va, ia, vb, ib)
    mx = jnp.max(vm)
    cand = jnp.where(vm == mx, im, INT_MAX)
    idx = jnp.min(cand)
    fiv = jnp.where(lanes == kk, idx, fiv)
    idx_b = jnp.full((L,), idx, jnp.int32)
    vs = [jnp.where(ix[r] == idx_b, NEG, vs[r]) for r in range(NQ)]
    return vs[0], vs[1], vs[2], vs[3], fiv

  _, _, _, _, fiv = lax.fori_loop(
      0, K, merge_body,
      (cb_v[0, 0, :], cb_v[1, 0, :], cb_v[2, 0, :], cb_v[3, 0, :],
       jnp.zeros((L,), jnp.int32)))

  idx_v[...] = jnp.where(lanes < K, fiv, 0) + b * T
  pltpu.async_copy(feat_hbm.at[idx_v, pl.ds(q * DQ, DQ)], rows_v, sem).wait()

  accs = []
  for grp in GROUPS:
    rows_needed = sorted({r for p in grp for r in p})
    def grp_body(ci, carry, grp=grp, rows_needed=rows_needed):
      base = ci * L
      v = {r: rows_v[r, pl.ds(base, L)] for r in rows_needed}
      return tuple(a + v[i] * v[j] for a, (i, j) in zip(carry, grp))
    init = tuple(jnp.zeros((L,), jnp.float32) for _ in grp)
    accs.extend(lax.fori_loop(0, DQ // L, grp_body, init, unroll=2))
  for p in range(NP_):
    mat_v[p, :] = accs[p]
  zero = jnp.zeros((L,), jnp.float32)
  for p in range(NP_, 64):
    mat_v[p, :] = zero
  for blk in range(4):
    row_ids = lanes + blk * L
    dots = jnp.zeros((L,), jnp.float32)
    for l in range(L):
      dots = dots + plsc.load_gather(
          mat_v, [row_ids, jnp.full((L,), l, jnp.int32)])
    t4x16_v[blk, :] = dots
  pltpu.sync_copy(t4x16_v, stage2.at[c, s])

  plsc.subcore_barrier()

  @pl.when(s == 0)
  def _core_reduce():
    pltpu.sync_copy(stage2.at[c], comb_v)
    inv = 1.0 / (B * K * K)
    tot = jnp.zeros((L,), jnp.float32)
    for blx in range(NQ):
      for blk in range(4):
        d = (comb_v[NQ * blx + 0, blk, :] + comb_v[NQ * blx + 1, blk, :] +
             comb_v[NQ * blx + 2, blk, :] + comb_v[NQ * blx + 3, blk, :])
        diag_here = [p - blk * L for p in DIAG_SLOTS
                     if blk * L <= p < (blk + 1) * L]
        dm = lanes < 0
        for dpos in diag_here:
          dm = dm | (lanes == dpos)
        off = jnp.where(dm, 1.0, 0.0)
        w = jnp.where(dm, 1.0, 2.0)
        tot = tot + w * jnp.abs(d - off)
    t16_v[...] = jnp.full((L,), jnp.sum(tot) * inv)
    pltpu.sync_copy(t16_v, out_hbm.at[c])


@jax.jit
def kernel(features, scores):
  table = features.reshape(B * T, D)
  mesh = plsc.VectorSubcoreMesh(core_axis_name="c", subcore_axis_name="s",
                                num_cores=2, num_subcores=16)
  outs = pl.kernel(
      _sc_diversity,
      out_type=(
          jax.ShapeDtypeStruct((2, 16, 2, L), jnp.float32),
          jax.ShapeDtypeStruct((2, 16, 4, L), jnp.float32),
          jax.ShapeDtypeStruct((2, L), jnp.float32),
      ),
      mesh=mesh,
      compiler_params=pltpu.CompilerParams(needs_layout_passes=False),
      scratch_types=[
          pltpu.VMEM((SLEN,), jnp.float32),
          pltpu.VMEM((L,), jnp.int32),
          pltpu.VMEM((L, DQ), jnp.float32),
          pltpu.VMEM((NQ, 2, L), jnp.float32),
          pltpu.VMEM((64, L), jnp.float32),
          pltpu.VMEM((L,), jnp.float32),
          pltpu.VMEM((2, L), jnp.float32),
          pltpu.VMEM((4, L), jnp.float32),
          pltpu.VMEM((16, 4, L), jnp.float32),
          pltpu.SemaphoreType.DMA,
      ],
  )(table, scores)
  out = outs[2]
  return out[0, 0] + out[1, 0]

# --- scband reference (transcript-rebuilt; emitter-appended) ---
"""Pipeline reference for scband-diversity-regularizer-15006615733430 (READ-ONLY COPY).

The authoritative reference and input builder live on the scoring server;
editing this copy changes nothing except your own understanding.
"""

import jax, jax.numpy as jnp
import numpy as np

NUM_SELECTED = 10

def setup_inputs(seed: int = 0) -> dict:
    key = jax.random.key(seed)
    k1, k2 = jax.random.split(key)
    features = jax.random.normal(k1, (8, 4096, 2048), dtype=jnp.float32)
    scores = jax.random.normal(k2, (8, 4096), dtype=jnp.float32)
    return {"features": features, "scores": scores}

def reference(features, scores):
    B, T, D = features.shape
    k = NUM_SELECTED
    _, top_indices = jax.lax.top_k(scores, k)  # (B, k)
    # gather selected frames: features[b, top_indices[b, j], :]
    selected = jnp.take_along_axis(features, top_indices[:, :, None], axis=1)  # (B, k, D)
    similarity = jnp.einsum('bkd,bjd->bkj', selected, selected)  # (B, k, k)
    identity = jnp.eye(k, dtype=selected.dtype)[None, :, :]
    diversity = jnp.abs(similarity - identity).mean()
    return diversity

if __name__ == "__main__":
    import jax
    _d = setup_inputs()
    print(jax.jit(kernel)(*tuple(_d.values())))

</pallas_src>

<mosaic_0001>
#map = affine_map<(d0, d1) -> (0, 0)>
#map1 = affine_map<(d0, d1) -> (0, 0, 0, 0)>
module attributes {stable_mosaic.version = 14 : i64} {
  func.func @_sc_diversity(%arg0: i32, %arg1: i32, %arg2: memref<32768x2048xf32, #tpu.memory_space<hbm>>, %arg3: memref<8x4096xf32, #tpu.memory_space<hbm>>, %arg4: memref<2x16x2x16xf32, #tpu.memory_space<hbm>>, %arg5: memref<2x16x4x16xf32, #tpu.memory_space<hbm>>, %arg6: memref<2x16xf32, #tpu.memory_space<hbm>>, %arg7: memref<1024xf32, #tpu.memory_space<vmem>>, %arg8: memref<16xi32, #tpu.memory_space<vmem>>, %arg9: memref<16x512xf32, #tpu.memory_space<vmem>>, %arg10: memref<4x2x16xf32, #tpu.memory_space<vmem>>, %arg11: memref<64x16xf32, #tpu.memory_space<vmem>>, %arg12: memref<16xf32, #tpu.memory_space<vmem>>, %arg13: memref<2x16xf32, #tpu.memory_space<vmem>>, %arg14: memref<4x16xf32, #tpu.memory_space<vmem>>, %arg15: memref<16x4x16xf32, #tpu.memory_space<vmem>>, %arg16: memref<!tpu.dma_semaphore, #tpu.memory_space<semaphore_mem>>) attributes {dimension_semantics = [#tpu.dimension_semantics<core_parallel>, #tpu.dimension_semantics<subcore_parallel>], iteration_bounds = array<i64: 2, 16>, scalar_prefetch = 0 : i64, scratch_operands = 10 : i64, tpu.core_type = #tpu.core_type<sc_vector_subcore>, window_params = [{transform_indices = #map}, {transform_indices = #map}, {transform_indices = #map1}, {transform_indices = #map1}, {transform_indices = #map}]} {
    %iota3A = tpu.iota {dimensions = array<i32: 0>} : vector<16xi32>
    %jit3A = arith.constant 4 : i32
    %div3A = arith.divsi %arg1, %jit3A : i32
    %sign3A = arith.constant 0 : i32
    %sign3A_0 = arith.cmpi sgt, %arg1, %sign3A : i32
    %sign3A_1 = arith.extui %sign3A_0 : i1 to i32
    %sign3A_2 = arith.constant 0 : i32
    %sign3A_3 = arith.cmpi slt, %arg1, %sign3A_2 : i32
    %sign3A_4 = arith.extui %sign3A_3 : i1 to i32
    %sign3A_5 = arith.subi %sign3A_1, %sign3A_4 : i32
    %sign3A_6 = arith.constant 0 : i32
    %sign3A_7 = arith.cmpi sgt, %jit3A, %sign3A_6 : i32
    %sign3A_8 = arith.extui %sign3A_7 : i1 to i32
    %sign3A_9 = arith.constant 0 : i32
    %sign3A_10 = arith.cmpi slt, %jit3A, %sign3A_9 : i32
    %sign3A_11 = arith.extui %sign3A_10 : i1 to i32
    %sign3A_12 = arith.subi %sign3A_8, %sign3A_11 : i32
    %ne3A = arith.cmpi ne, %sign3A_5, %sign3A_12 : i32
    %rem3A = arith.remsi %arg1, %jit3A : i32
    %ne3A_13 = arith.constant 0 : i32
    %ne3A_14 = arith.cmpi ne, %rem3A, %ne3A_13 : i32
    %and3A = arith.andi %ne3A, %ne3A_14 : i1
    %sub3A = arith.constant 1 : i32
    %sub3A_15 = arith.subi %div3A, %sub3A : i32
    %select_n3A = arith.select %and3A, %sub3A_15, %div3A : i32
    %jit3A_16 = arith.constant 4 : i32
    %eq3A = arith.constant 0 : i32
    %eq3A_17 = arith.cmpi eq, %jit3A_16, %eq3A : i32
    %jit3A_18 = arith.constant 1 : i32
    %select_n3A_19 = arith.select %eq3A_17, %jit3A_18, %jit3A_16 : i32
    %rem3A_20 = arith.remsi %arg1, %select_n3A_19 : i32
    %ne3A_21 = arith.constant 0 : i32
    %ne3A_22 = arith.cmpi ne, %rem3A_20, %ne3A_21 : i32
    %lt3A = arith.constant 0 : i32
    %lt3A_23 = arith.cmpi slt, %rem3A_20, %lt3A : i32
    %lt3A_24 = arith.constant 0 : i32
    %lt3A_25 = arith.cmpi slt, %select_n3A_19, %lt3A_24 : i32
    %ne3A_26 = arith.xori %lt3A_23, %lt3A_25 : i1
    %and3A_27 = arith.andi %ne3A_26, %ne3A_22 : i1
    %add3A = arith.addi %rem3A_20, %select_n3A_19 : i32
    %select_n3A_28 = arith.select %and3A_27, %add3A, %rem3A_20 : i32
    %mul3A = arith.constant 4 : i32
    %mul3A_29 = arith.muli %mul3A, %arg0 : i32
    %add3A_30 = arith.addi %mul3A_29, %select_n3A : i32
    %mul3A_31 = arith.constant 1024 : i32
    %mul3A_32 = arith.muli %select_n3A_28, %mul3A_31 : i32
    "tpu.region"() ({
      %run_scoped3A = tpu.sem_alloc : memref<!tpu.dma_semaphore, #tpu.memory_space<semaphore_mem>>
      %dma_start3A_806 = tpu.memref_slice %arg3[%add3A_30, %mul3A_32] : memref<8x4096xf32, #tpu.memory_space<hbm>> -> memref<1x1024xf32, #tpu.memory_space<hbm>>
      %dma_start3A_807 = tpu.memref_squeeze %dma_start3A_806 : memref<1x1024xf32, #tpu.memory_space<hbm>> -> memref<1024xf32, #tpu.memory_space<hbm>>
      %dma_start3A_808 = tpu.memref_slice %arg3[%add3A_30, %mul3A_32] : memref<8x4096xf32, #tpu.memory_space<hbm>> -> memref<1x1024xf32, #tpu.memory_space<hbm>>
      %dma_start3A_809 = tpu.memref_squeeze %dma_start3A_808 : memref<1x1024xf32, #tpu.memory_space<hbm>> -> memref<1024xf32, #tpu.memory_space<hbm>>
      tpu.enqueue_dma source(%dma_start3A_809 : memref<1024xf32, #tpu.memory_space<hbm>>) target(%arg7 : memref<1024xf32, #tpu.memory_space<vmem>>) target_semaphore(%run_scoped3A : memref<!tpu.dma_semaphore, #tpu.memory_space<semaphore_mem>>)
      %dma_wait3A_810 = tpu.memref_slice %arg3[%add3A_30, %mul3A_32] : memref<8x4096xf32, #tpu.memory_space<hbm>> -> memref<1x1024xf32, #tpu.memory_space<hbm>>
      %dma_wait3A_811 = tpu.memref_squeeze %dma_wait3A_810 : memref<1x1024xf32, #tpu.memory_space<hbm>> -> memref<1024xf32, #tpu.memory_space<hbm>>
      %dma_wait3A_812 = tpu.memref_slice %arg3[%add3A_30, %mul3A_32] : memref<8x4096xf32, #tpu.memory_space<hbm>> -> memref<1x1024xf32, #tpu.memory_space<hbm>>
      %dma_wait3A_813 = tpu.memref_squeeze %dma_wait3A_812 : memref<1x1024xf32, #tpu.memory_space<hbm>> -> memref<1024xf32, #tpu.memory_space<hbm>>
      tpu.wait_dma2 semaphore(%run_scoped3A : memref<!tpu.dma_semaphore, #tpu.memory_space<semaphore_mem>>) src(%dma_wait3A_813 : memref<1024xf32, #tpu.memory_space<hbm>>) dst(%arg7 : memref<1024xf32, #tpu.memory_space<vmem>>)
      tpu.yield
    }) : () -> ()
    %broadcast_in_dim3A = arith.constant 0xFF800000 : f32
    %broadcast_in_dim3A_33 = vector.broadcast %broadcast_in_dim3A : f32 to vector<16xf32>
    %broadcast_in_dim3A_34 = arith.constant 0 : i32
    %broadcast_in_dim3A_35 = vector.broadcast %broadcast_in_dim3A_34 : i32 to vector<16xi32>
    %scan3A = arith.constant 0 : i32
    %scan3A_36 = arith.constant 10 : i32
    %scan3A_37 = arith.addi %scan3A, %scan3A_36 : i32
    %scan3A_38 = arith.constant 1 : i32
    %scan3A_39:2 = scf.for %scan3A_806 = %scan3A to %scan3A_37 step %scan3A_38 iter_args(%scan3A_807 = %broadcast_in_dim3A_33, %scan3A_808 = %broadcast_in_dim3A_35) -> (vector<16xf32>, vector<16xi32>)  : i32 {
      %broadcast_in_dim3A_809 = arith.constant 0xFF800000 : f32
      %broadcast_in_dim3A_810 = vector.broadcast %broadcast_in_dim3A_809 : f32 to vector<16xf32>
      %broadcast_in_dim3A_811 = arith.constant 0 : i32
      %broadcast_in_dim3A_812 = vector.broadcast %broadcast_in_dim3A_811 : i32 to vector<16xi32>
      %scan3A_813 = arith.constant 0 : i32
      %scan3A_814 = arith.constant 64 : i32
      %scan3A_815 = arith.addi %scan3A_813, %scan3A_814 : i32
      %scan3A_816 = arith.constant 8 : i32
      %scan3A_817:2 = scf.for %scan3A_851 = %scan3A_813 to %scan3A_815 step %scan3A_816 iter_args(%scan3A_852 = %broadcast_in_dim3A_810, %scan3A_853 = %broadcast_in_dim3A_812) -> (vector<16xf32>, vector<16xi32>)  : i32 {
        %mul3A_854 = arith.constant 16 : i32
        %mul3A_855 = arith.muli %scan3A_851, %mul3A_854 : i32
        %get3A_856 = arith.index_cast %mul3A_855 : i32 to index
        %get3A_857 = tpu.vector_load %arg7[%get3A_856] {strides = array<i32>} : memref<1024xf32, #tpu.memory_space<vmem>>, vector<16xf32>,
        %mul3A_858 = arith.constant 16 : i32
        %mul3A_859 = arith.muli %scan3A_851, %mul3A_858 : i32
        %add3A_860 = vector.broadcast %mul3A_859 : i32 to vector<16xi32>
        %add3A_861 = arith.addi %iota3A, %add3A_860 : vector<16xi32>
        %gt3A = arith.cmpf ogt, %get3A_857, %scan3A_852 : vector<16xf32>
        %select_n3A_862 = arith.select %gt3A, %get3A_857, %scan3A_852 : vector<16xi1>, vector<16xf32>
        %select_n3A_863 = arith.select %gt3A, %add3A_861, %scan3A_853 : vector<16xi1>, vector<16xi32>
        %scan3A_864 = arith.constant 1 : i32
        %scan3A_865 = arith.addi %scan3A_851, %scan3A_864 : i32
        %mul3A_866 = arith.constant 16 : i32
        %mul3A_867 = arith.muli %scan3A_865, %mul3A_866 : i32
        %get3A_868 = arith.index_cast %mul3A_867 : i32 to index
        %get3A_869 = tpu.vector_load %arg7[%get3A_868] {strides = array<i32>} : memref<1024xf32, #tpu.memory_space<vmem>>, vector<16xf32>,
        %mul3A_870 = arith.constant 16 : i32
        %mul3A_871 = arith.muli %scan3A_865, %mul3A_870 : i32
        %add3A_872 = vector.broadcast %mul3A_871 : i32 to vector<16xi32>
        %add3A_873 = arith.addi %iota3A, %add3A_872 : vector<16xi32>
        %gt3A_874 = arith.cmpf ogt, %get3A_869, %select_n3A_862 : vector<16xf32>
        %select_n3A_875 = arith.select %gt3A_874, %get3A_869, %select_n3A_862 : vector<16xi1>, vector<16xf32>
        %select_n3A_876 = arith.select %gt3A_874, %add3A_873, %select_n3A_863 : vector<16xi1>, vector<16xi32>
        %scan3A_877 = arith.constant 2 : i32
        %scan3A_878 = arith.addi %scan3A_851, %scan3A_877 : i32
        %mul3A_879 = arith.constant 16 : i32
        %mul3A_880 = arith.muli %scan3A_878, %mul3A_879 : i32
        %get3A_881 = arith.index_cast %mul3A_880 : i32 to index
        %get3A_882 = tpu.vector_load %arg7[%get3A_881] {strides = array<i32>} : memref<1024xf32, #tpu.memory_space<vmem>>, vector<16xf32>,
        %mul3A_883 = arith.constant 16 : i32
        %mul3A_884 = arith.muli %scan3A_878, %mul3A_883 : i32
        %add3A_885 = vector.broadcast %mul3A_884 : i32 to vector<16xi32>
        %add3A_886 = arith.addi %iota3A, %add3A_885 : vector<16xi32>
        %gt3A_887 = arith.cmpf ogt, %get3A_882, %select_n3A_875 : vector<16xf32>
        %select_n3A_888 = arith.select %gt3A_887, %get3A_882, %select_n3A_875 : vector<16xi1>, vector<16xf32>
        %select_n3A_889 = arith.select %gt3A_887, %add3A_886, %select_n3A_876 : vector<16xi1>, vector<16xi32>
        %scan3A_890 = arith.constant 3 : i32
        %scan3A_891 = arith.addi %scan3A_851, %scan3A_890 : i32
        %mul3A_892 = arith.constant 16 : i32
        %mul3A_893 = arith.muli %scan3A_891, %mul3A_892 : i32
        %get3A_894 = arith.index_cast %mul3A_893 : i32 to index
        %get3A_895 = tpu.vector_load %arg7[%get3A_894] {strides = array<i32>} : memref<1024xf32, #tpu.memory_space<vmem>>, vector<16xf32>,
        %mul3A_896 = arith.constant 16 : i32
        %mul3A_897 = arith.muli %scan3A_891, %mul3A_896 : i32
        %add3A_898 = vector.broadcast %mul3A_897 : i32 to vector<16xi32>
        %add3A_899 = arith.addi %iota3A, %add3A_898 : vector<16xi32>
        %gt3A_900 = arith.cmpf ogt, %get3A_895, %select_n3A_888 : vector<16xf32>
        %select_n3A_901 = arith.select %gt3A_900, %get3A_895, %select_n3A_888 : vector<16xi1>, vector<16xf32>
        %select_n3A_902 = arith.select %gt3A_900, %add3A_899, %select_n3A_889 : vector<16xi1>, vector<16xi32>
        %scan3A_903 = arith.constant 4 : i32
        %scan3A_904 = arith.addi %scan3A_851, %scan3A_903 : i32
        %mul3A_905 = arith.constant 16 : i32
        %mul3A_906 = arith.muli %scan3A_904, %mul3A_905 : i32
        %get3A_907 = arith.index_cast %mul3A_906 : i32 to index
        %get3A_908 = tpu.vector_load %arg7[%get3A_907] {strides = array<i32>} : memref<1024xf32, #tpu.memory_space<vmem>>, vector<16xf32>,
        %mul3A_909 = arith.constant 16 : i32
        %mul3A_910 = arith.muli %scan3A_904, %mul3A_909 : i32
        %add3A_911 = vector.broadcast %mul3A_910 : i32 to vector<16xi32>
        %add3A_912 = arith.addi %iota3A, %add3A_911 : vector<16xi32>
        %gt3A_913 = arith.cmpf ogt, %get3A_908, %select_n3A_901 : vector<16xf32>
        %select_n3A_914 = arith.select %gt3A_913, %get3A_908, %select_n3A_901 : vector<16xi1>, vector<16xf32>
        %select_n3A_915 = arith.select %gt3A_913, %add3A_912, %select_n3A_902 : vector<16xi1>, vector<16xi32>
        %scan3A_916 = arith.constant 5 : i32
        %scan3A_917 = arith.addi %scan3A_851, %scan3A_916 : i32
        %mul3A_918 = arith.constant 16 : i32
        %mul3A_919 = arith.muli %scan3A_917, %mul3A_918 : i32
        %get3A_920 = arith.index_cast %mul3A_919 : i32 to index
        %get3A_921 = tpu.vector_load %arg7[%get3A_920] {strides = array<i32>} : memref<1024xf32, #tpu.memory_space<vmem>>, vector<16xf32>,
        %mul3A_922 = arith.constant 16 : i32
        %mul3A_923 = arith.muli %scan3A_917, %mul3A_922 : i32
        %add3A_924 = vector.broadcast %mul3A_923 : i32 to vector<16xi32>
        %add3A_925 = arith.addi %iota3A, %add3A_924 : vector<16xi32>
        %gt3A_926 = arith.cmpf ogt, %get3A_921, %select_n3A_914 : vector<16xf32>
        %select_n3A_927 = arith.select %gt3A_926, %get3A_921, %select_n3A_914 : vector<16xi1>, vector<16xf32>
        %select_n3A_928 = arith.select %gt3A_926, %add3A_925, %select_n3A_915 : vector<16xi1>, vector<16xi32>
        %scan3A_929 = arith.constant 6 : i32
        %scan3A_930 = arith.addi %scan3A_851, %scan3A_929 : i32
        %mul3A_931 = arith.constant 16 : i32
        %mul3A_932 = arith.muli %scan3A_930, %mul3A_931 : i32
        %get3A_933 = arith.index_cast %mul3A_932 : i32 to index
        %get3A_934 = tpu.vector_load %arg7[%get3A_933] {strides = array<i32>} : memref<1024xf32, #tpu.memory_space<vmem>>, vector<16xf32>,
        %mul3A_935 = arith.constant 16 : i32
        %mul3A_936 = arith.muli %scan3A_930, %mul3A_935 : i32
        %add3A_937 = vector.broadcast %mul3A_936 : i32 to vector<16xi32>
        %add3A_938 = arith.addi %iota3A, %add3A_937 : vector<16xi32>
        %gt3A_939 = arith.cmpf ogt, %get3A_934, %select_n3A_927 : vector<16xf32>
        %select_n3A_940 = arith.select %gt3A_939, %get3A_934, %select_n3A_927 : vector<16xi1>, vector<16xf32>
        %select_n3A_941 = arith.select %gt3A_939, %add3A_938, %select_n3A_928 : vector<16xi1>, vector<16xi32>
        %scan3A_942 = arith.constant 7 : i32
        %scan3A_943 = arith.addi %scan3A_851, %scan3A_942 : i32
        %mul3A_944 = arith.constant 16 : i32
        %mul3A_945 = arith.muli %scan3A_943, %mul3A_944 : i32
        %get3A_946 = arith.index_cast %mul3A_945 : i32 to index
        %get3A_947 = tpu.vector_load %arg7[%get3A_946] {strides = array<i32>} : memref<1024xf32, #tpu.memory_space<vmem>>, vector<16xf32>,
        %mul3A_948 = arith.constant 16 : i32
        %mul3A_949 = arith.muli %scan3A_943, %mul3A_948 : i32
        %add3A_950 = vector.broadcast %mul3A_949 : i32 to vector<16xi32>
        %add3A_951 = arith.addi %iota3A, %add3A_950 : vector<16xi32>
        %gt3A_952 = arith.cmpf ogt, %get3A_947, %select_n3A_940 : vector<16xf32>
        %select_n3A_953 = arith.select %gt3A_952, %get3A_947, %select_n3A_940 : vector<16xi1>, vector<16xf32>
        %select_n3A_954 = arith.select %gt3A_952, %add3A_951, %select_n3A_941 : vector<16xi1>, vector<16xi32>
        scf.yield %select_n3A_953, %select_n3A_954 : vector<16xf32>, vector<16xi32>
      }
      %scan3A_818 = arith.constant 64 : i32
      %reduce_max3A = arith.constant true
      %reduce_max3A_819 = vector.broadcast %reduce_max3A : i1 to vector<16xi1>
      %reduce_max3A_820 = tpu.scan <max>, %scan3A_817#0 masked %reduce_max3A_819 : vector<16xf32>, vector<16xi1> -> vector<16xf32>
      %reduce_max3A_821 = vector.extract %reduce_max3A_820[15] : f32 from vector<16xf32>
      %eq3A_822 = vector.broadcast %reduce_max3A_821 : f32 to vector<16xf32>
      %eq3A_823 = arith.cmpf oeq, %scan3A_817#0, %eq3A_822 : vector<16xf32>
      %jit3A_824 = arith.constant 2147483647 : i32
      %broadcast_in_dim3A_825 = vector.broadcast %jit3A_824 : i32 to vector<16xi32>
      %select_n3A_826 = arith.select %eq3A_823, %scan3A_817#1, %broadcast_in_dim3A_825 : vector<16xi1>, vector<16xi32>
      %reduce_min3A = arith.constant true
      %reduce_min3A_827 = vector.broadcast %reduce_min3A : i1 to vector<16xi1>
      %reduce_min3A_828 = arith.constant -2147483648 : i32
      %reduce_min3A_829 = vector.broadcast %reduce_min3A_828 : i32 to vector<16xi32>
      %reduce_min3A_830 = arith.xori %select_n3A_826, %reduce_min3A_829 : vector<16xi32>
      %reduce_min3A_831 = tpu.scan <min>, %reduce_min3A_830 masked %reduce_min3A_827 : vector<16xi32>, vector<16xi1> -> vector<16xi32>
      %reduce_min3A_832 = arith.xori %reduce_min3A_831, %reduce_min3A_829 : vector<16xi32>
      %reduce_min3A_833 = vector.extract %reduce_min3A_832[15] : i32 from vector<16xi32>
      %eq3A_834 = vector.broadcast %scan3A_806 : i32 to vector<16xi32>
      %eq3A_835 = arith.cmpi eq, %iota3A, %eq3A_834 : vector<16xi32>
      %broadcast_in_dim3A_836 = vector.broadcast %reduce_max3A_821 : f32 to vector<16xf32>
      %select_n3A_837 = arith.select %eq3A_835, %broadcast_in_dim3A_836, %scan3A_807 : vector<16xi1>, vector<16xf32>
      %eq3A_838 = vector.broadcast %scan3A_806 : i32 to vector<16xi32>
      %eq3A_839 = arith.cmpi eq, %iota3A, %eq3A_838 : vector<16xi32>
      %mul3A_840 = arith.constant 1024 : i32
      %mul3A_841 = arith.muli %select_n3A_28, %mul3A_840 : i32
      %add3A_842 = arith.addi %reduce_min3A_833, %mul3A_841 : i32
      %broadcast_in_dim3A_843 = vector.broadcast %add3A_842 : i32 to vector<16xi32>
      %select_n3A_844 = arith.select %eq3A_839, %broadcast_in_dim3A_843, %scan3A_808 : vector<16xi1>, vector<16xi32>
      %broadcast_in_dim3A_845 = vector.broadcast %reduce_min3A_833 : i32 to vector<16xi32>
      %broadcast_in_dim3A_846 = arith.constant 0xFF800000 : f32
      %broadcast_in_dim3A_847 = vector.broadcast %broadcast_in_dim3A_846 : f32 to vector<16xf32>
      %eq3A_848 = arith.constant 0 : i32
      %eq3A_849 = vector.broadcast %eq3A_848 : i32 to vector<16xi32>
      %eq3A_850 = arith.cmpi eq, %iota3A, %eq3A_849 : vector<16xi32>
      tpu.vector_store_idx %arg7[%broadcast_in_dim3A_845], %broadcast_in_dim3A_847 masked %eq3A_850 : memref<1024xf32, #tpu.memory_space<vmem>>[vector<16xi32>], vector<16xf32>, vector<16xi1>
      scf.yield %select_n3A_837, %select_n3A_844 : vector<16xf32>, vector<16xi32>
    }
    %scan3A_40 = arith.constant 10 : i32
    %swap3A = arith.constant 0 : i32
    %swap3A_41 = arith.index_cast %swap3A : i32 to index
    %swap3A_42 = arith.constant 0 : index
    %swap3A_43 = tpu.vector_load %arg13[%swap3A_41, %swap3A_42] {strides = array<i32>} : memref<2x16xf32, #tpu.memory_space<vmem>>, vector<16xf32>,
    tpu.vector_store %arg13[%swap3A_41, %swap3A_42], %scan3A_39#0 {strides = array<i32>} : memref<2x16xf32, #tpu.memory_space<vmem>>, vector<16xf32>,
    %bitcast3A = vector.bitcast %scan3A_39#1 : vector<16xi32> to vector<16xf32>
    %swap3A_44 = arith.constant 1 : i32
    %swap3A_45 = arith.index_cast %swap3A_44 : i32 to index
    %swap3A_46 = arith.constant 0 : index
    %swap3A_47 = tpu.vector_load %arg13[%swap3A_45, %swap3A_46] {strides = array<i32>} : memref<2x16xf32, #tpu.memory_space<vmem>>, vector<16xf32>,
    tpu.vector_store %arg13[%swap3A_45, %swap3A_46], %bitcast3A {strides = array<i32>} : memref<2x16xf32, #tpu.memory_space<vmem>>, vector<16xf32>,
    "tpu.region"() ({
      %run_scoped3A = tpu.sem_alloc : memref<!tpu.dma_semaphore, #tpu.memory_space<semaphore_mem>>
      %dma_start3A_806 = arith.constant 0 : i32
      %dma_start3A_807 = arith.constant 0 : i32
      %dma_start3A_808 = tpu.memref_slice %arg4[%arg0, %arg1, %dma_start3A_806, %dma_start3A_807] : memref<2x16x2x16xf32, #tpu.memory_space<hbm>> -> memref<1x1x2x16xf32, #tpu.memory_space<hbm>>
      %dma_start3A_809 = tpu.memref_squeeze %dma_start3A_808 : memref<1x1x2x16xf32, #tpu.memory_space<hbm>> -> memref<2x16xf32, #tpu.memory_space<hbm>>
      %dma_start3A_810 = arith.constant 0 : i32
      %dma_start3A_811 = arith.constant 0 : i32
      %dma_start3A_812 = tpu.memref_slice %arg4[%arg0, %arg1, %dma_start3A_810, %dma_start3A_811] : memref<2x16x2x16xf32, #tpu.memory_space<hbm>> -> memref<1x1x2x16xf32, #tpu.memory_space<hbm>>
      %dma_start3A_813 = tpu.memref_squeeze %dma_start3A_812 : memref<1x1x2x16xf32, #tpu.memory_space<hbm>> -> memref<2x16xf32, #tpu.memory_space<hbm>>
      tpu.enqueue_dma source(%arg13 : memref<2x16xf32, #tpu.memory_space<vmem>>) target(%dma_start3A_813 : memref<2x16xf32, #tpu.memory_space<hbm>>) target_semaphore(%run_scoped3A : memref<!tpu.dma_semaphore, #tpu.memory_space<semaphore_mem>>)
      %dma_wait3A_814 = arith.constant 0 : i32
      %dma_wait3A_815 = arith.constant 0 : i32
      %dma_wait3A_816 = tpu.memref_slice %arg4[%arg0, %arg1, %dma_wait3A_814, %dma_wait3A_815] : memref<2x16x2x16xf32, #tpu.memory_space<hbm>> -> memref<1x1x2x16xf32, #tpu.memory_space<hbm>>
      %dma_wait3A_817 = tpu.memref_squeeze %dma_wait3A_816 : memref<1x1x2x16xf32, #tpu.memory_space<hbm>> -> memref<2x16xf32, #tpu.memory_space<hbm>>
      %dma_wait3A_818 = arith.constant 0 : i32
      %dma_wait3A_819 = arith.constant 0 : i32
      %dma_wait3A_820 = tpu.memref_slice %arg4[%arg0, %arg1, %dma_wait3A_818, %dma_wait3A_819] : memref<2x16x2x16xf32, #tpu.memory_space<hbm>> -> memref<1x1x2x16xf32, #tpu.memory_space<hbm>>
      %dma_wait3A_821 = tpu.memref_squeeze %dma_wait3A_820 : memref<1x1x2x16xf32, #tpu.memory_space<hbm>> -> memref<2x16xf32, #tpu.memory_space<hbm>>
      tpu.wait_dma2 semaphore(%run_scoped3A : memref<!tpu.dma_semaphore, #tpu.memory_space<semaphore_mem>>) src(%arg13 : memref<2x16xf32, #tpu.memory_space<vmem>>) dst(%dma_wait3A_821 : memref<2x16xf32, #tpu.memory_space<hbm>>)
      tpu.yield
    }) : () -> ()
    %barrier3A = arith.constant 0 : index
    tpu.barrier barrier_id(%barrier3A)
    %mul3A_48 = arith.constant 4 : i32
    %mul3A_49 = arith.muli %mul3A_48, %select_n3A : i32
    "tpu.region"() ({
      %run_scoped3A = tpu.sem_alloc : memref<!tpu.dma_semaphore, #tpu.memory_space<semaphore_mem>>
      %dma_start3A_806 = arith.constant 0 : i32
      %dma_start3A_807 = arith.constant 0 : i32
      %dma_start3A_808 = tpu.memref_slice %arg4[%arg0, %mul3A_49, %dma_start3A_806, %dma_start3A_807] : memref<2x16x2x16xf32, #tpu.memory_space<hbm>> -> memref<1x4x2x16xf32, #tpu.memory_space<hbm>>
      %dma_start3A_809 = tpu.memref_squeeze %dma_start3A_808 : memref<1x4x2x16xf32, #tpu.memory_space<hbm>> -> memref<4x2x16xf32, #tpu.memory_space<hbm>>
      %dma_start3A_810 = arith.constant 0 : i32
      %dma_start3A_811 = arith.constant 0 : i32
      %dma_start3A_812 = tpu.memref_slice %arg4[%arg0, %mul3A_49, %dma_start3A_810, %dma_start3A_811] : memref<2x16x2x16xf32, #tpu.memory_space<hbm>> -> memref<1x4x2x16xf32, #tpu.memory_space<hbm>>
      %dma_start3A_813 = tpu.memref_squeeze %dma_start3A_812 : memref<1x4x2x16xf32, #tpu.memory_space<hbm>> -> memref<4x2x16xf32, #tpu.memory_space<hbm>>
      tpu.enqueue_dma source(%dma_start3A_813 : memref<4x2x16xf32, #tpu.memory_space<hbm>>) target(%arg10 : memref<4x2x16xf32, #tpu.memory_space<vmem>>) target_semaphore(%run_scoped3A : memref<!tpu.dma_semaphore, #tpu.memory_space<semaphore_mem>>)
      %dma_wait3A_814 = arith.constant 0 : i32
      %dma_wait3A_815 = arith.constant 0 : i32
      %dma_wait3A_816 = tpu.memref_slice %arg4[%arg0, %mul3A_49, %dma_wait3A_814, %dma_wait3A_815] : memref<2x16x2x16xf32, #tpu.memory_space<hbm>> -> memref<1x4x2x16xf32, #tpu.memory_space<hbm>>
      %dma_wait3A_817 = tpu.memref_squeeze %dma_wait3A_816 : memref<1x4x2x16xf32, #tpu.memory_space<hbm>> -> memref<4x2x16xf32, #tpu.memory_space<hbm>>
      %dma_wait3A_818 = arith.constant 0 : i32
      %dma_wait3A_819 = arith.constant 0 : i32
      %dma_wait3A_820 = tpu.memref_slice %arg4[%arg0, %mul3A_49, %dma_wait3A_818, %dma_wait3A_819] : memref<2x16x2x16xf32, #tpu.memory_space<hbm>> -> memref<1x4x2x16xf32, #tpu.memory_space<hbm>>
      %dma_wait3A_821 = tpu.memref_squeeze %dma_wait3A_820 : memref<1x4x2x16xf32, #tpu.memory_space<hbm>> -> memref<4x2x16xf32, #tpu.memory_space<hbm>>
      tpu.wait_dma2 semaphore(%run_scoped3A : memref<!tpu.dma_semaphore, #tpu.memory_space<semaphore_mem>>) src(%dma_wait3A_821 : memref<4x2x16xf32, #tpu.memory_space<hbm>>) dst(%arg10 : memref<4x2x16xf32, #tpu.memory_space<vmem>>)
      tpu.yield
    }) : () -> ()
    %get3A = arith.constant 0 : i32
    %get3A_50 = arith.constant 1 : i32
    %get3A_51 = arith.index_cast %get3A : i32 to index
    %get3A_52 = arith.index_cast %get3A_50 : i32 to index
    %get3A_53 = arith.constant 0 : index
    %get3A_54 = tpu.vector_load %arg10[%get3A_51, %get3A_52, %get3A_53] {strides = array<i32>} : memref<4x2x16xf32, #tpu.memory_space<vmem>>, vector<16xf32>,
    %bitcast3A_55 = vector.bitcast %get3A_54 : vector<16xf32> to vector<16xi32>
    %get3A_56 = arith.constant 1 : i32
    %get3A_57 = arith.constant 1 : i32
    %get3A_58 = arith.index_cast %get3A_56 : i32 to index
    %get3A_59 = arith.index_cast %get3A_57 : i32 to index
    %get3A_60 = arith.constant 0 : index
    %get3A_61 = tpu.vector_load %arg10[%get3A_58, %get3A_59, %get3A_60] {strides = array<i32>} : memref<4x2x16xf32, #tpu.memory_space<vmem>>, vector<16xf32>,
    %bitcast3A_62 = vector.bitcast %get3A_61 : vector<16xf32> to vector<16xi32>
    %get3A_63 = arith.constant 2 : i32
    %get3A_64 = arith.constant 1 : i32
    %get3A_65 = arith.index_cast %get3A_63 : i32 to index
    %get3A_66 = arith.index_cast %get3A_64 : i32 to index
    %get3A_67 = arith.constant 0 : index
    %get3A_68 = tpu.vector_load %arg10[%get3A_65, %get3A_66, %get3A_67] {strides = array<i32>} : memref<4x2x16xf32, #tpu.memory_space<vmem>>, vector<16xf32>,
    %bitcast3A_69 = vector.bitcast %get3A_68 : vector<16xf32> to vector<16xi32>
    %get3A_70 = arith.constant 3 : i32
    %get3A_71 = arith.constant 1 : i32
    %get3A_72 = arith.index_cast %get3A_70 : i32 to index
    %get3A_73 = arith.index_cast %get3A_71 : i32 to index
    %get3A_74 = arith.constant 0 : index
    %get3A_75 = tpu.vector_load %arg10[%get3A_72, %get3A_73, %get3A_74] {strides = array<i32>} : memref<4x2x16xf32, #tpu.memory_space<vmem>>, vector<16xf32>,
    %bitcast3A_76 = vector.bitcast %get3A_75 : vector<16xf32> to vector<16xi32>
    %get3A_77 = arith.constant 0 : i32
    %get3A_78 = arith.constant 0 : i32
    %get3A_79 = arith.index_cast %get3A_77 : i32 to index
    %get3A_80 = arith.index_cast %get3A_78 : i32 to index
    %get3A_81 = arith.constant 0 : index
    %get3A_82 = tpu.vector_load %arg10[%get3A_79, %get3A_80, %get3A_81] {strides = array<i32>} : memref<4x2x16xf32, #tpu.memory_space<vmem>>, vector<16xf32>,
    %get3A_83 = arith.constant 1 : i32
    %get3A_84 = arith.constant 0 : i32
    %get3A_85 = arith.index_cast %get3A_83 : i32 to index
    %get3A_86 = arith.index_cast %get3A_84 : i32 to index
    %get3A_87 = arith.constant 0 : index
    %get3A_88 = tpu.vector_load %arg10[%get3A_85, %get3A_86, %get3A_87] {strides = array<i32>} : memref<4x2x16xf32, #tpu.memory_space<vmem>>, vector<16xf32>,
    %get3A_89 = arith.constant 2 : i32
    %get3A_90 = arith.constant 0 : i32
    %get3A_91 = arith.index_cast %get3A_89 : i32 to index
    %get3A_92 = arith.index_cast %get3A_90 : i32 to index
    %get3A_93 = arith.constant 0 : index
    %get3A_94 = tpu.vector_load %arg10[%get3A_91, %get3A_92, %get3A_93] {strides = array<i32>} : memref<4x2x16xf32, #tpu.memory_space<vmem>>, vector<16xf32>,
    %get3A_95 = arith.constant 3 : i32
    %get3A_96 = arith.constant 0 : i32
    %get3A_97 = arith.index_cast %get3A_95 : i32 to index
    %get3A_98 = arith.index_cast %get3A_96 : i32 to index
    %get3A_99 = arith.constant 0 : index
    %get3A_100 = tpu.vector_load %arg10[%get3A_97, %get3A_98, %get3A_99] {strides = array<i32>} : memref<4x2x16xf32, #tpu.memory_space<vmem>>, vector<16xf32>,
    %broadcast_in_dim3A_101 = arith.constant 0 : i32
    %broadcast_in_dim3A_102 = vector.broadcast %broadcast_in_dim3A_101 : i32 to vector<16xi32>
    %scan3A_103 = arith.constant 0 : i32
    %scan3A_104 = arith.constant 10 : i32
    %scan3A_105 = arith.addi %scan3A_103, %scan3A_104 : i32
    %scan3A_106 = arith.constant 1 : i32
    %scan3A_107:5 = scf.for %scan3A_806 = %scan3A_103 to %scan3A_105 step %scan3A_106 iter_args(%scan3A_807 = %get3A_82, %scan3A_808 = %get3A_88, %scan3A_809 = %get3A_94, %scan3A_810 = %get3A_100, %scan3A_811 = %broadcast_in_dim3A_102) -> (vector<16xf32>, vector<16xf32>, vector<16xf32>, vector<16xf32>, vector<16xi32>)  : i32 {
      %gt3A = arith.cmpf ogt, %scan3A_807, %scan3A_808 : vector<16xf32>
      %eq3A_812 = arith.cmpf oeq, %scan3A_807, %scan3A_808 : vector<16xf32>
      %lt3A_813 = arith.cmpi slt, %bitcast3A_55, %bitcast3A_62 : vector<16xi32>
      %and3A_814 = arith.andi %eq3A_812, %lt3A_813 : vector<16xi1>
      %or3A = arith.ori %gt3A, %and3A_814 : vector<16xi1>
      %select_n3A_815 = arith.select %or3A, %scan3A_807, %scan3A_808 : vector<16xi1>, vector<16xf32>
      %select_n3A_816 = arith.select %or3A, %bitcast3A_55, %bitcast3A_62 : vector<16xi1>, vector<16xi32>
      %gt3A_817 = arith.cmpf ogt, %scan3A_809, %scan3A_810 : vector<16xf32>
      %eq3A_818 = arith.cmpf oeq, %scan3A_809, %scan3A_810 : vector<16xf32>
      %lt3A_819 = arith.cmpi slt, %bitcast3A_69, %bitcast3A_76 : vector<16xi32>
      %and3A_820 = arith.andi %eq3A_818, %lt3A_819 : vector<16xi1>
      %or3A_821 = arith.ori %gt3A_817, %and3A_820 : vector<16xi1>
      %select_n3A_822 = arith.select %or3A_821, %scan3A_809, %scan3A_810 : vector<16xi1>, vector<16xf32>
      %select_n3A_823 = arith.select %or3A_821, %bitcast3A_69, %bitcast3A_76 : vector<16xi1>, vector<16xi32>
      %gt3A_824 = arith.cmpf ogt, %select_n3A_815, %select_n3A_822 : vector<16xf32>
      %eq3A_825 = arith.cmpf oeq, %select_n3A_815, %select_n3A_822 : vector<16xf32>
      %lt3A_826 = arith.cmpi slt, %select_n3A_816, %select_n3A_823 : vector<16xi32>
      %and3A_827 = arith.andi %eq3A_825, %lt3A_826 : vector<16xi1>
      %or3A_828 = arith.ori %gt3A_824, %and3A_827 : vector<16xi1>
      %select_n3A_829 = arith.select %or3A_828, %select_n3A_815, %select_n3A_822 : vector<16xi1>, vector<16xf32>
      %select_n3A_830 = arith.select %or3A_828, %select_n3A_816, %select_n3A_823 : vector<16xi1>, vector<16xi32>
      %reduce_max3A = arith.constant true
      %reduce_max3A_831 = vector.broadcast %reduce_max3A : i1 to vector<16xi1>
      %reduce_max3A_832 = tpu.scan <max>, %select_n3A_829 masked %reduce_max3A_831 : vector<16xf32>, vector<16xi1> -> vector<16xf32>
      %reduce_max3A_833 = vector.extract %reduce_max3A_832[15] : f32 from vector<16xf32>
      %eq3A_834 = vector.broadcast %reduce_max3A_833 : f32 to vector<16xf32>
      %eq3A_835 = arith.cmpf oeq, %select_n3A_829, %eq3A_834 : vector<16xf32>
      %jit3A_836 = arith.constant 2147483647 : i32
      %broadcast_in_dim3A_837 = vector.broadcast %jit3A_836 : i32 to vector<16xi32>
      %select_n3A_838 = arith.select %eq3A_835, %select_n3A_830, %broadcast_in_dim3A_837 : vector<16xi1>, vector<16xi32>
      %reduce_min3A = arith.constant true
      %reduce_min3A_839 = vector.broadcast %reduce_min3A : i1 to vector<16xi1>
      %reduce_min3A_840 = arith.constant -2147483648 : i32
      %reduce_min3A_841 = vector.broadcast %reduce_min3A_840 : i32 to vector<16xi32>
      %reduce_min3A_842 = arith.xori %select_n3A_838, %reduce_min3A_841 : vector<16xi32>
      %reduce_min3A_843 = tpu.scan <min>, %reduce_min3A_842 masked %reduce_min3A_839 : vector<16xi32>, vector<16xi1> -> vector<16xi32>
      %reduce_min3A_844 = arith.xori %reduce_min3A_843, %reduce_min3A_841 : vector<16xi32>
      %reduce_min3A_845 = vector.extract %reduce_min3A_844[15] : i32 from vector<16xi32>
      %eq3A_846 = vector.broadcast %scan3A_806 : i32 to vector<16xi32>
      %eq3A_847 = arith.cmpi eq, %iota3A, %eq3A_846 : vector<16xi32>
      %broadcast_in_dim3A_848 = vector.broadcast %reduce_min3A_845 : i32 to vector<16xi32>
      %select_n3A_849 = arith.select %eq3A_847, %broadcast_in_dim3A_848, %scan3A_811 : vector<16xi1>, vector<16xi32>
      %broadcast_in_dim3A_850 = vector.broadcast %reduce_min3A_845 : i32 to vector<16xi32>
      %eq3A_851 = arith.cmpi eq, %bitcast3A_55, %broadcast_in_dim3A_850 : vector<16xi32>
      %jit3A_852 = arith.constant 0xFF800000 : f32
      %broadcast_in_dim3A_853 = vector.broadcast %jit3A_852 : f32 to vector<16xf32>
      %select_n3A_854 = arith.select %eq3A_851, %broadcast_in_dim3A_853, %scan3A_807 : vector<16xi1>, vector<16xf32>
      %eq3A_855 = arith.cmpi eq, %bitcast3A_62, %broadcast_in_dim3A_850 : vector<16xi32>
      %jit3A_856 = arith.constant 0xFF800000 : f32
      %broadcast_in_dim3A_857 = vector.broadcast %jit3A_856 : f32 to vector<16xf32>
      %select_n3A_858 = arith.select %eq3A_855, %broadcast_in_dim3A_857, %scan3A_808 : vector<16xi1>, vector<16xf32>
      %eq3A_859 = arith.cmpi eq, %bitcast3A_69, %broadcast_in_dim3A_850 : vector<16xi32>
      %jit3A_860 = arith.constant 0xFF800000 : f32
      %broadcast_in_dim3A_861 = vector.broadcast %jit3A_860 : f32 to vector<16xf32>
      %select_n3A_862 = arith.select %eq3A_859, %broadcast_in_dim3A_861, %scan3A_809 : vector<16xi1>, vector<16xf32>
      %eq3A_863 = arith.cmpi eq, %bitcast3A_76, %broadcast_in_dim3A_850 : vector<16xi32>
      %jit3A_864 = arith.constant 0xFF800000 : f32
      %broadcast_in_dim3A_865 = vector.broadcast %jit3A_864 : f32 to vector<16xf32>
      %select_n3A_866 = arith.select %eq3A_863, %broadcast_in_dim3A_865, %scan3A_810 : vector<16xi1>, vector<16xf32>
      scf.yield %select_n3A_854, %select_n3A_858, %select_n3A_862, %select_n3A_866, %select_n3A_849 : vector<16xf32>, vector<16xf32>, vector<16xf32>, vector<16xf32>, vector<16xi32>
    }
    %scan3A_108 = arith.constant 10 : i32
    %lt3A_109 = arith.constant 10 : i32
    %lt3A_110 = vector.broadcast %lt3A_109 : i32 to vector<16xi32>
    %lt3A_111 = arith.cmpi slt, %iota3A, %lt3A_110 : vector<16xi32>
    %jit3A_112 = arith.constant 0 : i32
    %broadcast_in_dim3A_113 = vector.broadcast %jit3A_112 : i32 to vector<16xi32>
    %select_n3A_114 = arith.select %lt3A_111, %scan3A_107#4, %broadcast_in_dim3A_113 : vector<16xi1>, vector<16xi32>
    %mul3A_115 = arith.constant 4096 : i32
    %mul3A_116 = arith.muli %add3A_30, %mul3A_115 : i32
    %add3A_117 = vector.broadcast %mul3A_116 : i32 to vector<16xi32>
    %add3A_118 = arith.addi %select_n3A_114, %add3A_117 : vector<16xi32>
    %swap3A_119 = arith.constant 0 : index
    %swap3A_120 = tpu.vector_load %arg8[%swap3A_119] {strides = array<i32>} : memref<16xi32, #tpu.memory_space<vmem>>, vector<16xi32>,
    tpu.vector_store %arg8[%swap3A_119], %add3A_118 {strides = array<i32>} : memref<16xi32, #tpu.memory_space<vmem>>, vector<16xi32>,
    %mul3A_121 = arith.constant 512 : i32
    %mul3A_122 = arith.muli %select_n3A_28, %mul3A_121 : i32
    %dma_start3A = arith.constant 0 : i32
    %dma_start3A_123 = tpu.memref_slice %arg2[%dma_start3A, %mul3A_122] : memref<32768x2048xf32, #tpu.memory_space<hbm>> -> memref<32768x512xf32, #tpu.memory_space<hbm>>
    tpu.enqueue_indirect_dma source(%dma_start3A_123 : memref<32768x512xf32, #tpu.memory_space<hbm>>) target(%arg9 : memref<16x512xf32, #tpu.memory_space<vmem>>) offsets(%arg8 : memref<16xi32, #tpu.memory_space<vmem>>) semaphore(%arg16 : memref<!tpu.dma_semaphore, #tpu.memory_space<semaphore_mem>>)
    %dma_wait3A = arith.constant 0 : i32
    %dma_wait3A_124 = tpu.memref_slice %arg2[%dma_wait3A, %mul3A_122] : memref<32768x2048xf32, #tpu.memory_space<hbm>> -> memref<32768x512xf32, #tpu.memory_space<hbm>>
    tpu.wait_indirect_dma semaphore(%arg16 : memref<!tpu.dma_semaphore, #tpu.memory_space<semaphore_mem>>) src(%dma_wait3A_124 : memref<32768x512xf32, #tpu.memory_space<hbm>>) dst(%arg9 : memref<16x512xf32, #tpu.memory_space<vmem>>)
    %broadcast_in_dim3A_125 = arith.constant 0.000000e+00 : f32
    %broadcast_in_dim3A_126 = vector.broadcast %broadcast_in_dim3A_125 : f32 to vector<16xf32>
    %broadcast_in_dim3A_127 = arith.constant 0.000000e+00 : f32
    %broadcast_in_dim3A_128 = vector.broadcast %broadcast_in_dim3A_127 : f32 to vector<16xf32>
    %broadcast_in_dim3A_129 = arith.constant 0.000000e+00 : f32
    %broadcast_in_dim3A_130 = vector.broadcast %broadcast_in_dim3A_129 : f32 to vector<16xf32>
    %broadcast_in_dim3A_131 = arith.constant 0.000000e+00 : f32
    %broadcast_in_dim3A_132 = vector.broadcast %broadcast_in_dim3A_131 : f32 to vector<16xf32>
    %broadcast_in_dim3A_133 = arith.constant 0.000000e+00 : f32
    %broadcast_in_dim3A_134 = vector.broadcast %broadcast_in_dim3A_133 : f32 to vector<16xf32>
    %broadcast_in_dim3A_135 = arith.constant 0.000000e+00 : f32
    %broadcast_in_dim3A_136 = vector.broadcast %broadcast_in_dim3A_135 : f32 to vector<16xf32>
    %broadcast_in_dim3A_137 = arith.constant 0.000000e+00 : f32
    %broadcast_in_dim3A_138 = vector.broadcast %broadcast_in_dim3A_137 : f32 to vector<16xf32>
    %broadcast_in_dim3A_139 = arith.constant 0.000000e+00 : f32
    %broadcast_in_dim3A_140 = vector.broadcast %broadcast_in_dim3A_139 : f32 to vector<16xf32>
    %broadcast_in_dim3A_141 = arith.constant 0.000000e+00 : f32
    %broadcast_in_dim3A_142 = vector.broadcast %broadcast_in_dim3A_141 : f32 to vector<16xf32>
    %broadcast_in_dim3A_143 = arith.constant 0.000000e+00 : f32
    %broadcast_in_dim3A_144 = vector.broadcast %broadcast_in_dim3A_143 : f32 to vector<16xf32>
    %broadcast_in_dim3A_145 = arith.constant 0.000000e+00 : f32
    %broadcast_in_dim3A_146 = vector.broadcast %broadcast_in_dim3A_145 : f32 to vector<16xf32>
    %broadcast_in_dim3A_147 = arith.constant 0.000000e+00 : f32
    %broadcast_in_dim3A_148 = vector.broadcast %broadcast_in_dim3A_147 : f32 to vector<16xf32>
    %broadcast_in_dim3A_149 = arith.constant 0.000000e+00 : f32
    %broadcast_in_dim3A_150 = vector.broadcast %broadcast_in_dim3A_149 : f32 to vector<16xf32>
    %broadcast_in_dim3A_151 = arith.constant 0.000000e+00 : f32
    %broadcast_in_dim3A_152 = vector.broadcast %broadcast_in_dim3A_151 : f32 to vector<16xf32>
    %broadcast_in_dim3A_153 = arith.constant 0.000000e+00 : f32
    %broadcast_in_dim3A_154 = vector.broadcast %broadcast_in_dim3A_153 : f32 to vector<16xf32>
    %broadcast_in_dim3A_155 = arith.constant 0.000000e+00 : f32
    %broadcast_in_dim3A_156 = vector.broadcast %broadcast_in_dim3A_155 : f32 to vector<16xf32>
    %broadcast_in_dim3A_157 = arith.constant 0.000000e+00 : f32
    %broadcast_in_dim3A_158 = vector.broadcast %broadcast_in_dim3A_157 : f32 to vector<16xf32>
    %broadcast_in_dim3A_159 = arith.constant 0.000000e+00 : f32
    %broadcast_in_dim3A_160 = vector.broadcast %broadcast_in_dim3A_159 : f32 to vector<16xf32>
    %broadcast_in_dim3A_161 = arith.constant 0.000000e+00 : f32
    %broadcast_in_dim3A_162 = vector.broadcast %broadcast_in_dim3A_161 : f32 to vector<16xf32>
    %scan3A_163 = arith.constant 0 : i32
    %scan3A_164 = arith.constant 32 : i32
    %scan3A_165 = arith.addi %scan3A_163, %scan3A_164 : i32
    %scan3A_166 = arith.constant 2 : i32
    %scan3A_167:19 = scf.for %scan3A_806 = %scan3A_163 to %scan3A_165 step %scan3A_166 iter_args(%scan3A_807 = %broadcast_in_dim3A_126, %scan3A_808 = %broadcast_in_dim3A_128, %scan3A_809 = %broadcast_in_dim3A_130, %scan3A_810 = %broadcast_in_dim3A_132, %scan3A_811 = %broadcast_in_dim3A_134, %scan3A_812 = %broadcast_in_dim3A_136, %scan3A_813 = %broadcast_in_dim3A_138, %scan3A_814 = %broadcast_in_dim3A_140, %scan3A_815 = %broadcast_in_dim3A_142, %scan3A_816 = %broadcast_in_dim3A_144, %scan3A_817 = %broadcast_in_dim3A_146, %scan3A_818 = %broadcast_in_dim3A_148, %scan3A_819 = %broadcast_in_dim3A_150, %scan3A_820 = %broadcast_in_dim3A_152, %scan3A_821 = %broadcast_in_dim3A_154, %scan3A_822 = %broadcast_in_dim3A_156, %scan3A_823 = %broadcast_in_dim3A_158, %scan3A_824 = %broadcast_in_dim3A_160, %scan3A_825 = %broadcast_in_dim3A_162) -> (vector<16xf32>, vector<16xf32>, vector<16xf32>, vector<16xf32>, vector<16xf32>, vector<16xf32>, vector<16xf32>, vector<16xf32>, vector<16xf32>, vector<16xf32>, vector<16xf32>, vector<16xf32>, vector<16xf32>, vector<16xf32>, vector<16xf32>, vector<16xf32>, vector<16xf32>, vector<16xf32>, vector<16xf32>)  : i32 {
      %mul3A_826 = arith.constant 16 : i32
      %mul3A_827 = arith.muli %scan3A_806, %mul3A_826 : i32
      %get3A_828 = arith.constant 0 : i32
      %get3A_829 = arith.index_cast %get3A_828 : i32 to index
      %get3A_830 = arith.index_cast %mul3A_827 : i32 to index
      %get3A_831 = tpu.vector_load %arg9[%get3A_829, %get3A_830] {strides = array<i32>} : memref<16x512xf32, #tpu.memory_space<vmem>>, vector<16xf32>,
      %get3A_832 = arith.constant 1 : i32
      %get3A_833 = arith.index_cast %get3A_832 : i32 to index
      %get3A_834 = arith.index_cast %mul3A_827 : i32 to index
      %get3A_835 = tpu.vector_load %arg9[%get3A_833, %get3A_834] {strides = array<i32>} : memref<16x512xf32, #tpu.memory_space<vmem>>, vector<16xf32>,
      %get3A_836 = arith.constant 2 : i32
      %get3A_837 = arith.index_cast %get3A_836 : i32 to index
      %get3A_838 = arith.index_cast %mul3A_827 : i32 to index
      %get3A_839 = tpu.vector_load %arg9[%get3A_837, %get3A_838] {strides = array<i32>} : memref<16x512xf32, #tpu.memory_space<vmem>>, vector<16xf32>,
      %get3A_840 = arith.constant 3 : i32
      %get3A_841 = arith.index_cast %get3A_840 : i32 to index
      %get3A_842 = arith.index_cast %mul3A_827 : i32 to index
      %get3A_843 = tpu.vector_load %arg9[%get3A_841, %get3A_842] {strides = array<i32>} : memref<16x512xf32, #tpu.memory_space<vmem>>, vector<16xf32>,
      %get3A_844 = arith.constant 4 : i32
      %get3A_845 = arith.index_cast %get3A_844 : i32 to index
      %get3A_846 = arith.index_cast %mul3A_827 : i32 to index
      %get3A_847 = tpu.vector_load %arg9[%get3A_845, %get3A_846] {strides = array<i32>} : memref<16x512xf32, #tpu.memory_space<vmem>>, vector<16xf32>,
      %get3A_848 = arith.constant 5 : i32
      %get3A_849 = arith.index_cast %get3A_848 : i32 to index
      %get3A_850 = arith.index_cast %mul3A_827 : i32 to index
      %get3A_851 = tpu.vector_load %arg9[%get3A_849, %get3A_850] {strides = array<i32>} : memref<16x512xf32, #tpu.memory_space<vmem>>, vector<16xf32>,
      %get3A_852 = arith.constant 6 : i32
      %get3A_853 = arith.index_cast %get3A_852 : i32 to index
      %get3A_854 = arith.index_cast %mul3A_827 : i32 to index
      %get3A_855 = tpu.vector_load %arg9[%get3A_853, %get3A_854] {strides = array<i32>} : memref<16x512xf32, #tpu.memory_space<vmem>>, vector<16xf32>,
      %get3A_856 = arith.constant 7 : i32
      %get3A_857 = arith.index_cast %get3A_856 : i32 to index
      %get3A_858 = arith.index_cast %mul3A_827 : i32 to index
      %get3A_859 = tpu.vector_load %arg9[%get3A_857, %get3A_858] {strides = array<i32>} : memref<16x512xf32, #tpu.memory_space<vmem>>, vector<16xf32>,
      %get3A_860 = arith.constant 8 : i32
      %get3A_861 = arith.index_cast %get3A_860 : i32 to index
      %get3A_862 = arith.index_cast %mul3A_827 : i32 to index
      %get3A_863 = tpu.vector_load %arg9[%get3A_861, %get3A_862] {strides = array<i32>} : memref<16x512xf32, #tpu.memory_space<vmem>>, vector<16xf32>,
      %get3A_864 = arith.constant 9 : i32
      %get3A_865 = arith.index_cast %get3A_864 : i32 to index
      %get3A_866 = arith.index_cast %mul3A_827 : i32 to index
      %get3A_867 = tpu.vector_load %arg9[%get3A_865, %get3A_866] {strides = array<i32>} : memref<16x512xf32, #tpu.memory_space<vmem>>, vector<16xf32>,
      %mul3A_868 = arith.mulf %get3A_831, %get3A_831 : vector<16xf32>
      %add3A_869 = arith.addf %scan3A_807, %mul3A_868 : vector<16xf32>
      %mul3A_870 = arith.mulf %get3A_831, %get3A_835 : vector<16xf32>
      %add3A_871 = arith.addf %scan3A_808, %mul3A_870 : vector<16xf32>
      %mul3A_872 = arith.mulf %get3A_831, %get3A_839 : vector<16xf32>
      %add3A_873 = arith.addf %scan3A_809, %mul3A_872 : vector<16xf32>
      %mul3A_874 = arith.mulf %get3A_831, %get3A_843 : vector<16xf32>
      %add3A_875 = arith.addf %scan3A_810, %mul3A_874 : vector<16xf32>
      %mul3A_876 = arith.mulf %get3A_831, %get3A_847 : vector<16xf32>
      %add3A_877 = arith.addf %scan3A_811, %mul3A_876 : vector<16xf32>
      %mul3A_878 = arith.mulf %get3A_831, %get3A_851 : vector<16xf32>
      %add3A_879 = arith.addf %scan3A_812, %mul3A_878 : vector<16xf32>
      %mul3A_880 = arith.mulf %get3A_831, %get3A_855 : vector<16xf32>
      %add3A_881 = arith.addf %scan3A_813, %mul3A_880 : vector<16xf32>
      %mul3A_882 = arith.mulf %get3A_831, %get3A_859 : vector<16xf32>
      %add3A_883 = arith.addf %scan3A_814, %mul3A_882 : vector<16xf32>
      %mul3A_884 = arith.mulf %get3A_831, %get3A_863 : vector<16xf32>
      %add3A_885 = arith.addf %scan3A_815, %mul3A_884 : vector<16xf32>
      %mul3A_886 = arith.mulf %get3A_831, %get3A_867 : vector<16xf32>
      %add3A_887 = arith.addf %scan3A_816, %mul3A_886 : vector<16xf32>
      %mul3A_888 = arith.mulf %get3A_835, %get3A_835 : vector<16xf32>
      %add3A_889 = arith.addf %scan3A_817, %mul3A_888 : vector<16xf32>
      %mul3A_890 = arith.mulf %get3A_835, %get3A_839 : vector<16xf32>
      %add3A_891 = arith.addf %scan3A_818, %mul3A_890 : vector<16xf32>
      %mul3A_892 = arith.mulf %get3A_835, %get3A_843 : vector<16xf32>
      %add3A_893 = arith.addf %scan3A_819, %mul3A_892 : vector<16xf32>
      %mul3A_894 = arith.mulf %get3A_835, %get3A_847 : vector<16xf32>
      %add3A_895 = arith.addf %scan3A_820, %mul3A_894 : vector<16xf32>
      %mul3A_896 = arith.mulf %get3A_835, %get3A_851 : vector<16xf32>
      %add3A_897 = arith.addf %scan3A_821, %mul3A_896 : vector<16xf32>
      %mul3A_898 = arith.mulf %get3A_835, %get3A_855 : vector<16xf32>
      %add3A_899 = arith.addf %scan3A_822, %mul3A_898 : vector<16xf32>
      %mul3A_900 = arith.mulf %get3A_835, %get3A_859 : vector<16xf32>
      %add3A_901 = arith.addf %scan3A_823, %mul3A_900 : vector<16xf32>
      %mul3A_902 = arith.mulf %get3A_835, %get3A_863 : vector<16xf32>
      %add3A_903 = arith.addf %scan3A_824, %mul3A_902 : vector<16xf32>
      %mul3A_904 = arith.mulf %get3A_835, %get3A_867 : vector<16xf32>
      %add3A_905 = arith.addf %scan3A_825, %mul3A_904 : vector<16xf32>
      %scan3A_906 = arith.constant 1 : i32
      %scan3A_907 = arith.addi %scan3A_806, %scan3A_906 : i32
      %mul3A_908 = arith.constant 16 : i32
      %mul3A_909 = arith.muli %scan3A_907, %mul3A_908 : i32
      %get3A_910 = arith.constant 0 : i32
      %get3A_911 = arith.index_cast %get3A_910 : i32 to index
      %get3A_912 = arith.index_cast %mul3A_909 : i32 to index
      %get3A_913 = tpu.vector_load %arg9[%get3A_911, %get3A_912] {strides = array<i32>} : memref<16x512xf32, #tpu.memory_space<vmem>>, vector<16xf32>,
      %get3A_914 = arith.constant 1 : i32
      %get3A_915 = arith.index_cast %get3A_914 : i32 to index
      %get3A_916 = arith.index_cast %mul3A_909 : i32 to index
      %get3A_917 = tpu.vector_load %arg9[%get3A_915, %get3A_916] {strides = array<i32>} : memref<16x512xf32, #tpu.memory_space<vmem>>, vector<16xf32>,
      %get3A_918 = arith.constant 2 : i32
      %get3A_919 = arith.index_cast %get3A_918 : i32 to index
      %get3A_920 = arith.index_cast %mul3A_909 : i32 to index
      %get3A_921 = tpu.vector_load %arg9[%get3A_919, %get3A_920] {strides = array<i32>} : memref<16x512xf32, #tpu.memory_space<vmem>>, vector<16xf32>,
      %get3A_922 = arith.constant 3 : i32
      %get3A_923 = arith.index_cast %get3A_922 : i32 to index
      %get3A_924 = arith.index_cast %mul3A_909 : i32 to index
      %get3A_925 = tpu.vector_load %arg9[%get3A_923, %get3A_924] {strides = array<i32>} : memref<16x512xf32, #tpu.memory_space<vmem>>, vector<16xf32>,
      %get3A_926 = arith.constant 4 : i32
      %get3A_927 = arith.index_cast %get3A_926 : i32 to index
      %get3A_928 = arith.index_cast %mul3A_909 : i32 to index
      %get3A_929 = tpu.vector_load %arg9[%get3A_927, %get3A_928] {strides = array<i32>} : memref<16x512xf32, #tpu.memory_space<vmem>>, vector<16xf32>,
      %get3A_930 = arith.constant 5 : i32
      %get3A_931 = arith.index_cast %get3A_930 : i32 to index
      %get3A_932 = arith.index_cast %mul3A_909 : i32 to index
      %get3A_933 = tpu.vector_load %arg9[%get3A_931, %get3A_932] {strides = array<i32>} : memref<16x512xf32, #tpu.memory_space<vmem>>, vector<16xf32>,
      %get3A_934 = arith.constant 6 : i32
      %get3A_935 = arith.index_cast %get3A_934 : i32 to index
      %get3A_936 = arith.index_cast %mul3A_909 : i32 to index
      %get3A_937 = tpu.vector_load %arg9[%get3A_935, %get3A_936] {strides = array<i32>} : memref<16x512xf32, #tpu.memory_space<vmem>>, vector<16xf32>,
      %get3A_938 = arith.constant 7 : i32
      %get3A_939 = arith.index_cast %get3A_938 : i32 to index
      %get3A_940 = arith.index_cast %mul3A_909 : i32 to index
      %get3A_941 = tpu.vector_load %arg9[%get3A_939, %get3A_940] {strides = array<i32>} : memref<16x512xf32, #tpu.memory_space<vmem>>, vector<16xf32>,
      %get3A_942 = arith.constant 8 : i32
      %get3A_943 = arith.index_cast %get3A_942 : i32 to index
      %get3A_944 = arith.index_cast %mul3A_909 : i32 to index
      %get3A_945 = tpu.vector_load %arg9[%get3A_943, %get3A_944] {strides = array<i32>} : memref<16x512xf32, #tpu.memory_space<vmem>>, vector<16xf32>,
      %get3A_946 = arith.constant 9 : i32
      %get3A_947 = arith.index_cast %get3A_946 : i32 to index
      %get3A_948 = arith.index_cast %mul3A_909 : i32 to index
      %get3A_949 = tpu.vector_load %arg9[%get3A_947, %get3A_948] {strides = array<i32>} : memref<16x512xf32, #tpu.memory_space<vmem>>, vector<16xf32>,
      %mul3A_950 = arith.mulf %get3A_913, %get3A_913 : vector<16xf32>
      %add3A_951 = arith.addf %add3A_869, %mul3A_950 : vector<16xf32>
      %mul3A_952 = arith.mulf %get3A_913, %get3A_917 : vector<16xf32>
      %add3A_953 = arith.addf %add3A_871, %mul3A_952 : vector<16xf32>
      %mul3A_954 = arith.mulf %get3A_913, %get3A_921 : vector<16xf32>
      %add3A_955 = arith.addf %add3A_873, %mul3A_954 : vector<16xf32>
      %mul3A_956 = arith.mulf %get3A_913, %get3A_925 : vector<16xf32>
      %add3A_957 = arith.addf %add3A_875, %mul3A_956 : vector<16xf32>
      %mul3A_958 = arith.mulf %get3A_913, %get3A_929 : vector<16xf32>
      %add3A_959 = arith.addf %add3A_877, %mul3A_958 : vector<16xf32>
      %mul3A_960 = arith.mulf %get3A_913, %get3A_933 : vector<16xf32>
      %add3A_961 = arith.addf %add3A_879, %mul3A_960 : vector<16xf32>
      %mul3A_962 = arith.mulf %get3A_913, %get3A_937 : vector<16xf32>
      %add3A_963 = arith.addf %add3A_881, %mul3A_962 : vector<16xf32>
      %mul3A_964 = arith.mulf %get3A_913, %get3A_941 : vector<16xf32>
      %add3A_965 = arith.addf %add3A_883, %mul3A_964 : vector<16xf32>
      %mul3A_966 = arith.mulf %get3A_913, %get3A_945 : vector<16xf32>
      %add3A_967 = arith.addf %add3A_885, %mul3A_966 : vector<16xf32>
      %mul3A_968 = arith.mulf %get3A_913, %get3A_949 : vector<16xf32>
      %add3A_969 = arith.addf %add3A_887, %mul3A_968 : vector<16xf32>
      %mul3A_970 = arith.mulf %get3A_917, %get3A_917 : vector<16xf32>
      %add3A_971 = arith.addf %add3A_889, %mul3A_970 : vector<16xf32>
      %mul3A_972 = arith.mulf %get3A_917, %get3A_921 : vector<16xf32>
      %add3A_973 = arith.addf %add3A_891, %mul3A_972 : vector<16xf32>
      %mul3A_974 = arith.mulf %get3A_917, %get3A_925 : vector<16xf32>
      %add3A_975 = arith.addf %add3A_893, %mul3A_974 : vector<16xf32>
      %mul3A_976 = arith.mulf %get3A_917, %get3A_929 : vector<16xf32>
      %add3A_977 = arith.addf %add3A_895, %mul3A_976 : vector<16xf32>
      %mul3A_978 = arith.mulf %get3A_917, %get3A_933 : vector<16xf32>
      %add3A_979 = arith.addf %add3A_897, %mul3A_978 : vector<16xf32>
      %mul3A_980 = arith.mulf %get3A_917, %get3A_937 : vector<16xf32>
      %add3A_981 = arith.addf %add3A_899, %mul3A_980 : vector<16xf32>
      %mul3A_982 = arith.mulf %get3A_917, %get3A_941 : vector<16xf32>
      %add3A_983 = arith.addf %add3A_901, %mul3A_982 : vector<16xf32>
      %mul3A_984 = arith.mulf %get3A_917, %get3A_945 : vector<16xf32>
      %add3A_985 = arith.addf %add3A_903, %mul3A_984 : vector<16xf32>
      %mul3A_986 = arith.mulf %get3A_917, %get3A_949 : vector<16xf32>
      %add3A_987 = arith.addf %add3A_905, %mul3A_986 : vector<16xf32>
      scf.yield %add3A_951, %add3A_953, %add3A_955, %add3A_957, %add3A_959, %add3A_961, %add3A_963, %add3A_965, %add3A_967, %add3A_969, %add3A_971, %add3A_973, %add3A_975, %add3A_977, %add3A_979, %add3A_981, %add3A_983, %add3A_985, %add3A_987 : vector<16xf32>, vector<16xf32>, vector<16xf32>, vector<16xf32>, vector<16xf32>, vector<16xf32>, vector<16xf32>, vector<16xf32>, vector<16xf32>, vector<16xf32>, vector<16xf32>, vector<16xf32>, vector<16xf32>, vector<16xf32>, vector<16xf32>, vector<16xf32>, vector<16xf32>, vector<16xf32>, vector<16xf32>
    }
    %scan3A_168 = arith.constant 32 : i32
    %broadcast_in_dim3A_169 = arith.constant 0.000000e+00 : f32
    %broadcast_in_dim3A_170 = vector.broadcast %broadcast_in_dim3A_169 : f32 to vector<16xf32>
    %broadcast_in_dim3A_171 = arith.constant 0.000000e+00 : f32
    %broadcast_in_dim3A_172 = vector.broadcast %broadcast_in_dim3A_171 : f32 to vector<16xf32>
    %broadcast_in_dim3A_173 = arith.constant 0.000000e+00 : f32
    %broadcast_in_dim3A_174 = vector.broadcast %broadcast_in_dim3A_173 : f32 to vector<16xf32>
    %broadcast_in_dim3A_175 = arith.constant 0.000000e+00 : f32
    %broadcast_in_dim3A_176 = vector.broadcast %broadcast_in_dim3A_175 : f32 to vector<16xf32>
    %broadcast_in_dim3A_177 = arith.constant 0.000000e+00 : f32
    %broadcast_in_dim3A_178 = vector.broadcast %broadcast_in_dim3A_177 : f32 to vector<16xf32>
    %broadcast_in_dim3A_179 = arith.constant 0.000000e+00 : f32
    %broadcast_in_dim3A_180 = vector.broadcast %broadcast_in_dim3A_179 : f32 to vector<16xf32>
    %broadcast_in_dim3A_181 = arith.constant 0.000000e+00 : f32
    %broadcast_in_dim3A_182 = vector.broadcast %broadcast_in_dim3A_181 : f32 to vector<16xf32>
    %broadcast_in_dim3A_183 = arith.constant 0.000000e+00 : f32
    %broadcast_in_dim3A_184 = vector.broadcast %broadcast_in_dim3A_183 : f32 to vector<16xf32>
    %broadcast_in_dim3A_185 = arith.constant 0.000000e+00 : f32
    %broadcast_in_dim3A_186 = vector.broadcast %broadcast_in_dim3A_185 : f32 to vector<16xf32>
    %broadcast_in_dim3A_187 = arith.constant 0.000000e+00 : f32
    %broadcast_in_dim3A_188 = vector.broadcast %broadcast_in_dim3A_187 : f32 to vector<16xf32>
    %broadcast_in_dim3A_189 = arith.constant 0.000000e+00 : f32
    %broadcast_in_dim3A_190 = vector.broadcast %broadcast_in_dim3A_189 : f32 to vector<16xf32>
    %broadcast_in_dim3A_191 = arith.constant 0.000000e+00 : f32
    %broadcast_in_dim3A_192 = vector.broadcast %broadcast_in_dim3A_191 : f32 to vector<16xf32>
    %broadcast_in_dim3A_193 = arith.constant 0.000000e+00 : f32
    %broadcast_in_dim3A_194 = vector.broadcast %broadcast_in_dim3A_193 : f32 to vector<16xf32>
    %broadcast_in_dim3A_195 = arith.constant 0.000000e+00 : f32
    %broadcast_in_dim3A_196 = vector.broadcast %broadcast_in_dim3A_195 : f32 to vector<16xf32>
    %broadcast_in_dim3A_197 = arith.constant 0.000000e+00 : f32
    %broadcast_in_dim3A_198 = vector.broadcast %broadcast_in_dim3A_197 : f32 to vector<16xf32>
    %broadcast_in_dim3A_199 = arith.constant 0.000000e+00 : f32
    %broadcast_in_dim3A_200 = vector.broadcast %broadcast_in_dim3A_199 : f32 to vector<16xf32>
    %broadcast_in_dim3A_201 = arith.constant 0.000000e+00 : f32
    %broadcast_in_dim3A_202 = vector.broadcast %broadcast_in_dim3A_201 : f32 to vector<16xf32>
    %broadcast_in_dim3A_203 = arith.constant 0.000000e+00 : f32
    %broadcast_in_dim3A_204 = vector.broadcast %broadcast_in_dim3A_203 : f32 to vector<16xf32>
    %broadcast_in_dim3A_205 = arith.constant 0.000000e+00 : f32
    %broadcast_in_dim3A_206 = vector.broadcast %broadcast_in_dim3A_205 : f32 to vector<16xf32>
    %broadcast_in_dim3A_207 = arith.constant 0.000000e+00 : f32
    %broadcast_in_dim3A_208 = vector.broadcast %broadcast_in_dim3A_207 : f32 to vector<16xf32>
    %broadcast_in_dim3A_209 = arith.constant 0.000000e+00 : f32
    %broadcast_in_dim3A_210 = vector.broadcast %broadcast_in_dim3A_209 : f32 to vector<16xf32>
    %scan3A_211 = arith.constant 0 : i32
    %scan3A_212 = arith.constant 32 : i32
    %scan3A_213 = arith.addi %scan3A_211, %scan3A_212 : i32
    %scan3A_214 = arith.constant 2 : i32
    %scan3A_215:21 = scf.for %scan3A_806 = %scan3A_211 to %scan3A_213 step %scan3A_214 iter_args(%scan3A_807 = %broadcast_in_dim3A_170, %scan3A_808 = %broadcast_in_dim3A_172, %scan3A_809 = %broadcast_in_dim3A_174, %scan3A_810 = %broadcast_in_dim3A_176, %scan3A_811 = %broadcast_in_dim3A_178, %scan3A_812 = %broadcast_in_dim3A_180, %scan3A_813 = %broadcast_in_dim3A_182, %scan3A_814 = %broadcast_in_dim3A_184, %scan3A_815 = %broadcast_in_dim3A_186, %scan3A_816 = %broadcast_in_dim3A_188, %scan3A_817 = %broadcast_in_dim3A_190, %scan3A_818 = %broadcast_in_dim3A_192, %scan3A_819 = %broadcast_in_dim3A_194, %scan3A_820 = %broadcast_in_dim3A_196, %scan3A_821 = %broadcast_in_dim3A_198, %scan3A_822 = %broadcast_in_dim3A_200, %scan3A_823 = %broadcast_in_dim3A_202, %scan3A_824 = %broadcast_in_dim3A_204, %scan3A_825 = %broadcast_in_dim3A_206, %scan3A_826 = %broadcast_in_dim3A_208, %scan3A_827 = %broadcast_in_dim3A_210) -> (vector<16xf32>, vector<16xf32>, vector<16xf32>, vector<16xf32>, vector<16xf32>, vector<16xf32>, vector<16xf32>, vector<16xf32>, vector<16xf32>, vector<16xf32>, vector<16xf32>, vector<16xf32>, vector<16xf32>, vector<16xf32>, vector<16xf32>, vector<16xf32>, vector<16xf32>, vector<16xf32>, vector<16xf32>, vector<16xf32>, vector<16xf32>)  : i32 {
      %mul3A_828 = arith.constant 16 : i32
      %mul3A_829 = arith.muli %scan3A_806, %mul3A_828 : i32
      %get3A_830 = arith.constant 2 : i32
      %get3A_831 = arith.index_cast %get3A_830 : i32 to index
      %get3A_832 = arith.index_cast %mul3A_829 : i32 to index
      %get3A_833 = tpu.vector_load %arg9[%get3A_831, %get3A_832] {strides = array<i32>} : memref<16x512xf32, #tpu.memory_space<vmem>>, vector<16xf32>,
      %get3A_834 = arith.constant 3 : i32
      %get3A_835 = arith.index_cast %get3A_834 : i32 to index
      %get3A_836 = arith.index_cast %mul3A_829 : i32 to index
      %get3A_837 = tpu.vector_load %arg9[%get3A_835, %get3A_836] {strides = array<i32>} : memref<16x512xf32, #tpu.memory_space<vmem>>, vector<16xf32>,
      %get3A_838 = arith.constant 4 : i32
      %get3A_839 = arith.index_cast %get3A_838 : i32 to index
      %get3A_840 = arith.index_cast %mul3A_829 : i32 to index
      %get3A_841 = tpu.vector_load %arg9[%get3A_839, %get3A_840] {strides = array<i32>} : memref<16x512xf32, #tpu.memory_space<vmem>>, vector<16xf32>,
      %get3A_842 = arith.constant 5 : i32
      %get3A_843 = arith.index_cast %get3A_842 : i32 to index
      %get3A_844 = arith.index_cast %mul3A_829 : i32 to index
      %get3A_845 = tpu.vector_load %arg9[%get3A_843, %get3A_844] {strides = array<i32>} : memref<16x512xf32, #tpu.memory_space<vmem>>, vector<16xf32>,
      %get3A_846 = arith.constant 6 : i32
      %get3A_847 = arith.index_cast %get3A_846 : i32 to index
      %get3A_848 = arith.index_cast %mul3A_829 : i32 to index
      %get3A_849 = tpu.vector_load %arg9[%get3A_847, %get3A_848] {strides = array<i32>} : memref<16x512xf32, #tpu.memory_space<vmem>>, vector<16xf32>,
      %get3A_850 = arith.constant 7 : i32
      %get3A_851 = arith.index_cast %get3A_850 : i32 to index
      %get3A_852 = arith.index_cast %mul3A_829 : i32 to index
      %get3A_853 = tpu.vector_load %arg9[%get3A_851, %get3A_852] {strides = array<i32>} : memref<16x512xf32, #tpu.memory_space<vmem>>, vector<16xf32>,
      %get3A_854 = arith.constant 8 : i32
      %get3A_855 = arith.index_cast %get3A_854 : i32 to index
      %get3A_856 = arith.index_cast %mul3A_829 : i32 to index
      %get3A_857 = tpu.vector_load %arg9[%get3A_855, %get3A_856] {strides = array<i32>} : memref<16x512xf32, #tpu.memory_space<vmem>>, vector<16xf32>,
      %get3A_858 = arith.constant 9 : i32
      %get3A_859 = arith.index_cast %get3A_858 : i32 to index
      %get3A_860 = arith.index_cast %mul3A_829 : i32 to index
      %get3A_861 = tpu.vector_load %arg9[%get3A_859, %get3A_860] {strides = array<i32>} : memref<16x512xf32, #tpu.memory_space<vmem>>, vector<16xf32>,
      %mul3A_862 = arith.mulf %get3A_833, %get3A_833 : vector<16xf32>
      %add3A_863 = arith.addf %scan3A_807, %mul3A_862 : vector<16xf32>
      %mul3A_864 = arith.mulf %get3A_833, %get3A_837 : vector<16xf32>
      %add3A_865 = arith.addf %scan3A_808, %mul3A_864 : vector<16xf32>
      %mul3A_866 = arith.mulf %get3A_833, %get3A_841 : vector<16xf32>
      %add3A_867 = arith.addf %scan3A_809, %mul3A_866 : vector<16xf32>
      %mul3A_868 = arith.mulf %get3A_833, %get3A_845 : vector<16xf32>
      %add3A_869 = arith.addf %scan3A_810, %mul3A_868 : vector<16xf32>
      %mul3A_870 = arith.mulf %get3A_833, %get3A_849 : vector<16xf32>
      %add3A_871 = arith.addf %scan3A_811, %mul3A_870 : vector<16xf32>
      %mul3A_872 = arith.mulf %get3A_833, %get3A_853 : vector<16xf32>
      %add3A_873 = arith.addf %scan3A_812, %mul3A_872 : vector<16xf32>
      %mul3A_874 = arith.mulf %get3A_833, %get3A_857 : vector<16xf32>
      %add3A_875 = arith.addf %scan3A_813, %mul3A_874 : vector<16xf32>
      %mul3A_876 = arith.mulf %get3A_833, %get3A_861 : vector<16xf32>
      %add3A_877 = arith.addf %scan3A_814, %mul3A_876 : vector<16xf32>
      %mul3A_878 = arith.mulf %get3A_837, %get3A_837 : vector<16xf32>
      %add3A_879 = arith.addf %scan3A_815, %mul3A_878 : vector<16xf32>
      %mul3A_880 = arith.mulf %get3A_837, %get3A_841 : vector<16xf32>
      %add3A_881 = arith.addf %scan3A_816, %mul3A_880 : vector<16xf32>
      %mul3A_882 = arith.mulf %get3A_837, %get3A_845 : vector<16xf32>
      %add3A_883 = arith.addf %scan3A_817, %mul3A_882 : vector<16xf32>
      %mul3A_884 = arith.mulf %get3A_837, %get3A_849 : vector<16xf32>
      %add3A_885 = arith.addf %scan3A_818, %mul3A_884 : vector<16xf32>
      %mul3A_886 = arith.mulf %get3A_837, %get3A_853 : vector<16xf32>
      %add3A_887 = arith.addf %scan3A_819, %mul3A_886 : vector<16xf32>
      %mul3A_888 = arith.mulf %get3A_837, %get3A_857 : vector<16xf32>
      %add3A_889 = arith.addf %scan3A_820, %mul3A_888 : vector<16xf32>
      %mul3A_890 = arith.mulf %get3A_837, %get3A_861 : vector<16xf32>
      %add3A_891 = arith.addf %scan3A_821, %mul3A_890 : vector<16xf32>
      %mul3A_892 = arith.mulf %get3A_841, %get3A_841 : vector<16xf32>
      %add3A_893 = arith.addf %scan3A_822, %mul3A_892 : vector<16xf32>
      %mul3A_894 = arith.mulf %get3A_841, %get3A_845 : vector<16xf32>
      %add3A_895 = arith.addf %scan3A_823, %mul3A_894 : vector<16xf32>
      %mul3A_896 = arith.mulf %get3A_841, %get3A_849 : vector<16xf32>
      %add3A_897 = arith.addf %scan3A_824, %mul3A_896 : vector<16xf32>
      %mul3A_898 = arith.mulf %get3A_841, %get3A_853 : vector<16xf32>
      %add3A_899 = arith.addf %scan3A_825, %mul3A_898 : vector<16xf32>
      %mul3A_900 = arith.mulf %get3A_841, %get3A_857 : vector<16xf32>
      %add3A_901 = arith.addf %scan3A_826, %mul3A_900 : vector<16xf32>
      %mul3A_902 = arith.mulf %get3A_841, %get3A_861 : vector<16xf32>
      %add3A_903 = arith.addf %scan3A_827, %mul3A_902 : vector<16xf32>
      %scan3A_904 = arith.constant 1 : i32
      %scan3A_905 = arith.addi %scan3A_806, %scan3A_904 : i32
      %mul3A_906 = arith.constant 16 : i32
      %mul3A_907 = arith.muli %scan3A_905, %mul3A_906 : i32
      %get3A_908 = arith.constant 2 : i32
      %get3A_909 = arith.index_cast %get3A_908 : i32 to index
      %get3A_910 = arith.index_cast %mul3A_907 : i32 to index
      %get3A_911 = tpu.vector_load %arg9[%get3A_909, %get3A_910] {strides = array<i32>} : memref<16x512xf32, #tpu.memory_space<vmem>>, vector<16xf32>,
      %get3A_912 = arith.constant 3 : i32
      %get3A_913 = arith.index_cast %get3A_912 : i32 to index
      %get3A_914 = arith.index_cast %mul3A_907 : i32 to index
      %get3A_915 = tpu.vector_load %arg9[%get3A_913, %get3A_914] {strides = array<i32>} : memref<16x512xf32, #tpu.memory_space<vmem>>, vector<16xf32>,
      %get3A_916 = arith.constant 4 : i32
      %get3A_917 = arith.index_cast %get3A_916 : i32 to index
      %get3A_918 = arith.index_cast %mul3A_907 : i32 to index
      %get3A_919 = tpu.vector_load %arg9[%get3A_917, %get3A_918] {strides = array<i32>} : memref<16x512xf32, #tpu.memory_space<vmem>>, vector<16xf32>,
      %get3A_920 = arith.constant 5 : i32
      %get3A_921 = arith.index_cast %get3A_920 : i32 to index
      %get3A_922 = arith.index_cast %mul3A_907 : i32 to index
      %get3A_923 = tpu.vector_load %arg9[%get3A_921, %get3A_922] {strides = array<i32>} : memref<16x512xf32, #tpu.memory_space<vmem>>, vector<16xf32>,
      %get3A_924 = arith.constant 6 : i32
      %get3A_925 = arith.index_cast %get3A_924 : i32 to index
      %get3A_926 = arith.index_cast %mul3A_907 : i32 to index
      %get3A_927 = tpu.vector_load %arg9[%get3A_925, %get3A_926] {strides = array<i32>} : memref<16x512xf32, #tpu.memory_space<vmem>>, vector<16xf32>,
      %get3A_928 = arith.constant 7 : i32
      %get3A_929 = arith.index_cast %get3A_928 : i32 to index
      %get3A_930 = arith.index_cast %mul3A_907 : i32 to index
      %get3A_931 = tpu.vector_load %arg9[%get3A_929, %get3A_930] {strides = array<i32>} : memref<16x512xf32, #tpu.memory_space<vmem>>, vector<16xf32>,
      %get3A_932 = arith.constant 8 : i32
      %get3A_933 = arith.index_cast %get3A_932 : i32 to index
      %get3A_934 = arith.index_cast %mul3A_907 : i32 to index
      %get3A_935 = tpu.vector_load %arg9[%get3A_933, %get3A_934] {strides = array<i32>} : memref<16x512xf32, #tpu.memory_space<vmem>>, vector<16xf32>,
      %get3A_936 = arith.constant 9 : i32
      %get3A_937 = arith.index_cast %get3A_936 : i32 to index
      %get3A_938 = arith.index_cast %mul3A_907 : i32 to index
      %get3A_939 = tpu.vector_load %arg9[%get3A_937, %get3A_938] {strides = array<i32>} : memref<16x512xf32, #tpu.memory_space<vmem>>, vector<16xf32>,
      %mul3A_940 = arith.mulf %get3A_911, %get3A_911 : vector<16xf32>
      %add3A_941 = arith.addf %add3A_863, %mul3A_940 : vector<16xf32>
      %mul3A_942 = arith.mulf %get3A_911, %get3A_915 : vector<16xf32>
      %add3A_943 = arith.addf %add3A_865, %mul3A_942 : vector<16xf32>
      %mul3A_944 = arith.mulf %get3A_911, %get3A_919 : vector<16xf32>
      %add3A_945 = arith.addf %add3A_867, %mul3A_944 : vector<16xf32>
      %mul3A_946 = arith.mulf %get3A_911, %get3A_923 : vector<16xf32>
      %add3A_947 = arith.addf %add3A_869, %mul3A_946 : vector<16xf32>
      %mul3A_948 = arith.mulf %get3A_911, %get3A_927 : vector<16xf32>
      %add3A_949 = arith.addf %add3A_871, %mul3A_948 : vector<16xf32>
      %mul3A_950 = arith.mulf %get3A_911, %get3A_931 : vector<16xf32>
      %add3A_951 = arith.addf %add3A_873, %mul3A_950 : vector<16xf32>
      %mul3A_952 = arith.mulf %get3A_911, %get3A_935 : vector<16xf32>
      %add3A_953 = arith.addf %add3A_875, %mul3A_952 : vector<16xf32>
      %mul3A_954 = arith.mulf %get3A_911, %get3A_939 : vector<16xf32>
      %add3A_955 = arith.addf %add3A_877, %mul3A_954 : vector<16xf32>
      %mul3A_956 = arith.mulf %get3A_915, %get3A_915 : vector<16xf32>
      %add3A_957 = arith.addf %add3A_879, %mul3A_956 : vector<16xf32>
      %mul3A_958 = arith.mulf %get3A_915, %get3A_919 : vector<16xf32>
      %add3A_959 = arith.addf %add3A_881, %mul3A_958 : vector<16xf32>
      %mul3A_960 = arith.mulf %get3A_915, %get3A_923 : vector<16xf32>
      %add3A_961 = arith.addf %add3A_883, %mul3A_960 : vector<16xf32>
      %mul3A_962 = arith.mulf %get3A_915, %get3A_927 : vector<16xf32>
      %add3A_963 = arith.addf %add3A_885, %mul3A_962 : vector<16xf32>
      %mul3A_964 = arith.mulf %get3A_915, %get3A_931 : vector<16xf32>
      %add3A_965 = arith.addf %add3A_887, %mul3A_964 : vector<16xf32>
      %mul3A_966 = arith.mulf %get3A_915, %get3A_935 : vector<16xf32>
      %add3A_967 = arith.addf %add3A_889, %mul3A_966 : vector<16xf32>
      %mul3A_968 = arith.mulf %get3A_915, %get3A_939 : vector<16xf32>
      %add3A_969 = arith.addf %add3A_891, %mul3A_968 : vector<16xf32>
      %mul3A_970 = arith.mulf %get3A_919, %get3A_919 : vector<16xf32>
      %add3A_971 = arith.addf %add3A_893, %mul3A_970 : vector<16xf32>
      %mul3A_972 = arith.mulf %get3A_919, %get3A_923 : vector<16xf32>
      %add3A_973 = arith.addf %add3A_895, %mul3A_972 : vector<16xf32>
      %mul3A_974 = arith.mulf %get3A_919, %get3A_927 : vector<16xf32>
      %add3A_975 = arith.addf %add3A_897, %mul3A_974 : vector<16xf32>
      %mul3A_976 = arith.mulf %get3A_919, %get3A_931 : vector<16xf32>
      %add3A_977 = arith.addf %add3A_899, %mul3A_976 : vector<16xf32>
      %mul3A_978 = arith.mulf %get3A_919, %get3A_935 : vector<16xf32>
      %add3A_979 = arith.addf %add3A_901, %mul3A_978 : vector<16xf32>
      %mul3A_980 = arith.mulf %get3A_919, %get3A_939 : vector<16xf32>
      %add3A_981 = arith.addf %add3A_903, %mul3A_980 : vector<16xf32>
      scf.yield %add3A_941, %add3A_943, %add3A_945, %add3A_947, %add3A_949, %add3A_951, %add3A_953, %add3A_955, %add3A_957, %add3A_959, %add3A_961, %add3A_963, %add3A_965, %add3A_967, %add3A_969, %add3A_971, %add3A_973, %add3A_975, %add3A_977, %add3A_979, %add3A_981 : vector<16xf32>, vector<16xf32>, vector<16xf32>, vector<16xf32>, vector<16xf32>, vector<16xf32>, vector<16xf32>, vector<16xf32>, vector<16xf32>, vector<16xf32>, vector<16xf32>, vector<16xf32>, vector<16xf32>, vector<16xf32>, vector<16xf32>, vector<16xf32>, vector<16xf32>, vector<16xf32>, vector<16xf32>, vector<16xf32>, vector<16xf32>
    }
    %scan3A_216 = arith.constant 32 : i32
    %broadcast_in_dim3A_217 = arith.constant 0.000000e+00 : f32
    %broadcast_in_dim3A_218 = vector.broadcast %broadcast_in_dim3A_217 : f32 to vector<16xf32>
    %broadcast_in_dim3A_219 = arith.constant 0.000000e+00 : f32
    %broadcast_in_dim3A_220 = vector.broadcast %broadcast_in_dim3A_219 : f32 to vector<16xf32>
    %broadcast_in_dim3A_221 = arith.constant 0.000000e+00 : f32
    %broadcast_in_dim3A_222 = vector.broadcast %broadcast_in_dim3A_221 : f32 to vector<16xf32>
    %broadcast_in_dim3A_223 = arith.constant 0.000000e+00 : f32
    %broadcast_in_dim3A_224 = vector.broadcast %broadcast_in_dim3A_223 : f32 to vector<16xf32>
    %broadcast_in_dim3A_225 = arith.constant 0.000000e+00 : f32
    %broadcast_in_dim3A_226 = vector.broadcast %broadcast_in_dim3A_225 : f32 to vector<16xf32>
    %broadcast_in_dim3A_227 = arith.constant 0.000000e+00 : f32
    %broadcast_in_dim3A_228 = vector.broadcast %broadcast_in_dim3A_227 : f32 to vector<16xf32>
    %broadcast_in_dim3A_229 = arith.constant 0.000000e+00 : f32
    %broadcast_in_dim3A_230 = vector.broadcast %broadcast_in_dim3A_229 : f32 to vector<16xf32>
    %broadcast_in_dim3A_231 = arith.constant 0.000000e+00 : f32
    %broadcast_in_dim3A_232 = vector.broadcast %broadcast_in_dim3A_231 : f32 to vector<16xf32>
    %broadcast_in_dim3A_233 = arith.constant 0.000000e+00 : f32
    %broadcast_in_dim3A_234 = vector.broadcast %broadcast_in_dim3A_233 : f32 to vector<16xf32>
    %broadcast_in_dim3A_235 = arith.constant 0.000000e+00 : f32
    %broadcast_in_dim3A_236 = vector.broadcast %broadcast_in_dim3A_235 : f32 to vector<16xf32>
    %broadcast_in_dim3A_237 = arith.constant 0.000000e+00 : f32
    %broadcast_in_dim3A_238 = vector.broadcast %broadcast_in_dim3A_237 : f32 to vector<16xf32>
    %broadcast_in_dim3A_239 = arith.constant 0.000000e+00 : f32
    %broadcast_in_dim3A_240 = vector.broadcast %broadcast_in_dim3A_239 : f32 to vector<16xf32>
    %broadcast_in_dim3A_241 = arith.constant 0.000000e+00 : f32
    %broadcast_in_dim3A_242 = vector.broadcast %broadcast_in_dim3A_241 : f32 to vector<16xf32>
    %broadcast_in_dim3A_243 = arith.constant 0.000000e+00 : f32
    %broadcast_in_dim3A_244 = vector.broadcast %broadcast_in_dim3A_243 : f32 to vector<16xf32>
    %broadcast_in_dim3A_245 = arith.constant 0.000000e+00 : f32
    %broadcast_in_dim3A_246 = vector.broadcast %broadcast_in_dim3A_245 : f32 to vector<16xf32>
    %scan3A_247 = arith.constant 0 : i32
    %scan3A_248 = arith.constant 32 : i32
    %scan3A_249 = arith.addi %scan3A_247, %scan3A_248 : i32
    %scan3A_250 = arith.constant 2 : i32
    %scan3A_251:15 = scf.for %scan3A_806 = %scan3A_247 to %scan3A_249 step %scan3A_250 iter_args(%scan3A_807 = %broadcast_in_dim3A_218, %scan3A_808 = %broadcast_in_dim3A_220, %scan3A_809 = %broadcast_in_dim3A_222, %scan3A_810 = %broadcast_in_dim3A_224, %scan3A_811 = %broadcast_in_dim3A_226, %scan3A_812 = %broadcast_in_dim3A_228, %scan3A_813 = %broadcast_in_dim3A_230, %scan3A_814 = %broadcast_in_dim3A_232, %scan3A_815 = %broadcast_in_dim3A_234, %scan3A_816 = %broadcast_in_dim3A_236, %scan3A_817 = %broadcast_in_dim3A_238, %scan3A_818 = %broadcast_in_dim3A_240, %scan3A_819 = %broadcast_in_dim3A_242, %scan3A_820 = %broadcast_in_dim3A_244, %scan3A_821 = %broadcast_in_dim3A_246) -> (vector<16xf32>, vector<16xf32>, vector<16xf32>, vector<16xf32>, vector<16xf32>, vector<16xf32>, vector<16xf32>, vector<16xf32>, vector<16xf32>, vector<16xf32>, vector<16xf32>, vector<16xf32>, vector<16xf32>, vector<16xf32>, vector<16xf32>)  : i32 {
      %mul3A_822 = arith.constant 16 : i32
      %mul3A_823 = arith.muli %scan3A_806, %mul3A_822 : i32
      %get3A_824 = arith.constant 5 : i32
      %get3A_825 = arith.index_cast %get3A_824 : i32 to index
      %get3A_826 = arith.index_cast %mul3A_823 : i32 to index
      %get3A_827 = tpu.vector_load %arg9[%get3A_825, %get3A_826] {strides = array<i32>} : memref<16x512xf32, #tpu.memory_space<vmem>>, vector<16xf32>,
      %get3A_828 = arith.constant 6 : i32
      %get3A_829 = arith.index_cast %get3A_828 : i32 to index
      %get3A_830 = arith.index_cast %mul3A_823 : i32 to index
      %get3A_831 = tpu.vector_load %arg9[%get3A_829, %get3A_830] {strides = array<i32>} : memref<16x512xf32, #tpu.memory_space<vmem>>, vector<16xf32>,
      %get3A_832 = arith.constant 7 : i32
      %get3A_833 = arith.index_cast %get3A_832 : i32 to index
      %get3A_834 = arith.index_cast %mul3A_823 : i32 to index
      %get3A_835 = tpu.vector_load %arg9[%get3A_833, %get3A_834] {strides = array<i32>} : memref<16x512xf32, #tpu.memory_space<vmem>>, vector<16xf32>,
      %get3A_836 = arith.constant 8 : i32
      %get3A_837 = arith.index_cast %get3A_836 : i32 to index
      %get3A_838 = arith.index_cast %mul3A_823 : i32 to index
      %get3A_839 = tpu.vector_load %arg9[%get3A_837, %get3A_838] {strides = array<i32>} : memref<16x512xf32, #tpu.memory_space<vmem>>, vector<16xf32>,
      %get3A_840 = arith.constant 9 : i32
      %get3A_841 = arith.index_cast %get3A_840 : i32 to index
      %get3A_842 = arith.index_cast %mul3A_823 : i32 to index
      %get3A_843 = tpu.vector_load %arg9[%get3A_841, %get3A_842] {strides = array<i32>} : memref<16x512xf32, #tpu.memory_space<vmem>>, vector<16xf32>,
      %mul3A_844 = arith.mulf %get3A_827, %get3A_827 : vector<16xf32>
      %add3A_845 = arith.addf %scan3A_807, %mul3A_844 : vector<16xf32>
      %mul3A_846 = arith.mulf %get3A_827, %get3A_831 : vector<16xf32>
      %add3A_847 = arith.addf %scan3A_808, %mul3A_846 : vector<16xf32>
      %mul3A_848 = arith.mulf %get3A_827, %get3A_835 : vector<16xf32>
      %add3A_849 = arith.addf %scan3A_809, %mul3A_848 : vector<16xf32>
      %mul3A_850 = arith.mulf %get3A_827, %get3A_839 : vector<16xf32>
      %add3A_851 = arith.addf %scan3A_810, %mul3A_850 : vector<16xf32>
      %mul3A_852 = arith.mulf %get3A_827, %get3A_843 : vector<16xf32>
      %add3A_853 = arith.addf %scan3A_811, %mul3A_852 : vector<16xf32>
      %mul3A_854 = arith.mulf %get3A_831, %get3A_831 : vector<16xf32>
      %add3A_855 = arith.addf %scan3A_812, %mul3A_854 : vector<16xf32>
      %mul3A_856 = arith.mulf %get3A_831, %get3A_835 : vector<16xf32>
      %add3A_857 = arith.addf %scan3A_813, %mul3A_856 : vector<16xf32>
      %mul3A_858 = arith.mulf %get3A_831, %get3A_839 : vector<16xf32>
      %add3A_859 = arith.addf %scan3A_814, %mul3A_858 : vector<16xf32>
      %mul3A_860 = arith.mulf %get3A_831, %get3A_843 : vector<16xf32>
      %add3A_861 = arith.addf %scan3A_815, %mul3A_860 : vector<16xf32>
      %mul3A_862 = arith.mulf %get3A_835, %get3A_835 : vector<16xf32>
      %add3A_863 = arith.addf %scan3A_816, %mul3A_862 : vector<16xf32>
      %mul3A_864 = arith.mulf %get3A_835, %get3A_839 : vector<16xf32>
      %add3A_865 = arith.addf %scan3A_817, %mul3A_864 : vector<16xf32>
      %mul3A_866 = arith.mulf %get3A_835, %get3A_843 : vector<16xf32>
      %add3A_867 = arith.addf %scan3A_818, %mul3A_866 : vector<16xf32>
      %mul3A_868 = arith.mulf %get3A_839, %get3A_839 : vector<16xf32>
      %add3A_869 = arith.addf %scan3A_819, %mul3A_868 : vector<16xf32>
      %mul3A_870 = arith.mulf %get3A_839, %get3A_843 : vector<16xf32>
      %add3A_871 = arith.addf %scan3A_820, %mul3A_870 : vector<16xf32>
      %mul3A_872 = arith.mulf %get3A_843, %get3A_843 : vector<16xf32>
      %add3A_873 = arith.addf %scan3A_821, %mul3A_872 : vector<16xf32>
      %scan3A_874 = arith.constant 1 : i32
      %scan3A_875 = arith.addi %scan3A_806, %scan3A_874 : i32
      %mul3A_876 = arith.constant 16 : i32
      %mul3A_877 = arith.muli %scan3A_875, %mul3A_876 : i32
      %get3A_878 = arith.constant 5 : i32
      %get3A_879 = arith.index_cast %get3A_878 : i32 to index
      %get3A_880 = arith.index_cast %mul3A_877 : i32 to index
      %get3A_881 = tpu.vector_load %arg9[%get3A_879, %get3A_880] {strides = array<i32>} : memref<16x512xf32, #tpu.memory_space<vmem>>, vector<16xf32>,
      %get3A_882 = arith.constant 6 : i32
      %get3A_883 = arith.index_cast %get3A_882 : i32 to index
      %get3A_884 = arith.index_cast %mul3A_877 : i32 to index
      %get3A_885 = tpu.vector_load %arg9[%get3A_883, %get3A_884] {strides = array<i32>} : memref<16x512xf32, #tpu.memory_space<vmem>>, vector<16xf32>,
      %get3A_886 = arith.constant 7 : i32
      %get3A_887 = arith.index_cast %get3A_886 : i32 to index
      %get3A_888 = arith.index_cast %mul3A_877 : i32 to index
      %get3A_889 = tpu.vector_load %arg9[%get3A_887, %get3A_888] {strides = array<i32>} : memref<16x512xf32, #tpu.memory_space<vmem>>, vector<16xf32>,
      %get3A_890 = arith.constant 8 : i32
      %get3A_891 = arith.index_cast %get3A_890 : i32 to index
      %get3A_892 = arith.index_cast %mul3A_877 : i32 to index
      %get3A_893 = tpu.vector_load %arg9[%get3A_891, %get3A_892] {strides = array<i32>} : memref<16x512xf32, #tpu.memory_space<vmem>>, vector<16xf32>,
      %get3A_894 = arith.constant 9 : i32
      %get3A_895 = arith.index_cast %get3A_894 : i32 to index
      %get3A_896 = arith.index_cast %mul3A_877 : i32 to index
      %get3A_897 = tpu.vector_load %arg9[%get3A_895, %get3A_896] {strides = array<i32>} : memref<16x512xf32, #tpu.memory_space<vmem>>, vector<16xf32>,
      %mul3A_898 = arith.mulf %get3A_881, %get3A_881 : vector<16xf32>
      %add3A_899 = arith.addf %add3A_845, %mul3A_898 : vector<16xf32>
      %mul3A_900 = arith.mulf %get3A_881, %get3A_885 : vector<16xf32>
      %add3A_901 = arith.addf %add3A_847, %mul3A_900 : vector<16xf32>
      %mul3A_902 = arith.mulf %get3A_881, %get3A_889 : vector<16xf32>
      %add3A_903 = arith.addf %add3A_849, %mul3A_902 : vector<16xf32>
      %mul3A_904 = arith.mulf %get3A_881, %get3A_893 : vector<16xf32>
      %add3A_905 = arith.addf %add3A_851, %mul3A_904 : vector<16xf32>
      %mul3A_906 = arith.mulf %get3A_881, %get3A_897 : vector<16xf32>
      %add3A_907 = arith.addf %add3A_853, %mul3A_906 : vector<16xf32>
      %mul3A_908 = arith.mulf %get3A_885, %get3A_885 : vector<16xf32>
      %add3A_909 = arith.addf %add3A_855, %mul3A_908 : vector<16xf32>
      %mul3A_910 = arith.mulf %get3A_885, %get3A_889 : vector<16xf32>
      %add3A_911 = arith.addf %add3A_857, %mul3A_910 : vector<16xf32>
      %mul3A_912 = arith.mulf %get3A_885, %get3A_893 : vector<16xf32>
      %add3A_913 = arith.addf %add3A_859, %mul3A_912 : vector<16xf32>
      %mul3A_914 = arith.mulf %get3A_885, %get3A_897 : vector<16xf32>
      %add3A_915 = arith.addf %add3A_861, %mul3A_914 : vector<16xf32>
      %mul3A_916 = arith.mulf %get3A_889, %get3A_889 : vector<16xf32>
      %add3A_917 = arith.addf %add3A_863, %mul3A_916 : vector<16xf32>
      %mul3A_918 = arith.mulf %get3A_889, %get3A_893 : vector<16xf32>
      %add3A_919 = arith.addf %add3A_865, %mul3A_918 : vector<16xf32>
      %mul3A_920 = arith.mulf %get3A_889, %get3A_897 : vector<16xf32>
      %add3A_921 = arith.addf %add3A_867, %mul3A_920 : vector<16xf32>
      %mul3A_922 = arith.mulf %get3A_893, %get3A_893 : vector<16xf32>
      %add3A_923 = arith.addf %add3A_869, %mul3A_922 : vector<16xf32>
      %mul3A_924 = arith.mulf %get3A_893, %get3A_897 : vector<16xf32>
      %add3A_925 = arith.addf %add3A_871, %mul3A_924 : vector<16xf32>
      %mul3A_926 = arith.mulf %get3A_897, %get3A_897 : vector<16xf32>
      %add3A_927 = arith.addf %add3A_873, %mul3A_926 : vector<16xf32>
      scf.yield %add3A_899, %add3A_901, %add3A_903, %add3A_905, %add3A_907, %add3A_909, %add3A_911, %add3A_913, %add3A_915, %add3A_917, %add3A_919, %add3A_921, %add3A_923, %add3A_925, %add3A_927 : vector<16xf32>, vector<16xf32>, vector<16xf32>, vector<16xf32>, vector<16xf32>, vector<16xf32>, vector<16xf32>, vector<16xf32>, vector<16xf32>, vector<16xf32>, vector<16xf32>, vector<16xf32>, vector<16xf32>, vector<16xf32>, vector<16xf32>
    }
    %scan3A_252 = arith.constant 32 : i32
    %swap3A_253 = arith.constant 0 : i32
    %swap3A_254 = arith.index_cast %swap3A_253 : i32 to index
    %swap3A_255 = arith.constant 0 : index
    %swap3A_256 = tpu.vector_load %arg11[%swap3A_254, %swap3A_255] {strides = array<i32>} : memref<64x16xf32, #tpu.memory_space<vmem>>, vector<16xf32>,
    tpu.vector_store %arg11[%swap3A_254, %swap3A_255], %scan3A_167#0 {strides = array<i32>} : memref<64x16xf32, #tpu.memory_space<vmem>>, vector<16xf32>,
    %swap3A_257 = arith.constant 1 : i32
    %swap3A_258 = arith.index_cast %swap3A_257 : i32 to index
    %swap3A_259 = arith.constant 0 : index
    %swap3A_260 = tpu.vector_load %arg11[%swap3A_258, %swap3A_259] {strides = array<i32>} : memref<64x16xf32, #tpu.memory_space<vmem>>, vector<16xf32>,
    tpu.vector_store %arg11[%swap3A_258, %swap3A_259], %scan3A_167#1 {strides = array<i32>} : memref<64x16xf32, #tpu.memory_space<vmem>>, vector<16xf32>,
    %swap3A_261 = arith.constant 2 : i32
    %swap3A_262 = arith.index_cast %swap3A_261 : i32 to index
    %swap3A_263 = arith.constant 0 : index
    %swap3A_264 = tpu.vector_load %arg11[%swap3A_262, %swap3A_263] {strides = array<i32>} : memref<64x16xf32, #tpu.memory_space<vmem>>, vector<16xf32>,
    tpu.vector_store %arg11[%swap3A_262, %swap3A_263], %scan3A_167#2 {strides = array<i32>} : memref<64x16xf32, #tpu.memory_space<vmem>>, vector<16xf32>,
    %swap3A_265 = arith.constant 3 : i32
    %swap3A_266 = arith.index_cast %swap3A_265 : i32 to index
    %swap3A_267 = arith.constant 0 : index
    %swap3A_268 = tpu.vector_load %arg11[%swap3A_266, %swap3A_267] {strides = array<i32>} : memref<64x16xf32, #tpu.memory_space<vmem>>, vector<16xf32>,
    tpu.vector_store %arg11[%swap3A_266, %swap3A_267], %scan3A_167#3 {strides = array<i32>} : memref<64x16xf32, #tpu.memory_space<vmem>>, vector<16xf32>,
    %swap3A_269 = arith.constant 4 : i32
    %swap3A_270 = arith.index_cast %swap3A_269 : i32 to index
    %swap3A_271 = arith.constant 0 : index
    %swap3A_272 = tpu.vector_load %arg11[%swap3A_270, %swap3A_271] {strides = array<i32>} : memref<64x16xf32, #tpu.memory_space<vmem>>, vector<16xf32>,
    tpu.vector_store %arg11[%swap3A_270, %swap3A_271], %scan3A_167#4 {strides = array<i32>} : memref<64x16xf32, #tpu.memory_space<vmem>>, vector<16xf32>,
    %swap3A_273 = arith.constant 5 : i32
    %swap3A_274 = arith.index_cast %swap3A_273 : i32 to index
    %swap3A_275 = arith.constant 0 : index
    %swap3A_276 = tpu.vector_load %arg11[%swap3A_274, %swap3A_275] {strides = array<i32>} : memref<64x16xf32, #tpu.memory_space<vmem>>, vector<16xf32>,
    tpu.vector_store %arg11[%swap3A_274, %swap3A_275], %scan3A_167#5 {strides = array<i32>} : memref<64x16xf32, #tpu.memory_space<vmem>>, vector<16xf32>,
    %swap3A_277 = arith.constant 6 : i32
    %swap3A_278 = arith.index_cast %swap3A_277 : i32 to index
    %swap3A_279 = arith.constant 0 : index
    %swap3A_280 = tpu.vector_load %arg11[%swap3A_278, %swap3A_279] {strides = array<i32>} : memref<64x16xf32, #tpu.memory_space<vmem>>, vector<16xf32>,
    tpu.vector_store %arg11[%swap3A_278, %swap3A_279], %scan3A_167#6 {strides = array<i32>} : memref<64x16xf32, #tpu.memory_space<vmem>>, vector<16xf32>,
    %swap3A_281 = arith.constant 7 : i32
    %swap3A_282 = arith.index_cast %swap3A_281 : i32 to index
    %swap3A_283 = arith.constant 0 : index
    %swap3A_284 = tpu.vector_load %arg11[%swap3A_282, %swap3A_283] {strides = array<i32>} : memref<64x16xf32, #tpu.memory_space<vmem>>, vector<16xf32>,
    tpu.vector_store %arg11[%swap3A_282, %swap3A_283], %scan3A_167#7 {strides = array<i32>} : memref<64x16xf32, #tpu.memory_space<vmem>>, vector<16xf32>,
    %swap3A_285 = arith.constant 8 : i32
    %swap3A_286 = arith.index_cast %swap3A_285 : i32 to index
    %swap3A_287 = arith.constant 0 : index
    %swap3A_288 = tpu.vector_load %arg11[%swap3A_286, %swap3A_287] {strides = array<i32>} : memref<64x16xf32, #tpu.memory_space<vmem>>, vector<16xf32>,
    tpu.vector_store %arg11[%swap3A_286, %swap3A_287], %scan3A_167#8 {strides = array<i32>} : memref<64x16xf32, #tpu.memory_space<vmem>>, vector<16xf32>,
    %swap3A_289 = arith.constant 9 : i32
    %swap3A_290 = arith.index_cast %swap3A_289 : i32 to index
    %swap3A_291 = arith.constant 0 : index
    %swap3A_292 = tpu.vector_load %arg11[%swap3A_290, %swap3A_291] {strides = array<i32>} : memref<64x16xf32, #tpu.memory_space<vmem>>, vector<16xf32>,
    tpu.vector_store %arg11[%swap3A_290, %swap3A_291], %scan3A_167#9 {strides = array<i32>} : memref<64x16xf32, #tpu.memory_space<vmem>>, vector<16xf32>,
    %swap3A_293 = arith.constant 10 : i32
    %swap3A_294 = arith.index_cast %swap3A_293 : i32 to index
    %swap3A_295 = arith.constant 0 : index
    %swap3A_296 = tpu.vector_load %arg11[%swap3A_294, %swap3A_295] {strides = array<i32>} : memref<64x16xf32, #tpu.memory_space<vmem>>, vector<16xf32>,
    tpu.vector_store %arg11[%swap3A_294, %swap3A_295], %scan3A_167#10 {strides = array<i32>} : memref<64x16xf32, #tpu.memory_space<vmem>>, vector<16xf32>,
    %swap3A_297 = arith.constant 11 : i32
    %swap3A_298 = arith.index_cast %swap3A_297 : i32 to index
    %swap3A_299 = arith.constant 0 : index
    %swap3A_300 = tpu.vector_load %arg11[%swap3A_298, %swap3A_299] {strides = array<i32>} : memref<64x16xf32, #tpu.memory_space<vmem>>, vector<16xf32>,
    tpu.vector_store %arg11[%swap3A_298, %swap3A_299], %scan3A_167#11 {strides = array<i32>} : memref<64x16xf32, #tpu.memory_space<vmem>>, vector<16xf32>,
    %swap3A_301 = arith.constant 12 : i32
    %swap3A_302 = arith.index_cast %swap3A_301 : i32 to index
    %swap3A_303 = arith.constant 0 : index
    %swap3A_304 = tpu.vector_load %arg11[%swap3A_302, %swap3A_303] {strides = array<i32>} : memref<64x16xf32, #tpu.memory_space<vmem>>, vector<16xf32>,
    tpu.vector_store %arg11[%swap3A_302, %swap3A_303], %scan3A_167#12 {strides = array<i32>} : memref<64x16xf32, #tpu.memory_space<vmem>>, vector<16xf32>,
    %swap3A_305 = arith.constant 13 : i32
    %swap3A_306 = arith.index_cast %swap3A_305 : i32 to index
    %swap3A_307 = arith.constant 0 : index
    %swap3A_308 = tpu.vector_load %arg11[%swap3A_306, %swap3A_307] {strides = array<i32>} : memref<64x16xf32, #tpu.memory_space<vmem>>, vector<16xf32>,
    tpu.vector_store %arg11[%swap3A_306, %swap3A_307], %scan3A_167#13 {strides = array<i32>} : memref<64x16xf32, #tpu.memory_space<vmem>>, vector<16xf32>,
    %swap3A_309 = arith.constant 14 : i32
    %swap3A_310 = arith.index_cast %swap3A_309 : i32 to index
    %swap3A_311 = arith.constant 0 : index
    %swap3A_312 = tpu.vector_load %arg11[%swap3A_310, %swap3A_311] {strides = array<i32>} : memref<64x16xf32, #tpu.memory_space<vmem>>, vector<16xf32>,
    tpu.vector_store %arg11[%swap3A_310, %swap3A_311], %scan3A_167#14 {strides = array<i32>} : memref<64x16xf32, #tpu.memory_space<vmem>>, vector<16xf32>,
    %swap3A_313 = arith.constant 15 : i32
    %swap3A_314 = arith.index_cast %swap3A_313 : i32 to index
    %swap3A_315 = arith.constant 0 : index
    %swap3A_316 = tpu.vector_load %arg11[%swap3A_314, %swap3A_315] {strides = array<i32>} : memref<64x16xf32, #tpu.memory_space<vmem>>, vector<16xf32>,
    tpu.vector_store %arg11[%swap3A_314, %swap3A_315], %scan3A_167#15 {strides = array<i32>} : memref<64x16xf32, #tpu.memory_space<vmem>>, vector<16xf32>,
    %swap3A_317 = arith.constant 16 : i32
    %swap3A_318 = arith.index_cast %swap3A_317 : i32 to index
    %swap3A_319 = arith.constant 0 : index
    %swap3A_320 = tpu.vector_load %arg11[%swap3A_318, %swap3A_319] {strides = array<i32>} : memref<64x16xf32, #tpu.memory_space<vmem>>, vector<16xf32>,
    tpu.vector_store %arg11[%swap3A_318, %swap3A_319], %scan3A_167#16 {strides = array<i32>} : memref<64x16xf32, #tpu.memory_space<vmem>>, vector<16xf32>,
    %swap3A_321 = arith.constant 17 : i32
    %swap3A_322 = arith.index_cast %swap3A_321 : i32 to index
    %swap3A_323 = arith.constant 0 : index
    %swap3A_324 = tpu.vector_load %arg11[%swap3A_322, %swap3A_323] {strides = array<i32>} : memref<64x16xf32, #tpu.memory_space<vmem>>, vector<16xf32>,
    tpu.vector_store %arg11[%swap3A_322, %swap3A_323], %scan3A_167#17 {strides = array<i32>} : memref<64x16xf32, #tpu.memory_space<vmem>>, vector<16xf32>,
    %swap3A_325 = arith.constant 18 : i32
    %swap3A_326 = arith.index_cast %swap3A_325 : i32 to index
    %swap3A_327 = arith.constant 0 : index
    %swap3A_328 = tpu.vector_load %arg11[%swap3A_326, %swap3A_327] {strides = array<i32>} : memref<64x16xf32, #tpu.memory_space<vmem>>, vector<16xf32>,
    tpu.vector_store %arg11[%swap3A_326, %swap3A_327], %scan3A_167#18 {strides = array<i32>} : memref<64x16xf32, #tpu.memory_space<vmem>>, vector<16xf32>,
    %swap3A_329 = arith.constant 19 : i32
    %swap3A_330 = arith.index_cast %swap3A_329 : i32 to index
    %swap3A_331 = arith.constant 0 : index
    %swap3A_332 = tpu.vector_load %arg11[%swap3A_330, %swap3A_331] {strides = array<i32>} : memref<64x16xf32, #tpu.memory_space<vmem>>, vector<16xf32>,
    tpu.vector_store %arg11[%swap3A_330, %swap3A_331], %scan3A_215#0 {strides = array<i32>} : memref<64x16xf32, #tpu.memory_space<vmem>>, vector<16xf32>,
    %swap3A_333 = arith.constant 20 : i32
    %swap3A_334 = arith.index_cast %swap3A_333 : i32 to index
    %swap3A_335 = arith.constant 0 : index
    %swap3A_336 = tpu.vector_load %arg11[%swap3A_334, %swap3A_335] {strides = array<i32>} : memref<64x16xf32, #tpu.memory_space<vmem>>, vector<16xf32>,
    tpu.vector_store %arg11[%swap3A_334, %swap3A_335], %scan3A_215#1 {strides = array<i32>} : memref<64x16xf32, #tpu.memory_space<vmem>>, vector<16xf32>,
    %swap3A_337 = arith.constant 21 : i32
    %swap3A_338 = arith.index_cast %swap3A_337 : i32 to index
    %swap3A_339 = arith.constant 0 : index
    %swap3A_340 = tpu.vector_load %arg11[%swap3A_338, %swap3A_339] {strides = array<i32>} : memref<64x16xf32, #tpu.memory_space<vmem>>, vector<16xf32>,
    tpu.vector_store %arg11[%swap3A_338, %swap3A_339], %scan3A_215#2 {strides = array<i32>} : memref<64x16xf32, #tpu.memory_space<vmem>>, vector<16xf32>,
    %swap3A_341 = arith.constant 22 : i32
    %swap3A_342 = arith.index_cast %swap3A_341 : i32 to index
    %swap3A_343 = arith.constant 0 : index
    %swap3A_344 = tpu.vector_load %arg11[%swap3A_342, %swap3A_343] {strides = array<i32>} : memref<64x16xf32, #tpu.memory_space<vmem>>, vector<16xf32>,
    tpu.vector_store %arg11[%swap3A_342, %swap3A_343], %scan3A_215#3 {strides = array<i32>} : memref<64x16xf32, #tpu.memory_space<vmem>>, vector<16xf32>,
    %swap3A_345 = arith.constant 23 : i32
    %swap3A_346 = arith.index_cast %swap3A_345 : i32 to index
    %swap3A_347 = arith.constant 0 : index
    %swap3A_348 = tpu.vector_load %arg11[%swap3A_346, %swap3A_347] {strides = array<i32>} : memref<64x16xf32, #tpu.memory_space<vmem>>, vector<16xf32>,
    tpu.vector_store %arg11[%swap3A_346, %swap3A_347], %scan3A_215#4 {strides = array<i32>} : memref<64x16xf32, #tpu.memory_space<vmem>>, vector<16xf32>,
    %swap3A_349 = arith.constant 24 : i32
    %swap3A_350 = arith.index_cast %swap3A_349 : i32 to index
    %swap3A_351 = arith.constant 0 : index
    %swap3A_352 = tpu.vector_load %arg11[%swap3A_350, %swap3A_351] {strides = array<i32>} : memref<64x16xf32, #tpu.memory_space<vmem>>, vector<16xf32>,
    tpu.vector_store %arg11[%swap3A_350, %swap3A_351], %scan3A_215#5 {strides = array<i32>} : memref<64x16xf32, #tpu.memory_space<vmem>>, vector<16xf32>,
    %swap3A_353 = arith.constant 25 : i32
    %swap3A_354 = arith.index_cast %swap3A_353 : i32 to index
    %swap3A_355 = arith.constant 0 : index
    %swap3A_356 = tpu.vector_load %arg11[%swap3A_354, %swap3A_355] {strides = array<i32>} : memref<64x16xf32, #tpu.memory_space<vmem>>, vector<16xf32>,
    tpu.vector_store %arg11[%swap3A_354, %swap3A_355], %scan3A_215#6 {strides = array<i32>} : memref<64x16xf32, #tpu.memory_space<vmem>>, vector<16xf32>,
    %swap3A_357 = arith.constant 26 : i32
    %swap3A_358 = arith.index_cast %swap3A_357 : i32 to index
    %swap3A_359 = arith.constant 0 : index
    %swap3A_360 = tpu.vector_load %arg11[%swap3A_358, %swap3A_359] {strides = array<i32>} : memref<64x16xf32, #tpu.memory_space<vmem>>, vector<16xf32>,
    tpu.vector_store %arg11[%swap3A_358, %swap3A_359], %scan3A_215#7 {strides = array<i32>} : memref<64x16xf32, #tpu.memory_space<vmem>>, vector<16xf32>,
    %swap3A_361 = arith.constant 27 : i32
    %swap3A_362 = arith.index_cast %swap3A_361 : i32 to index
    %swap3A_363 = arith.constant 0 : index
    %swap3A_364 = tpu.vector_load %arg11[%swap3A_362, %swap3A_363] {strides = array<i32>} : memref<64x16xf32, #tpu.memory_space<vmem>>, vector<16xf32>,
    tpu.vector_store %arg11[%swap3A_362, %swap3A_363], %scan3A_215#8 {strides = array<i32>} : memref<64x16xf32, #tpu.memory_space<vmem>>, vector<16xf32>,
    %swap3A_365 = arith.constant 28 : i32
    %swap3A_366 = arith.index_cast %swap3A_365 : i32 to index
    %swap3A_367 = arith.constant 0 : index
    %swap3A_368 = tpu.vector_load %arg11[%swap3A_366, %swap3A_367] {strides = array<i32>} : memref<64x16xf32, #tpu.memory_space<vmem>>, vector<16xf32>,
    tpu.vector_store %arg11[%swap3A_366, %swap3A_367], %scan3A_215#9 {strides = array<i32>} : memref<64x16xf32, #tpu.memory_space<vmem>>, vector<16xf32>,
    %swap3A_369 = arith.constant 29 : i32
    %swap3A_370 = arith.index_cast %swap3A_369 : i32 to index
    %swap3A_371 = arith.constant 0 : index
    %swap3A_372 = tpu.vector_load %arg11[%swap3A_370, %swap3A_371] {strides = array<i32>} : memref<64x16xf32, #tpu.memory_space<vmem>>, vector<16xf32>,
    tpu.vector_store %arg11[%swap3A_370, %swap3A_371], %scan3A_215#10 {strides = array<i32>} : memref<64x16xf32, #tpu.memory_space<vmem>>, vector<16xf32>,
    %swap3A_373 = arith.constant 30 : i32
    %swap3A_374 = arith.index_cast %swap3A_373 : i32 to index
    %swap3A_375 = arith.constant 0 : index
    %swap3A_376 = tpu.vector_load %arg11[%swap3A_374, %swap3A_375] {strides = array<i32>} : memref<64x16xf32, #tpu.memory_space<vmem>>, vector<16xf32>,
    tpu.vector_store %arg11[%swap3A_374, %swap3A_375], %scan3A_215#11 {strides = array<i32>} : memref<64x16xf32, #tpu.memory_space<vmem>>, vector<16xf32>,
    %swap3A_377 = arith.constant 31 : i32
    %swap3A_378 = arith.index_cast %swap3A_377 : i32 to index
    %swap3A_379 = arith.constant 0 : index
    %swap3A_380 = tpu.vector_load %arg11[%swap3A_378, %swap3A_379] {strides = array<i32>} : memref<64x16xf32, #tpu.memory_space<vmem>>, vector<16xf32>,
    tpu.vector_store %arg11[%swap3A_378, %swap3A_379], %scan3A_215#12 {strides = array<i32>} : memref<64x16xf32, #tpu.memory_space<vmem>>, vector<16xf32>,
    %swap3A_381 = arith.constant 32 : i32
    %swap3A_382 = arith.index_cast %swap3A_381 : i32 to index
    %swap3A_383 = arith.constant 0 : index
    %swap3A_384 = tpu.vector_load %arg11[%swap3A_382, %swap3A_383] {strides = array<i32>} : memref<64x16xf32, #tpu.memory_space<vmem>>, vector<16xf32>,
    tpu.vector_store %arg11[%swap3A_382, %swap3A_383], %scan3A_215#13 {strides = array<i32>} : memref<64x16xf32, #tpu.memory_space<vmem>>, vector<16xf32>,
    %swap3A_385 = arith.constant 33 : i32
    %swap3A_386 = arith.index_cast %swap3A_385 : i32 to index
    %swap3A_387 = arith.constant 0 : index
    %swap3A_388 = tpu.vector_load %arg11[%swap3A_386, %swap3A_387] {strides = array<i32>} : memref<64x16xf32, #tpu.memory_space<vmem>>, vector<16xf32>,
    tpu.vector_store %arg11[%swap3A_386, %swap3A_387], %scan3A_215#14 {strides = array<i32>} : memref<64x16xf32, #tpu.memory_space<vmem>>, vector<16xf32>,
    %swap3A_389 = arith.constant 34 : i32
    %swap3A_390 = arith.index_cast %swap3A_389 : i32 to index
    %swap3A_391 = arith.constant 0 : index
    %swap3A_392 = tpu.vector_load %arg11[%swap3A_390, %swap3A_391] {strides = array<i32>} : memref<64x16xf32, #tpu.memory_space<vmem>>, vector<16xf32>,
    tpu.vector_store %arg11[%swap3A_390, %swap3A_391], %scan3A_215#15 {strides = array<i32>} : memref<64x16xf32, #tpu.memory_space<vmem>>, vector<16xf32>,
    %swap3A_393 = arith.constant 35 : i32
    %swap3A_394 = arith.index_cast %swap3A_393 : i32 to index
    %swap3A_395 = arith.constant 0 : index
    %swap3A_396 = tpu.vector_load %arg11[%swap3A_394, %swap3A_395] {strides = array<i32>} : memref<64x16xf32, #tpu.memory_space<vmem>>, vector<16xf32>,
    tpu.vector_store %arg11[%swap3A_394, %swap3A_395], %scan3A_215#16 {strides = array<i32>} : memref<64x16xf32, #tpu.memory_space<vmem>>, vector<16xf32>,
    %swap3A_397 = arith.constant 36 : i32
    %swap3A_398 = arith.index_cast %swap3A_397 : i32 to index
    %swap3A_399 = arith.constant 0 : index
    %swap3A_400 = tpu.vector_load %arg11[%swap3A_398, %swap3A_399] {strides = array<i32>} : memref<64x16xf32, #tpu.memory_space<vmem>>, vector<16xf32>,
    tpu.vector_store %arg11[%swap3A_398, %swap3A_399], %scan3A_215#17 {strides = array<i32>} : memref<64x16xf32, #tpu.memory_space<vmem>>, vector<16xf32>,
    %swap3A_401 = arith.constant 37 : i32
    %swap3A_402 = arith.index_cast %swap3A_401 : i32 to index
    %swap3A_403 = arith.constant 0 : index
    %swap3A_404 = tpu.vector_load %arg11[%swap3A_402, %swap3A_403] {strides = array<i32>} : memref<64x16xf32, #tpu.memory_space<vmem>>, vector<16xf32>,
    tpu.vector_store %arg11[%swap3A_402, %swap3A_403], %scan3A_215#18 {strides = array<i32>} : memref<64x16xf32, #tpu.memory_space<vmem>>, vector<16xf32>,
    %swap3A_405 = arith.constant 38 : i32
    %swap3A_406 = arith.index_cast %swap3A_405 : i32 to index
    %swap3A_407 = arith.constant 0 : index
    %swap3A_408 = tpu.vector_load %arg11[%swap3A_406, %swap3A_407] {strides = array<i32>} : memref<64x16xf32, #tpu.memory_space<vmem>>, vector<16xf32>,
    tpu.vector_store %arg11[%swap3A_406, %swap3A_407], %scan3A_215#19 {strides = array<i32>} : memref<64x16xf32, #tpu.memory_space<vmem>>, vector<16xf32>,
    %swap3A_409 = arith.constant 39 : i32
    %swap3A_410 = arith.index_cast %swap3A_409 : i32 to index
    %swap3A_411 = arith.constant 0 : index
    %swap3A_412 = tpu.vector_load %arg11[%swap3A_410, %swap3A_411] {strides = array<i32>} : memref<64x16xf32, #tpu.memory_space<vmem>>, vector<16xf32>,
    tpu.vector_store %arg11[%swap3A_410, %swap3A_411], %scan3A_215#20 {strides = array<i32>} : memref<64x16xf32, #tpu.memory_space<vmem>>, vector<16xf32>,
    %swap3A_413 = arith.constant 40 : i32
    %swap3A_414 = arith.index_cast %swap3A_413 : i32 to index
    %swap3A_415 = arith.constant 0 : index
    %swap3A_416 = tpu.vector_load %arg11[%swap3A_414, %swap3A_415] {strides = array<i32>} : memref<64x16xf32, #tpu.memory_space<vmem>>, vector<16xf32>,
    tpu.vector_store %arg11[%swap3A_414, %swap3A_415], %scan3A_251#0 {strides = array<i32>} : memref<64x16xf32, #tpu.memory_space<vmem>>, vector<16xf32>,
    %swap3A_417 = arith.constant 41 : i32
    %swap3A_418 = arith.index_cast %swap3A_417 : i32 to index
    %swap3A_419 = arith.constant 0 : index
    %swap3A_420 = tpu.vector_load %arg11[%swap3A_418, %swap3A_419] {strides = array<i32>} : memref<64x16xf32, #tpu.memory_space<vmem>>, vector<16xf32>,
    tpu.vector_store %arg11[%swap3A_418, %swap3A_419], %scan3A_251#1 {strides = array<i32>} : memref<64x16xf32, #tpu.memory_space<vmem>>, vector<16xf32>,
    %swap3A_421 = arith.constant 42 : i32
    %swap3A_422 = arith.index_cast %swap3A_421 : i32 to index
    %swap3A_423 = arith.constant 0 : index
    %swap3A_424 = tpu.vector_load %arg11[%swap3A_422, %swap3A_423] {strides = array<i32>} : memref<64x16xf32, #tpu.memory_space<vmem>>, vector<16xf32>,
    tpu.vector_store %arg11[%swap3A_422, %swap3A_423], %scan3A_251#2 {strides = array<i32>} : memref<64x16xf32, #tpu.memory_space<vmem>>, vector<16xf32>,
    %swap3A_425 = arith.constant 43 : i32
    %swap3A_426 = arith.index_cast %swap3A_425 : i32 to index
    %swap3A_427 = arith.constant 0 : index
    %swap3A_428 = tpu.vector_load %arg11[%swap3A_426, %swap3A_427] {strides = array<i32>} : memref<64x16xf32, #tpu.memory_space<vmem>>, vector<16xf32>,
    tpu.vector_store %arg11[%swap3A_426, %swap3A_427], %scan3A_251#3 {strides = array<i32>} : memref<64x16xf32, #tpu.memory_space<vmem>>, vector<16xf32>,
    %swap3A_429 = arith.constant 44 : i32
    %swap3A_430 = arith.index_cast %swap3A_429 : i32 to index
    %swap3A_431 = arith.constant 0 : index
    %swap3A_432 = tpu.vector_load %arg11[%swap3A_430, %swap3A_431] {strides = array<i32>} : memref<64x16xf32, #tpu.memory_space<vmem>>, vector<16xf32>,
    tpu.vector_store %arg11[%swap3A_430, %swap3A_431], %scan3A_251#4 {strides = array<i32>} : memref<64x16xf32, #tpu.memory_space<vmem>>, vector<16xf32>,
    %swap3A_433 = arith.constant 45 : i32
    %swap3A_434 = arith.index_cast %swap3A_433 : i32 to index
    %swap3A_435 = arith.constant 0 : index
    %swap3A_436 = tpu.vector_load %arg11[%swap3A_434, %swap3A_435] {strides = array<i32>} : memref<64x16xf32, #tpu.memory_space<vmem>>, vector<16xf32>,
    tpu.vector_store %arg11[%swap3A_434, %swap3A_435], %scan3A_251#5 {strides = array<i32>} : memref<64x16xf32, #tpu.memory_space<vmem>>, vector<16xf32>,
    %swap3A_437 = arith.constant 46 : i32
    %swap3A_438 = arith.index_cast %swap3A_437 : i32 to index
    %swap3A_439 = arith.constant 0 : index
    %swap3A_440 = tpu.vector_load %arg11[%swap3A_438, %swap3A_439] {strides = array<i32>} : memref<64x16xf32, #tpu.memory_space<vmem>>, vector<16xf32>,
    tpu.vector_store %arg11[%swap3A_438, %swap3A_439], %scan3A_251#6 {strides = array<i32>} : memref<64x16xf32, #tpu.memory_space<vmem>>, vector<16xf32>,
    %swap3A_441 = arith.constant 47 : i32
    %swap3A_442 = arith.index_cast %swap3A_441 : i32 to index
    %swap3A_443 = arith.constant 0 : index
    %swap3A_444 = tpu.vector_load %arg11[%swap3A_442, %swap3A_443] {strides = array<i32>} : memref<64x16xf32, #tpu.memory_space<vmem>>, vector<16xf32>,
    tpu.vector_store %arg11[%swap3A_442, %swap3A_443], %scan3A_251#7 {strides = array<i32>} : memref<64x16xf32, #tpu.memory_space<vmem>>, vector<16xf32>,
    %swap3A_445 = arith.constant 48 : i32
    %swap3A_446 = arith.index_cast %swap3A_445 : i32 to index
    %swap3A_447 = arith.constant 0 : index
    %swap3A_448 = tpu.vector_load %arg11[%swap3A_446, %swap3A_447] {strides = array<i32>} : memref<64x16xf32, #tpu.memory_space<vmem>>, vector<16xf32>,
    tpu.vector_store %arg11[%swap3A_446, %swap3A_447], %scan3A_251#8 {strides = array<i32>} : memref<64x16xf32, #tpu.memory_space<vmem>>, vector<16xf32>,
    %swap3A_449 = arith.constant 49 : i32
    %swap3A_450 = arith.index_cast %swap3A_449 : i32 to index
    %swap3A_451 = arith.constant 0 : index
    %swap3A_452 = tpu.vector_load %arg11[%swap3A_450, %swap3A_451] {strides = array<i32>} : memref<64x16xf32, #tpu.memory_space<vmem>>, vector<16xf32>,
    tpu.vector_store %arg11[%swap3A_450, %swap3A_451], %scan3A_251#9 {strides = array<i32>} : memref<64x16xf32, #tpu.memory_space<vmem>>, vector<16xf32>,
    %swap3A_453 = arith.constant 50 : i32
    %swap3A_454 = arith.index_cast %swap3A_453 : i32 to index
    %swap3A_455 = arith.constant 0 : index
    %swap3A_456 = tpu.vector_load %arg11[%swap3A_454, %swap3A_455] {strides = array<i32>} : memref<64x16xf32, #tpu.memory_space<vmem>>, vector<16xf32>,
    tpu.vector_store %arg11[%swap3A_454, %swap3A_455], %scan3A_251#10 {strides = array<i32>} : memref<64x16xf32, #tpu.memory_space<vmem>>, vector<16xf32>,
    %swap3A_457 = arith.constant 51 : i32
    %swap3A_458 = arith.index_cast %swap3A_457 : i32 to index
    %swap3A_459 = arith.constant 0 : index
    %swap3A_460 = tpu.vector_load %arg11[%swap3A_458, %swap3A_459] {strides = array<i32>} : memref<64x16xf32, #tpu.memory_space<vmem>>, vector<16xf32>,
    tpu.vector_store %arg11[%swap3A_458, %swap3A_459], %scan3A_251#11 {strides = array<i32>} : memref<64x16xf32, #tpu.memory_space<vmem>>, vector<16xf32>,
    %swap3A_461 = arith.constant 52 : i32
    %swap3A_462 = arith.index_cast %swap3A_461 : i32 to index
    %swap3A_463 = arith.constant 0 : index
    %swap3A_464 = tpu.vector_load %arg11[%swap3A_462, %swap3A_463] {strides = array<i32>} : memref<64x16xf32, #tpu.memory_space<vmem>>, vector<16xf32>,
    tpu.vector_store %arg11[%swap3A_462, %swap3A_463], %scan3A_251#12 {strides = array<i32>} : memref<64x16xf32, #tpu.memory_space<vmem>>, vector<16xf32>,
    %swap3A_465 = arith.constant 53 : i32
    %swap3A_466 = arith.index_cast %swap3A_465 : i32 to index
    %swap3A_467 = arith.constant 0 : index
    %swap3A_468 = tpu.vector_load %arg11[%swap3A_466, %swap3A_467] {strides = array<i32>} : memref<64x16xf32, #tpu.memory_space<vmem>>, vector<16xf32>,
    tpu.vector_store %arg11[%swap3A_466, %swap3A_467], %scan3A_251#13 {strides = array<i32>} : memref<64x16xf32, #tpu.memory_space<vmem>>, vector<16xf32>,
    %swap3A_469 = arith.constant 54 : i32
    %swap3A_470 = arith.index_cast %swap3A_469 : i32 to index
    %swap3A_471 = arith.constant 0 : index
    %swap3A_472 = tpu.vector_load %arg11[%swap3A_470, %swap3A_471] {strides = array<i32>} : memref<64x16xf32, #tpu.memory_space<vmem>>, vector<16xf32>,
    tpu.vector_store %arg11[%swap3A_470, %swap3A_471], %scan3A_251#14 {strides = array<i32>} : memref<64x16xf32, #tpu.memory_space<vmem>>, vector<16xf32>,
    %broadcast_in_dim3A_473 = arith.constant 0.000000e+00 : f32
    %broadcast_in_dim3A_474 = vector.broadcast %broadcast_in_dim3A_473 : f32 to vector<16xf32>
    %swap3A_475 = arith.constant 55 : i32
    %swap3A_476 = arith.index_cast %swap3A_475 : i32 to index
    %swap3A_477 = arith.constant 0 : index
    %swap3A_478 = tpu.vector_load %arg11[%swap3A_476, %swap3A_477] {strides = array<i32>} : memref<64x16xf32, #tpu.memory_space<vmem>>, vector<16xf32>,
    tpu.vector_store %arg11[%swap3A_476, %swap3A_477], %broadcast_in_dim3A_474 {strides = array<i32>} : memref<64x16xf32, #tpu.memory_space<vmem>>, vector<16xf32>,
    %swap3A_479 = arith.constant 56 : i32
    %swap3A_480 = arith.index_cast %swap3A_479 : i32 to index
    %swap3A_481 = arith.constant 0 : index
    %swap3A_482 = tpu.vector_load %arg11[%swap3A_480, %swap3A_481] {strides = array<i32>} : memref<64x16xf32, #tpu.memory_space<vmem>>, vector<16xf32>,
    tpu.vector_store %arg11[%swap3A_480, %swap3A_481], %broadcast_in_dim3A_474 {strides = array<i32>} : memref<64x16xf32, #tpu.memory_space<vmem>>, vector<16xf32>,
    %swap3A_483 = arith.constant 57 : i32
    %swap3A_484 = arith.index_cast %swap3A_483 : i32 to index
    %swap3A_485 = arith.constant 0 : index
    %swap3A_486 = tpu.vector_load %arg11[%swap3A_484, %swap3A_485] {strides = array<i32>} : memref<64x16xf32, #tpu.memory_space<vmem>>, vector<16xf32>,
    tpu.vector_store %arg11[%swap3A_484, %swap3A_485], %broadcast_in_dim3A_474 {strides = array<i32>} : memref<64x16xf32, #tpu.memory_space<vmem>>, vector<16xf32>,
    %swap3A_487 = arith.constant 58 : i32
    %swap3A_488 = arith.index_cast %swap3A_487 : i32 to index
    %swap3A_489 = arith.constant 0 : index
    %swap3A_490 = tpu.vector_load %arg11[%swap3A_488, %swap3A_489] {strides = array<i32>} : memref<64x16xf32, #tpu.memory_space<vmem>>, vector<16xf32>,
    tpu.vector_store %arg11[%swap3A_488, %swap3A_489], %broadcast_in_dim3A_474 {strides = array<i32>} : memref<64x16xf32, #tpu.memory_space<vmem>>, vector<16xf32>,
    %swap3A_491 = arith.constant 59 : i32
    %swap3A_492 = arith.index_cast %swap3A_491 : i32 to index
    %swap3A_493 = arith.constant 0 : index
    %swap3A_494 = tpu.vector_load %arg11[%swap3A_492, %swap3A_493] {strides = array<i32>} : memref<64x16xf32, #tpu.memory_space<vmem>>, vector<16xf32>,
    tpu.vector_store %arg11[%swap3A_492, %swap3A_493], %broadcast_in_dim3A_474 {strides = array<i32>} : memref<64x16xf32, #tpu.memory_space<vmem>>, vector<16xf32>,
    %swap3A_495 = arith.constant 60 : i32
    %swap3A_496 = arith.index_cast %swap3A_495 : i32 to index
    %swap3A_497 = arith.constant 0 : index
    %swap3A_498 = tpu.vector_load %arg11[%swap3A_496, %swap3A_497] {strides = array<i32>} : memref<64x16xf32, #tpu.memory_space<vmem>>, vector<16xf32>,
    tpu.vector_store %arg11[%swap3A_496, %swap3A_497], %broadcast_in_dim3A_474 {strides = array<i32>} : memref<64x16xf32, #tpu.memory_space<vmem>>, vector<16xf32>,
    %swap3A_499 = arith.constant 61 : i32
    %swap3A_500 = arith.index_cast %swap3A_499 : i32 to index
    %swap3A_501 = arith.constant 0 : index
    %swap3A_502 = tpu.vector_load %arg11[%swap3A_500, %swap3A_501] {strides = array<i32>} : memref<64x16xf32, #tpu.memory_space<vmem>>, vector<16xf32>,
    tpu.vector_store %arg11[%swap3A_500, %swap3A_501], %broadcast_in_dim3A_474 {strides = array<i32>} : memref<64x16xf32, #tpu.memory_space<vmem>>, vector<16xf32>,
    %swap3A_503 = arith.constant 62 : i32
    %swap3A_504 = arith.index_cast %swap3A_503 : i32 to index
    %swap3A_505 = arith.constant 0 : index
    %swap3A_506 = tpu.vector_load %arg11[%swap3A_504, %swap3A_505] {strides = array<i32>} : memref<64x16xf32, #tpu.memory_space<vmem>>, vector<16xf32>,
    tpu.vector_store %arg11[%swap3A_504, %swap3A_505], %broadcast_in_dim3A_474 {strides = array<i32>} : memref<64x16xf32, #tpu.memory_space<vmem>>, vector<16xf32>,
    %swap3A_507 = arith.constant 63 : i32
    %swap3A_508 = arith.index_cast %swap3A_507 : i32 to index
    %swap3A_509 = arith.constant 0 : index
    %swap3A_510 = tpu.vector_load %arg11[%swap3A_508, %swap3A_509] {strides = array<i32>} : memref<64x16xf32, #tpu.memory_space<vmem>>, vector<16xf32>,
    tpu.vector_store %arg11[%swap3A_508, %swap3A_509], %broadcast_in_dim3A_474 {strides = array<i32>} : memref<64x16xf32, #tpu.memory_space<vmem>>, vector<16xf32>,
    %add3A_511 = arith.constant 0 : i32
    %add3A_512 = vector.broadcast %add3A_511 : i32 to vector<16xi32>
    %add3A_513 = arith.addi %iota3A, %add3A_512 : vector<16xi32>
    %broadcast_in_dim3A_514 = arith.constant 0.000000e+00 : f32
    %broadcast_in_dim3A_515 = vector.broadcast %broadcast_in_dim3A_514 : f32 to vector<16xf32>
    %broadcast_in_dim3A_516 = arith.constant 0 : i32
    %broadcast_in_dim3A_517 = vector.broadcast %broadcast_in_dim3A_516 : i32 to vector<16xi32>
    %gather3A = tpu.vector_load_idx %arg11[%add3A_513, %broadcast_in_dim3A_517] : memref<64x16xf32, #tpu.memory_space<vmem>>[vector<16xi32>, vector<16xi32>], vector<16xf32>,
    %add3A_518 = arith.addf %broadcast_in_dim3A_515, %gather3A : vector<16xf32>
    %broadcast_in_dim3A_519 = arith.constant 1 : i32
    %broadcast_in_dim3A_520 = vector.broadcast %broadcast_in_dim3A_519 : i32 to vector<16xi32>
    %gather3A_521 = tpu.vector_load_idx %arg11[%add3A_513, %broadcast_in_dim3A_520] : memref<64x16xf32, #tpu.memory_space<vmem>>[vector<16xi32>, vector<16xi32>], vector<16xf32>,
    %add3A_522 = arith.addf %add3A_518, %gather3A_521 : vector<16xf32>
    %broadcast_in_dim3A_523 = arith.constant 2 : i32
    %broadcast_in_dim3A_524 = vector.broadcast %broadcast_in_dim3A_523 : i32 to vector<16xi32>
    %gather3A_525 = tpu.vector_load_idx %arg11[%add3A_513, %broadcast_in_dim3A_524] : memref<64x16xf32, #tpu.memory_space<vmem>>[vector<16xi32>, vector<16xi32>], vector<16xf32>,
    %add3A_526 = arith.addf %add3A_522, %gather3A_525 : vector<16xf32>
    %broadcast_in_dim3A_527 = arith.constant 3 : i32
    %broadcast_in_dim3A_528 = vector.broadcast %broadcast_in_dim3A_527 : i32 to vector<16xi32>
    %gather3A_529 = tpu.vector_load_idx %arg11[%add3A_513, %broadcast_in_dim3A_528] : memref<64x16xf32, #tpu.memory_space<vmem>>[vector<16xi32>, vector<16xi32>], vector<16xf32>,
    %add3A_530 = arith.addf %add3A_526, %gather3A_529 : vector<16xf32>
    %broadcast_in_dim3A_531 = arith.constant 4 : i32
    %broadcast_in_dim3A_532 = vector.broadcast %broadcast_in_dim3A_531 : i32 to vector<16xi32>
    %gather3A_533 = tpu.vector_load_idx %arg11[%add3A_513, %broadcast_in_dim3A_532] : memref<64x16xf32, #tpu.memory_space<vmem>>[vector<16xi32>, vector<16xi32>], vector<16xf32>,
    %add3A_534 = arith.addf %add3A_530, %gather3A_533 : vector<16xf32>
    %broadcast_in_dim3A_535 = arith.constant 5 : i32
    %broadcast_in_dim3A_536 = vector.broadcast %broadcast_in_dim3A_535 : i32 to vector<16xi32>
    %gather3A_537 = tpu.vector_load_idx %arg11[%add3A_513, %broadcast_in_dim3A_536] : memref<64x16xf32, #tpu.memory_space<vmem>>[vector<16xi32>, vector<16xi32>], vector<16xf32>,
    %add3A_538 = arith.addf %add3A_534, %gather3A_537 : vector<16xf32>
    %broadcast_in_dim3A_539 = arith.constant 6 : i32
    %broadcast_in_dim3A_540 = vector.broadcast %broadcast_in_dim3A_539 : i32 to vector<16xi32>
    %gather3A_541 = tpu.vector_load_idx %arg11[%add3A_513, %broadcast_in_dim3A_540] : memref<64x16xf32, #tpu.memory_space<vmem>>[vector<16xi32>, vector<16xi32>], vector<16xf32>,
    %add3A_542 = arith.addf %add3A_538, %gather3A_541 : vector<16xf32>
    %broadcast_in_dim3A_543 = arith.constant 7 : i32
    %broadcast_in_dim3A_544 = vector.broadcast %broadcast_in_dim3A_543 : i32 to vector<16xi32>
    %gather3A_545 = tpu.vector_load_idx %arg11[%add3A_513, %broadcast_in_dim3A_544] : memref<64x16xf32, #tpu.memory_space<vmem>>[vector<16xi32>, vector<16xi32>], vector<16xf32>,
    %add3A_546 = arith.addf %add3A_542, %gather3A_545 : vector<16xf32>
    %broadcast_in_dim3A_547 = arith.constant 8 : i32
    %broadcast_in_dim3A_548 = vector.broadcast %broadcast_in_dim3A_547 : i32 to vector<16xi32>
    %gather3A_549 = tpu.vector_load_idx %arg11[%add3A_513, %broadcast_in_dim3A_548] : memref<64x16xf32, #tpu.memory_space<vmem>>[vector<16xi32>, vector<16xi32>], vector<16xf32>,
    %add3A_550 = arith.addf %add3A_546, %gather3A_549 : vector<16xf32>
    %broadcast_in_dim3A_551 = arith.constant 9 : i32
    %broadcast_in_dim3A_552 = vector.broadcast %broadcast_in_dim3A_551 : i32 to vector<16xi32>
    %gather3A_553 = tpu.vector_load_idx %arg11[%add3A_513, %broadcast_in_dim3A_552] : memref<64x16xf32, #tpu.memory_space<vmem>>[vector<16xi32>, vector<16xi32>], vector<16xf32>,
    %add3A_554 = arith.addf %add3A_550, %gather3A_553 : vector<16xf32>
    %broadcast_in_dim3A_555 = arith.constant 10 : i32
    %broadcast_in_dim3A_556 = vector.broadcast %broadcast_in_dim3A_555 : i32 to vector<16xi32>
    %gather3A_557 = tpu.vector_load_idx %arg11[%add3A_513, %broadcast_in_dim3A_556] : memref<64x16xf32, #tpu.memory_space<vmem>>[vector<16xi32>, vector<16xi32>], vector<16xf32>,
    %add3A_558 = arith.addf %add3A_554, %gather3A_557 : vector<16xf32>
    %broadcast_in_dim3A_559 = arith.constant 11 : i32
    %broadcast_in_dim3A_560 = vector.broadcast %broadcast_in_dim3A_559 : i32 to vector<16xi32>
    %gather3A_561 = tpu.vector_load_idx %arg11[%add3A_513, %broadcast_in_dim3A_560] : memref<64x16xf32, #tpu.memory_space<vmem>>[vector<16xi32>, vector<16xi32>], vector<16xf32>,
    %add3A_562 = arith.addf %add3A_558, %gather3A_561 : vector<16xf32>
    %broadcast_in_dim3A_563 = arith.constant 12 : i32
    %broadcast_in_dim3A_564 = vector.broadcast %broadcast_in_dim3A_563 : i32 to vector<16xi32>
    %gather3A_565 = tpu.vector_load_idx %arg11[%add3A_513, %broadcast_in_dim3A_564] : memref<64x16xf32, #tpu.memory_space<vmem>>[vector<16xi32>, vector<16xi32>], vector<16xf32>,
    %add3A_566 = arith.addf %add3A_562, %gather3A_565 : vector<16xf32>
    %broadcast_in_dim3A_567 = arith.constant 13 : i32
    %broadcast_in_dim3A_568 = vector.broadcast %broadcast_in_dim3A_567 : i32 to vector<16xi32>
    %gather3A_569 = tpu.vector_load_idx %arg11[%add3A_513, %broadcast_in_dim3A_568] : memref<64x16xf32, #tpu.memory_space<vmem>>[vector<16xi32>, vector<16xi32>], vector<16xf32>,
    %add3A_570 = arith.addf %add3A_566, %gather3A_569 : vector<16xf32>
    %broadcast_in_dim3A_571 = arith.constant 14 : i32
    %broadcast_in_dim3A_572 = vector.broadcast %broadcast_in_dim3A_571 : i32 to vector<16xi32>
    %gather3A_573 = tpu.vector_load_idx %arg11[%add3A_513, %broadcast_in_dim3A_572] : memref<64x16xf32, #tpu.memory_space<vmem>>[vector<16xi32>, vector<16xi32>], vector<16xf32>,
    %add3A_574 = arith.addf %add3A_570, %gather3A_573 : vector<16xf32>
    %broadcast_in_dim3A_575 = arith.constant 15 : i32
    %broadcast_in_dim3A_576 = vector.broadcast %broadcast_in_dim3A_575 : i32 to vector<16xi32>
    %gather3A_577 = tpu.vector_load_idx %arg11[%add3A_513, %broadcast_in_dim3A_576] : memref<64x16xf32, #tpu.memory_space<vmem>>[vector<16xi32>, vector<16xi32>], vector<16xf32>,
    %add3A_578 = arith.addf %add3A_574, %gather3A_577 : vector<16xf32>
    %swap3A_579 = arith.constant 0 : i32
    %swap3A_580 = arith.index_cast %swap3A_579 : i32 to index
    %swap3A_581 = arith.constant 0 : index
    %swap3A_582 = tpu.vector_load %arg14[%swap3A_580, %swap3A_581] {strides = array<i32>} : memref<4x16xf32, #tpu.memory_space<vmem>>, vector<16xf32>,
    tpu.vector_store %arg14[%swap3A_580, %swap3A_581], %add3A_578 {strides = array<i32>} : memref<4x16xf32, #tpu.memory_space<vmem>>, vector<16xf32>,
    %add3A_583 = arith.constant 16 : i32
    %add3A_584 = vector.broadcast %add3A_583 : i32 to vector<16xi32>
    %add3A_585 = arith.addi %iota3A, %add3A_584 : vector<16xi32>
    %broadcast_in_dim3A_586 = arith.constant 0.000000e+00 : f32
    %broadcast_in_dim3A_587 = vector.broadcast %broadcast_in_dim3A_586 : f32 to vector<16xf32>
    %broadcast_in_dim3A_588 = arith.constant 0 : i32
    %broadcast_in_dim3A_589 = vector.broadcast %broadcast_in_dim3A_588 : i32 to vector<16xi32>
    %gather3A_590 = tpu.vector_load_idx %arg11[%add3A_585, %broadcast_in_dim3A_589] : memref<64x16xf32, #tpu.memory_space<vmem>>[vector<16xi32>, vector<16xi32>], vector<16xf32>,
    %add3A_591 = arith.addf %broadcast_in_dim3A_587, %gather3A_590 : vector<16xf32>
    %broadcast_in_dim3A_592 = arith.constant 1 : i32
    %broadcast_in_dim3A_593 = vector.broadcast %broadcast_in_dim3A_592 : i32 to vector<16xi32>
    %gather3A_594 = tpu.vector_load_idx %arg11[%add3A_585, %broadcast_in_dim3A_593] : memref<64x16xf32, #tpu.memory_space<vmem>>[vector<16xi32>, vector<16xi32>], vector<16xf32>,
    %add3A_595 = arith.addf %add3A_591, %gather3A_594 : vector<16xf32>
    %broadcast_in_dim3A_596 = arith.constant 2 : i32
    %broadcast_in_dim3A_597 = vector.broadcast %broadcast_in_dim3A_596 : i32 to vector<16xi32>
    %gather3A_598 = tpu.vector_load_idx %arg11[%add3A_585, %broadcast_in_dim3A_597] : memref<64x16xf32, #tpu.memory_space<vmem>>[vector<16xi32>, vector<16xi32>], vector<16xf32>,
    %add3A_599 = arith.addf %add3A_595, %gather3A_598 : vector<16xf32>
    %broadcast_in_dim3A_600 = arith.constant 3 : i32
    %broadcast_in_dim3A_601 = vector.broadcast %broadcast_in_dim3A_600 : i32 to vector<16xi32>
    %gather3A_602 = tpu.vector_load_idx %arg11[%add3A_585, %broadcast_in_dim3A_601] : memref<64x16xf32, #tpu.memory_space<vmem>>[vector<16xi32>, vector<16xi32>], vector<16xf32>,
    %add3A_603 = arith.addf %add3A_599, %gather3A_602 : vector<16xf32>
    %broadcast_in_dim3A_604 = arith.constant 4 : i32
    %broadcast_in_dim3A_605 = vector.broadcast %broadcast_in_dim3A_604 : i32 to vector<16xi32>
    %gather3A_606 = tpu.vector_load_idx %arg11[%add3A_585, %broadcast_in_dim3A_605] : memref<64x16xf32, #tpu.memory_space<vmem>>[vector<16xi32>, vector<16xi32>], vector<16xf32>,
    %add3A_607 = arith.addf %add3A_603, %gather3A_606 : vector<16xf32>
    %broadcast_in_dim3A_608 = arith.constant 5 : i32
    %broadcast_in_dim3A_609 = vector.broadcast %broadcast_in_dim3A_608 : i32 to vector<16xi32>
    %gather3A_610 = tpu.vector_load_idx %arg11[%add3A_585, %broadcast_in_dim3A_609] : memref<64x16xf32, #tpu.memory_space<vmem>>[vector<16xi32>, vector<16xi32>], vector<16xf32>,
    %add3A_611 = arith.addf %add3A_607, %gather3A_610 : vector<16xf32>
    %broadcast_in_dim3A_612 = arith.constant 6 : i32
    %broadcast_in_dim3A_613 = vector.broadcast %broadcast_in_dim3A_612 : i32 to vector<16xi32>
    %gather3A_614 = tpu.vector_load_idx %arg11[%add3A_585, %broadcast_in_dim3A_613] : memref<64x16xf32, #tpu.memory_space<vmem>>[vector<16xi32>, vector<16xi32>], vector<16xf32>,
    %add3A_615 = arith.addf %add3A_611, %gather3A_614 : vector<16xf32>
    %broadcast_in_dim3A_616 = arith.constant 7 : i32
    %broadcast_in_dim3A_617 = vector.broadcast %broadcast_in_dim3A_616 : i32 to vector<16xi32>
    %gather3A_618 = tpu.vector_load_idx %arg11[%add3A_585, %broadcast_in_dim3A_617] : memref<64x16xf32, #tpu.memory_space<vmem>>[vector<16xi32>, vector<16xi32>], vector<16xf32>,
    %add3A_619 = arith.addf %add3A_615, %gather3A_618 : vector<16xf32>
    %broadcast_in_dim3A_620 = arith.constant 8 : i32
    %broadcast_in_dim3A_621 = vector.broadcast %broadcast_in_dim3A_620 : i32 to vector<16xi32>
    %gather3A_622 = tpu.vector_load_idx %arg11[%add3A_585, %broadcast_in_dim3A_621] : memref<64x16xf32, #tpu.memory_space<vmem>>[vector<16xi32>, vector<16xi32>], vector<16xf32>,
    %add3A_623 = arith.addf %add3A_619, %gather3A_622 : vector<16xf32>
    %broadcast_in_dim3A_624 = arith.constant 9 : i32
    %broadcast_in_dim3A_625 = vector.broadcast %broadcast_in_dim3A_624 : i32 to vector<16xi32>
    %gather3A_626 = tpu.vector_load_idx %arg11[%add3A_585, %broadcast_in_dim3A_625] : memref<64x16xf32, #tpu.memory_space<vmem>>[vector<16xi32>, vector<16xi32>], vector<16xf32>,
    %add3A_627 = arith.addf %add3A_623, %gather3A_626 : vector<16xf32>
    %broadcast_in_dim3A_628 = arith.constant 10 : i32
    %broadcast_in_dim3A_629 = vector.broadcast %broadcast_in_dim3A_628 : i32 to vector<16xi32>
    %gather3A_630 = tpu.vector_load_idx %arg11[%add3A_585, %broadcast_in_dim3A_629] : memref<64x16xf32, #tpu.memory_space<vmem>>[vector<16xi32>, vector<16xi32>], vector<16xf32>,
    %add3A_631 = arith.addf %add3A_627, %gather3A_630 : vector<16xf32>
    %broadcast_in_dim3A_632 = arith.constant 11 : i32
    %broadcast_in_dim3A_633 = vector.broadcast %broadcast_in_dim3A_632 : i32 to vector<16xi32>
    %gather3A_634 = tpu.vector_load_idx %arg11[%add3A_585, %broadcast_in_dim3A_633] : memref<64x16xf32, #tpu.memory_space<vmem>>[vector<16xi32>, vector<16xi32>], vector<16xf32>,
    %add3A_635 = arith.addf %add3A_631, %gather3A_634 : vector<16xf32>
    %broadcast_in_dim3A_636 = arith.constant 12 : i32
    %broadcast_in_dim3A_637 = vector.broadcast %broadcast_in_dim3A_636 : i32 to vector<16xi32>
    %gather3A_638 = tpu.vector_load_idx %arg11[%add3A_585, %broadcast_in_dim3A_637] : memref<64x16xf32, #tpu.memory_space<vmem>>[vector<16xi32>, vector<16xi32>], vector<16xf32>,
    %add3A_639 = arith.addf %add3A_635, %gather3A_638 : vector<16xf32>
    %broadcast_in_dim3A_640 = arith.constant 13 : i32
    %broadcast_in_dim3A_641 = vector.broadcast %broadcast_in_dim3A_640 : i32 to vector<16xi32>
    %gather3A_642 = tpu.vector_load_idx %arg11[%add3A_585, %broadcast_in_dim3A_641] : memref<64x16xf32, #tpu.memory_space<vmem>>[vector<16xi32>, vector<16xi32>], vector<16xf32>,
    %add3A_643 = arith.addf %add3A_639, %gather3A_642 : vector<16xf32>
    %broadcast_in_dim3A_644 = arith.constant 14 : i32
    %broadcast_in_dim3A_645 = vector.broadcast %broadcast_in_dim3A_644 : i32 to vector<16xi32>
    %gather3A_646 = tpu.vector_load_idx %arg11[%add3A_585, %broadcast_in_dim3A_645] : memref<64x16xf32, #tpu.memory_space<vmem>>[vector<16xi32>, vector<16xi32>], vector<16xf32>,
    %add3A_647 = arith.addf %add3A_643, %gather3A_646 : vector<16xf32>
    %broadcast_in_dim3A_648 = arith.constant 15 : i32
    %broadcast_in_dim3A_649 = vector.broadcast %broadcast_in_dim3A_648 : i32 to vector<16xi32>
    %gather3A_650 = tpu.vector_load_idx %arg11[%add3A_585, %broadcast_in_dim3A_649] : memref<64x16xf32, #tpu.memory_space<vmem>>[vector<16xi32>, vector<16xi32>], vector<16xf32>,
    %add3A_651 = arith.addf %add3A_647, %gather3A_650 : vector<16xf32>
    %swap3A_652 = arith.constant 1 : i32
    %swap3A_653 = arith.index_cast %swap3A_652 : i32 to index
    %swap3A_654 = arith.constant 0 : index
    %swap3A_655 = tpu.vector_load %arg14[%swap3A_653, %swap3A_654] {strides = array<i32>} : memref<4x16xf32, #tpu.memory_space<vmem>>, vector<16xf32>,
    tpu.vector_store %arg14[%swap3A_653, %swap3A_654], %add3A_651 {strides = array<i32>} : memref<4x16xf32, #tpu.memory_space<vmem>>, vector<16xf32>,
    %add3A_656 = arith.constant 32 : i32
    %add3A_657 = vector.broadcast %add3A_656 : i32 to vector<16xi32>
    %add3A_658 = arith.addi %iota3A, %add3A_657 : vector<16xi32>
    %broadcast_in_dim3A_659 = arith.constant 0.000000e+00 : f32
    %broadcast_in_dim3A_660 = vector.broadcast %broadcast_in_dim3A_659 : f32 to vector<16xf32>
    %broadcast_in_dim3A_661 = arith.constant 0 : i32
    %broadcast_in_dim3A_662 = vector.broadcast %broadcast_in_dim3A_661 : i32 to vector<16xi32>
    %gather3A_663 = tpu.vector_load_idx %arg11[%add3A_658, %broadcast_in_dim3A_662] : memref<64x16xf32, #tpu.memory_space<vmem>>[vector<16xi32>, vector<16xi32>], vector<16xf32>,
    %add3A_664 = arith.addf %broadcast_in_dim3A_660, %gather3A_663 : vector<16xf32>
    %broadcast_in_dim3A_665 = arith.constant 1 : i32
    %broadcast_in_dim3A_666 = vector.broadcast %broadcast_in_dim3A_665 : i32 to vector<16xi32>
    %gather3A_667 = tpu.vector_load_idx %arg11[%add3A_658, %broadcast_in_dim3A_666] : memref<64x16xf32, #tpu.memory_space<vmem>>[vector<16xi32>, vector<16xi32>], vector<16xf32>,
    %add3A_668 = arith.addf %add3A_664, %gather3A_667 : vector<16xf32>
    %broadcast_in_dim3A_669 = arith.constant 2 : i32
    %broadcast_in_dim3A_670 = vector.broadcast %broadcast_in_dim3A_669 : i32 to vector<16xi32>
    %gather3A_671 = tpu.vector_load_idx %arg11[%add3A_658, %broadcast_in_dim3A_670] : memref<64x16xf32, #tpu.memory_space<vmem>>[vector<16xi32>, vector<16xi32>], vector<16xf32>,
    %add3A_672 = arith.addf %add3A_668, %gather3A_671 : vector<16xf32>
    %broadcast_in_dim3A_673 = arith.constant 3 : i32
    %broadcast_in_dim3A_674 = vector.broadcast %broadcast_in_dim3A_673 : i32 to vector<16xi32>
    %gather3A_675 = tpu.vector_load_idx %arg11[%add3A_658, %broadcast_in_dim3A_674] : memref<64x16xf32, #tpu.memory_space<vmem>>[vector<16xi32>, vector<16xi32>], vector<16xf32>,
    %add3A_676 = arith.addf %add3A_672, %gather3A_675 : vector<16xf32>
    %broadcast_in_dim3A_677 = arith.constant 4 : i32
    %broadcast_in_dim3A_678 = vector.broadcast %broadcast_in_dim3A_677 : i32 to vector<16xi32>
    %gather3A_679 = tpu.vector_load_idx %arg11[%add3A_658, %broadcast_in_dim3A_678] : memref<64x16xf32, #tpu.memory_space<vmem>>[vector<16xi32>, vector<16xi32>], vector<16xf32>,
    %add3A_680 = arith.addf %add3A_676, %gather3A_679 : vector<16xf32>
    %broadcast_in_dim3A_681 = arith.constant 5 : i32
    %broadcast_in_dim3A_682 = vector.broadcast %broadcast_in_dim3A_681 : i32 to vector<16xi32>
    %gather3A_683 = tpu.vector_load_idx %arg11[%add3A_658, %broadcast_in_dim3A_682] : memref<64x16xf32, #tpu.memory_space<vmem>>[vector<16xi32>, vector<16xi32>], vector<16xf32>,
    %add3A_684 = arith.addf %add3A_680, %gather3A_683 : vector<16xf32>
    %broadcast_in_dim3A_685 = arith.constant 6 : i32
    %broadcast_in_dim3A_686 = vector.broadcast %broadcast_in_dim3A_685 : i32 to vector<16xi32>
    %gather3A_687 = tpu.vector_load_idx %arg11[%add3A_658, %broadcast_in_dim3A_686] : memref<64x16xf32, #tpu.memory_space<vmem>>[vector<16xi32>, vector<16xi32>], vector<16xf32>,
    %add3A_688 = arith.addf %add3A_684, %gather3A_687 : vector<16xf32>
    %broadcast_in_dim3A_689 = arith.constant 7 : i32
    %broadcast_in_dim3A_690 = vector.broadcast %broadcast_in_dim3A_689 : i32 to vector<16xi32>
    %gather3A_691 = tpu.vector_load_idx %arg11[%add3A_658, %broadcast_in_dim3A_690] : memref<64x16xf32, #tpu.memory_space<vmem>>[vector<16xi32>, vector<16xi32>], vector<16xf32>,
    %add3A_692 = arith.addf %add3A_688, %gather3A_691 : vector<16xf32>
    %broadcast_in_dim3A_693 = arith.constant 8 : i32
    %broadcast_in_dim3A_694 = vector.broadcast %broadcast_in_dim3A_693 : i32 to vector<16xi32>
    %gather3A_695 = tpu.vector_load_idx %arg11[%add3A_658, %broadcast_in_dim3A_694] : memref<64x16xf32, #tpu.memory_space<vmem>>[vector<16xi32>, vector<16xi32>], vector<16xf32>,
    %add3A_696 = arith.addf %add3A_692, %gather3A_695 : vector<16xf32>
    %broadcast_in_dim3A_697 = arith.constant 9 : i32
    %broadcast_in_dim3A_698 = vector.broadcast %broadcast_in_dim3A_697 : i32 to vector<16xi32>
    %gather3A_699 = tpu.vector_load_idx %arg11[%add3A_658, %broadcast_in_dim3A_698] : memref<64x16xf32, #tpu.memory_space<vmem>>[vector<16xi32>, vector<16xi32>], vector<16xf32>,
    %add3A_700 = arith.addf %add3A_696, %gather3A_699 : vector<16xf32>
    %broadcast_in_dim3A_701 = arith.constant 10 : i32
    %broadcast_in_dim3A_702 = vector.broadcast %broadcast_in_dim3A_701 : i32 to vector<16xi32>
    %gather3A_703 = tpu.vector_load_idx %arg11[%add3A_658, %broadcast_in_dim3A_702] : memref<64x16xf32, #tpu.memory_space<vmem>>[vector<16xi32>, vector<16xi32>], vector<16xf32>,
    %add3A_704 = arith.addf %add3A_700, %gather3A_703 : vector<16xf32>
    %broadcast_in_dim3A_705 = arith.constant 11 : i32
    %broadcast_in_dim3A_706 = vector.broadcast %broadcast_in_dim3A_705 : i32 to vector<16xi32>
    %gather3A_707 = tpu.vector_load_idx %arg11[%add3A_658, %broadcast_in_dim3A_706] : memref<64x16xf32, #tpu.memory_space<vmem>>[vector<16xi32>, vector<16xi32>], vector<16xf32>,
    %add3A_708 = arith.addf %add3A_704, %gather3A_707 : vector<16xf32>
    %broadcast_in_dim3A_709 = arith.constant 12 : i32
    %broadcast_in_dim3A_710 = vector.broadcast %broadcast_in_dim3A_709 : i32 to vector<16xi32>
    %gather3A_711 = tpu.vector_load_idx %arg11[%add3A_658, %broadcast_in_dim3A_710] : memref<64x16xf32, #tpu.memory_space<vmem>>[vector<16xi32>, vector<16xi32>], vector<16xf32>,
    %add3A_712 = arith.addf %add3A_708, %gather3A_711 : vector<16xf32>
    %broadcast_in_dim3A_713 = arith.constant 13 : i32
    %broadcast_in_dim3A_714 = vector.broadcast %broadcast_in_dim3A_713 : i32 to vector<16xi32>
    %gather3A_715 = tpu.vector_load_idx %arg11[%add3A_658, %broadcast_in_dim3A_714] : memref<64x16xf32, #tpu.memory_space<vmem>>[vector<16xi32>, vector<16xi32>], vector<16xf32>,
    %add3A_716 = arith.addf %add3A_712, %gather3A_715 : vector<16xf32>
    %broadcast_in_dim3A_717 = arith.constant 14 : i32
    %broadcast_in_dim3A_718 = vector.broadcast %broadcast_in_dim3A_717 : i32 to vector<16xi32>
    %gather3A_719 = tpu.vector_load_idx %arg11[%add3A_658, %broadcast_in_dim3A_718] : memref<64x16xf32, #tpu.memory_space<vmem>>[vector<16xi32>, vector<16xi32>], vector<16xf32>,
    %add3A_720 = arith.addf %add3A_716, %gather3A_719 : vector<16xf32>
    %broadcast_in_dim3A_721 = arith.constant 15 : i32
    %broadcast_in_dim3A_722 = vector.broadcast %broadcast_in_dim3A_721 : i32 to vector<16xi32>
    %gather3A_723 = tpu.vector_load_idx %arg11[%add3A_658, %broadcast_in_dim3A_722] : memref<64x16xf32, #tpu.memory_space<vmem>>[vector<16xi32>, vector<16xi32>], vector<16xf32>,
    %add3A_724 = arith.addf %add3A_720, %gather3A_723 : vector<16xf32>
    %swap3A_725 = arith.constant 2 : i32
    %swap3A_726 = arith.index_cast %swap3A_725 : i32 to index
    %swap3A_727 = arith.constant 0 : index
    %swap3A_728 = tpu.vector_load %arg14[%swap3A_726, %swap3A_727] {strides = array<i32>} : memref<4x16xf32, #tpu.memory_space<vmem>>, vector<16xf32>,
    tpu.vector_store %arg14[%swap3A_726, %swap3A_727], %add3A_724 {strides = array<i32>} : memref<4x16xf32, #tpu.memory_space<vmem>>, vector<16xf32>,
    %add3A_729 = arith.constant 48 : i32
    %add3A_730 = vector.broadcast %add3A_729 : i32 to vector<16xi32>
    %add3A_731 = arith.addi %iota3A, %add3A_730 : vector<16xi32>
    %broadcast_in_dim3A_732 = arith.constant 0.000000e+00 : f32
    %broadcast_in_dim3A_733 = vector.broadcast %broadcast_in_dim3A_732 : f32 to vector<16xf32>
    %broadcast_in_dim3A_734 = arith.constant 0 : i32
    %broadcast_in_dim3A_735 = vector.broadcast %broadcast_in_dim3A_734 : i32 to vector<16xi32>
    %gather3A_736 = tpu.vector_load_idx %arg11[%add3A_731, %broadcast_in_dim3A_735] : memref<64x16xf32, #tpu.memory_space<vmem>>[vector<16xi32>, vector<16xi32>], vector<16xf32>,
    %add3A_737 = arith.addf %broadcast_in_dim3A_733, %gather3A_736 : vector<16xf32>
    %broadcast_in_dim3A_738 = arith.constant 1 : i32
    %broadcast_in_dim3A_739 = vector.broadcast %broadcast_in_dim3A_738 : i32 to vector<16xi32>
    %gather3A_740 = tpu.vector_load_idx %arg11[%add3A_731, %broadcast_in_dim3A_739] : memref<64x16xf32, #tpu.memory_space<vmem>>[vector<16xi32>, vector<16xi32>], vector<16xf32>,
    %add3A_741 = arith.addf %add3A_737, %gather3A_740 : vector<16xf32>
    %broadcast_in_dim3A_742 = arith.constant 2 : i32
    %broadcast_in_dim3A_743 = vector.broadcast %broadcast_in_dim3A_742 : i32 to vector<16xi32>
    %gather3A_744 = tpu.vector_load_idx %arg11[%add3A_731, %broadcast_in_dim3A_743] : memref<64x16xf32, #tpu.memory_space<vmem>>[vector<16xi32>, vector<16xi32>], vector<16xf32>,
    %add3A_745 = arith.addf %add3A_741, %gather3A_744 : vector<16xf32>
    %broadcast_in_dim3A_746 = arith.constant 3 : i32
    %broadcast_in_dim3A_747 = vector.broadcast %broadcast_in_dim3A_746 : i32 to vector<16xi32>
    %gather3A_748 = tpu.vector_load_idx %arg11[%add3A_731, %broadcast_in_dim3A_747] : memref<64x16xf32, #tpu.memory_space<vmem>>[vector<16xi32>, vector<16xi32>], vector<16xf32>,
    %add3A_749 = arith.addf %add3A_745, %gather3A_748 : vector<16xf32>
    %broadcast_in_dim3A_750 = arith.constant 4 : i32
    %broadcast_in_dim3A_751 = vector.broadcast %broadcast_in_dim3A_750 : i32 to vector<16xi32>
    %gather3A_752 = tpu.vector_load_idx %arg11[%add3A_731, %broadcast_in_dim3A_751] : memref<64x16xf32, #tpu.memory_space<vmem>>[vector<16xi32>, vector<16xi32>], vector<16xf32>,
    %add3A_753 = arith.addf %add3A_749, %gather3A_752 : vector<16xf32>
    %broadcast_in_dim3A_754 = arith.constant 5 : i32
    %broadcast_in_dim3A_755 = vector.broadcast %broadcast_in_dim3A_754 : i32 to vector<16xi32>
    %gather3A_756 = tpu.vector_load_idx %arg11[%add3A_731, %broadcast_in_dim3A_755] : memref<64x16xf32, #tpu.memory_space<vmem>>[vector<16xi32>, vector<16xi32>], vector<16xf32>,
    %add3A_757 = arith.addf %add3A_753, %gather3A_756 : vector<16xf32>
    %broadcast_in_dim3A_758 = arith.constant 6 : i32
    %broadcast_in_dim3A_759 = vector.broadcast %broadcast_in_dim3A_758 : i32 to vector<16xi32>
    %gather3A_760 = tpu.vector_load_idx %arg11[%add3A_731, %broadcast_in_dim3A_759] : memref<64x16xf32, #tpu.memory_space<vmem>>[vector<16xi32>, vector<16xi32>], vector<16xf32>,
    %add3A_761 = arith.addf %add3A_757, %gather3A_760 : vector<16xf32>
    %broadcast_in_dim3A_762 = arith.constant 7 : i32
    %broadcast_in_dim3A_763 = vector.broadcast %broadcast_in_dim3A_762 : i32 to vector<16xi32>
    %gather3A_764 = tpu.vector_load_idx %arg11[%add3A_731, %broadcast_in_dim3A_763] : memref<64x16xf32, #tpu.memory_space<vmem>>[vector<16xi32>, vector<16xi32>], vector<16xf32>,
    %add3A_765 = arith.addf %add3A_761, %gather3A_764 : vector<16xf32>
    %broadcast_in_dim3A_766 = arith.constant 8 : i32
    %broadcast_in_dim3A_767 = vector.broadcast %broadcast_in_dim3A_766 : i32 to vector<16xi32>
    %gather3A_768 = tpu.vector_load_idx %arg11[%add3A_731, %broadcast_in_dim3A_767] : memref<64x16xf32, #tpu.memory_space<vmem>>[vector<16xi32>, vector<16xi32>], vector<16xf32>,
    %add3A_769 = arith.addf %add3A_765, %gather3A_768 : vector<16xf32>
    %broadcast_in_dim3A_770 = arith.constant 9 : i32
    %broadcast_in_dim3A_771 = vector.broadcast %broadcast_in_dim3A_770 : i32 to vector<16xi32>
    %gather3A_772 = tpu.vector_load_idx %arg11[%add3A_731, %broadcast_in_dim3A_771] : memref<64x16xf32, #tpu.memory_space<vmem>>[vector<16xi32>, vector<16xi32>], vector<16xf32>,
    %add3A_773 = arith.addf %add3A_769, %gather3A_772 : vector<16xf32>
    %broadcast_in_dim3A_774 = arith.constant 10 : i32
    %broadcast_in_dim3A_775 = vector.broadcast %broadcast_in_dim3A_774 : i32 to vector<16xi32>
    %gather3A_776 = tpu.vector_load_idx %arg11[%add3A_731, %broadcast_in_dim3A_775] : memref<64x16xf32, #tpu.memory_space<vmem>>[vector<16xi32>, vector<16xi32>], vector<16xf32>,
    %add3A_777 = arith.addf %add3A_773, %gather3A_776 : vector<16xf32>
    %broadcast_in_dim3A_778 = arith.constant 11 : i32
    %broadcast_in_dim3A_779 = vector.broadcast %broadcast_in_dim3A_778 : i32 to vector<16xi32>
    %gather3A_780 = tpu.vector_load_idx %arg11[%add3A_731, %broadcast_in_dim3A_779] : memref<64x16xf32, #tpu.memory_space<vmem>>[vector<16xi32>, vector<16xi32>], vector<16xf32>,
    %add3A_781 = arith.addf %add3A_777, %gather3A_780 : vector<16xf32>
    %broadcast_in_dim3A_782 = arith.constant 12 : i32
    %broadcast_in_dim3A_783 = vector.broadcast %broadcast_in_dim3A_782 : i32 to vector<16xi32>
    %gather3A_784 = tpu.vector_load_idx %arg11[%add3A_731, %broadcast_in_dim3A_783] : memref<64x16xf32, #tpu.memory_space<vmem>>[vector<16xi32>, vector<16xi32>], vector<16xf32>,
    %add3A_785 = arith.addf %add3A_781, %gather3A_784 : vector<16xf32>
    %broadcast_in_dim3A_786 = arith.constant 13 : i32
    %broadcast_in_dim3A_787 = vector.broadcast %broadcast_in_dim3A_786 : i32 to vector<16xi32>
    %gather3A_788 = tpu.vector_load_idx %arg11[%add3A_731, %broadcast_in_dim3A_787] : memref<64x16xf32, #tpu.memory_space<vmem>>[vector<16xi32>, vector<16xi32>], vector<16xf32>,
    %add3A_789 = arith.addf %add3A_785, %gather3A_788 : vector<16xf32>
    %broadcast_in_dim3A_790 = arith.constant 14 : i32
    %broadcast_in_dim3A_791 = vector.broadcast %broadcast_in_dim3A_790 : i32 to vector<16xi32>
    %gather3A_792 = tpu.vector_load_idx %arg11[%add3A_731, %broadcast_in_dim3A_791] : memref<64x16xf32, #tpu.memory_space<vmem>>[vector<16xi32>, vector<16xi32>], vector<16xf32>,
    %add3A_793 = arith.addf %add3A_789, %gather3A_792 : vector<16xf32>
    %broadcast_in_dim3A_794 = arith.constant 15 : i32
    %broadcast_in_dim3A_795 = vector.broadcast %broadcast_in_dim3A_794 : i32 to vector<16xi32>
    %gather3A_796 = tpu.vector_load_idx %arg11[%add3A_731, %broadcast_in_dim3A_795] : memref<64x16xf32, #tpu.memory_space<vmem>>[vector<16xi32>, vector<16xi32>], vector<16xf32>,
    %add3A_797 = arith.addf %add3A_793, %gather3A_796 : vector<16xf32>
    %swap3A_798 = arith.constant 3 : i32
    %swap3A_799 = arith.index_cast %swap3A_798 : i32 to index
    %swap3A_800 = arith.constant 0 : index
    %swap3A_801 = tpu.vector_load %arg14[%swap3A_799, %swap3A_800] {strides = array<i32>} : memref<4x16xf32, #tpu.memory_space<vmem>>, vector<16xf32>,
    tpu.vector_store %arg14[%swap3A_799, %swap3A_800], %add3A_797 {strides = array<i32>} : memref<4x16xf32, #tpu.memory_space<vmem>>, vector<16xf32>,
    "tpu.region"() ({
      %run_scoped3A = tpu.sem_alloc : memref<!tpu.dma_semaphore, #tpu.memory_space<semaphore_mem>>
      %dma_start3A_806 = arith.constant 0 : i32
      %dma_start3A_807 = arith.constant 0 : i32
      %dma_start3A_808 = tpu.memref_slice %arg5[%arg0, %arg1, %dma_start3A_806, %dma_start3A_807] : memref<2x16x4x16xf32, #tpu.memory_space<hbm>> -> memref<1x1x4x16xf32, #tpu.memory_space<hbm>>
      %dma_start3A_809 = tpu.memref_squeeze %dma_start3A_808 : memref<1x1x4x16xf32, #tpu.memory_space<hbm>> -> memref<4x16xf32, #tpu.memory_space<hbm>>
      %dma_start3A_810 = arith.constant 0 : i32
      %dma_start3A_811 = arith.constant 0 : i32
      %dma_start3A_812 = tpu.memref_slice %arg5[%arg0, %arg1, %dma_start3A_810, %dma_start3A_811] : memref<2x16x4x16xf32, #tpu.memory_space<hbm>> -> memref<1x1x4x16xf32, #tpu.memory_space<hbm>>
      %dma_start3A_813 = tpu.memref_squeeze %dma_start3A_812 : memref<1x1x4x16xf32, #tpu.memory_space<hbm>> -> memref<4x16xf32, #tpu.memory_space<hbm>>
      tpu.enqueue_dma source(%arg14 : memref<4x16xf32, #tpu.memory_space<vmem>>) target(%dma_start3A_813 : memref<4x16xf32, #tpu.memory_space<hbm>>) target_semaphore(%run_scoped3A : memref<!tpu.dma_semaphore, #tpu.memory_space<semaphore_mem>>)
      %dma_wait3A_814 = arith.constant 0 : i32
      %dma_wait3A_815 = arith.constant 0 : i32
      %dma_wait3A_816 = tpu.memref_slice %arg5[%arg0, %arg1, %dma_wait3A_814, %dma_wait3A_815] : memref<2x16x4x16xf32, #tpu.memory_space<hbm>> -> memref<1x1x4x16xf32, #tpu.memory_space<hbm>>
      %dma_wait3A_817 = tpu.memref_squeeze %dma_wait3A_816 : memref<1x1x4x16xf32, #tpu.memory_space<hbm>> -> memref<4x16xf32, #tpu.memory_space<hbm>>
      %dma_wait3A_818 = arith.constant 0 : i32
      %dma_wait3A_819 = arith.constant 0 : i32
      %dma_wait3A_820 = tpu.memref_slice %arg5[%arg0, %arg1, %dma_wait3A_818, %dma_wait3A_819] : memref<2x16x4x16xf32, #tpu.memory_space<hbm>> -> memref<1x1x4x16xf32, #tpu.memory_space<hbm>>
      %dma_wait3A_821 = tpu.memref_squeeze %dma_wait3A_820 : memref<1x1x4x16xf32, #tpu.memory_space<hbm>> -> memref<4x16xf32, #tpu.memory_space<hbm>>
      tpu.wait_dma2 semaphore(%run_scoped3A : memref<!tpu.dma_semaphore, #tpu.memory_space<semaphore_mem>>) src(%arg14 : memref<4x16xf32, #tpu.memory_space<vmem>>) dst(%dma_wait3A_821 : memref<4x16xf32, #tpu.memory_space<hbm>>)
      tpu.yield
    }) : () -> ()
    %barrier3A_802 = arith.constant 0 : index
    tpu.barrier barrier_id(%barrier3A_802)
    %eq3A_803 = arith.constant 0 : i32
    %eq3A_804 = arith.cmpi eq, %arg1, %eq3A_803 : i32
    %convert_element_type3A = arith.extui %eq3A_804 : i1 to i32
    %cond3A = arith.constant 0 : i32
    %cond3A_805 = arith.cmpi ne, %convert_element_type3A, %cond3A : i32
    scf.if %cond3A_805 {
      "tpu.region"() ({
        %run_scoped3A = tpu.sem_alloc : memref<!tpu.dma_semaphore, #tpu.memory_space<semaphore_mem>>
        %dma_start3A_1678 = arith.constant 0 : i32
        %dma_start3A_1679 = arith.constant 0 : i32
        %dma_start3A_1680 = arith.constant 0 : i32
        %dma_start3A_1681 = tpu.memref_slice %arg5[%arg0, %dma_start3A_1678, %dma_start3A_1679, %dma_start3A_1680] : memref<2x16x4x16xf32, #tpu.memory_space<hbm>> -> memref<1x16x4x16xf32, #tpu.memory_space<hbm>>
        %dma_start3A_1682 = tpu.memref_squeeze %dma_start3A_1681 : memref<1x16x4x16xf32, #tpu.memory_space<hbm>> -> memref<16x4x16xf32, #tpu.memory_space<hbm>>
        %dma_start3A_1683 = arith.constant 0 : i32
        %dma_start3A_1684 = arith.constant 0 : i32
        %dma_start3A_1685 = arith.constant 0 : i32
        %dma_start3A_1686 = tpu.memref_slice %arg5[%arg0, %dma_start3A_1683, %dma_start3A_1684, %dma_start3A_1685] : memref<2x16x4x16xf32, #tpu.memory_space<hbm>> -> memref<1x16x4x16xf32, #tpu.memory_space<hbm>>
        %dma_start3A_1687 = tpu.memref_squeeze %dma_start3A_1686 : memref<1x16x4x16xf32, #tpu.memory_space<hbm>> -> memref<16x4x16xf32, #tpu.memory_space<hbm>>
        tpu.enqueue_dma source(%dma_start3A_1687 : memref<16x4x16xf32, #tpu.memory_space<hbm>>) target(%arg15 : memref<16x4x16xf32, #tpu.memory_space<vmem>>) target_semaphore(%run_scoped3A : memref<!tpu.dma_semaphore, #tpu.memory_space<semaphore_mem>>)
        %dma_wait3A_1688 = arith.constant 0 : i32
        %dma_wait3A_1689 = arith.constant 0 : i32
        %dma_wait3A_1690 = arith.constant 0 : i32
        %dma_wait3A_1691 = tpu.memref_slice %arg5[%arg0, %dma_wait3A_1688, %dma_wait3A_1689, %dma_wait3A_1690] : memref<2x16x4x16xf32, #tpu.memory_space<hbm>> -> memref<1x16x4x16xf32, #tpu.memory_space<hbm>>
        %dma_wait3A_1692 = tpu.memref_squeeze %dma_wait3A_1691 : memref<1x16x4x16xf32, #tpu.memory_space<hbm>> -> memref<16x4x16xf32, #tpu.memory_space<hbm>>
        %dma_wait3A_1693 = arith.constant 0 : i32
        %dma_wait3A_1694 = arith.constant 0 : i32
        %dma_wait3A_1695 = arith.constant 0 : i32
        %dma_wait3A_1696 = tpu.memref_slice %arg5[%arg0, %dma_wait3A_1693, %dma_wait3A_1694, %dma_wait3A_1695] : memref<2x16x4x16xf32, #tpu.memory_space<hbm>> -> memref<1x16x4x16xf32, #tpu.memory_space<hbm>>
        %dma_wait3A_1697 = tpu.memref_squeeze %dma_wait3A_1696 : memref<1x16x4x16xf32, #tpu.memory_space<hbm>> -> memref<16x4x16xf32, #tpu.memory_space<hbm>>
        tpu.wait_dma2 semaphore(%run_scoped3A : memref<!tpu.dma_semaphore, #tpu.memory_space<semaphore_mem>>) src(%dma_wait3A_1697 : memref<16x4x16xf32, #tpu.memory_space<hbm>>) dst(%arg15 : memref<16x4x16xf32, #tpu.memory_space<vmem>>)
        tpu.yield
      }) : () -> ()
      %broadcast_in_dim3A_806 = arith.constant 0.000000e+00 : f32
      %broadcast_in_dim3A_807 = vector.broadcast %broadcast_in_dim3A_806 : f32 to vector<16xf32>
      %get3A_808 = arith.constant 0 : i32
      %get3A_809 = arith.constant 0 : i32
      %get3A_810 = arith.index_cast %get3A_808 : i32 to index
      %get3A_811 = arith.index_cast %get3A_809 : i32 to index
      %get3A_812 = arith.constant 0 : index
      %get3A_813 = tpu.vector_load %arg15[%get3A_810, %get3A_811, %get3A_812] {strides = array<i32>} : memref<16x4x16xf32, #tpu.memory_space<vmem>>, vector<16xf32>,
      %get3A_814 = arith.constant 1 : i32
      %get3A_815 = arith.constant 0 : i32
      %get3A_816 = arith.index_cast %get3A_814 : i32 to index
      %get3A_817 = arith.index_cast %get3A_815 : i32 to index
      %get3A_818 = arith.constant 0 : index
      %get3A_819 = tpu.vector_load %arg15[%get3A_816, %get3A_817, %get3A_818] {strides = array<i32>} : memref<16x4x16xf32, #tpu.memory_space<vmem>>, vector<16xf32>,
      %add3A_820 = arith.addf %get3A_813, %get3A_819 : vector<16xf32>
      %get3A_821 = arith.constant 2 : i32
      %get3A_822 = arith.constant 0 : i32
      %get3A_823 = arith.index_cast %get3A_821 : i32 to index
      %get3A_824 = arith.index_cast %get3A_822 : i32 to index
      %get3A_825 = arith.constant 0 : index
      %get3A_826 = tpu.vector_load %arg15[%get3A_823, %get3A_824, %get3A_825] {strides = array<i32>} : memref<16x4x16xf32, #tpu.memory_space<vmem>>, vector<16xf32>,
      %add3A_827 = arith.addf %add3A_820, %get3A_826 : vector<16xf32>
      %get3A_828 = arith.constant 3 : i32
      %get3A_829 = arith.constant 0 : i32
      %get3A_830 = arith.index_cast %get3A_828 : i32 to index
      %get3A_831 = arith.index_cast %get3A_829 : i32 to index
      %get3A_832 = arith.constant 0 : index
      %get3A_833 = tpu.vector_load %arg15[%get3A_830, %get3A_831, %get3A_832] {strides = array<i32>} : memref<16x4x16xf32, #tpu.memory_space<vmem>>, vector<16xf32>,
      %add3A_834 = arith.addf %add3A_827, %get3A_833 : vector<16xf32>
      %lt3A_835 = arith.constant 0 : i32
      %lt3A_836 = vector.broadcast %lt3A_835 : i32 to vector<16xi32>
      %lt3A_837 = arith.cmpi slt, %iota3A, %lt3A_836 : vector<16xi32>
      %eq3A_838 = arith.constant 0 : i32
      %eq3A_839 = vector.broadcast %eq3A_838 : i32 to vector<16xi32>
      %eq3A_840 = arith.cmpi eq, %iota3A, %eq3A_839 : vector<16xi32>
      %or3A = arith.ori %lt3A_837, %eq3A_840 : vector<16xi1>
      %eq3A_841 = arith.constant 10 : i32
      %eq3A_842 = vector.broadcast %eq3A_841 : i32 to vector<16xi32>
      %eq3A_843 = arith.cmpi eq, %iota3A, %eq3A_842 : vector<16xi32>
      %or3A_844 = arith.ori %or3A, %eq3A_843 : vector<16xi1>
      %jit3A_845 = arith.constant 1.000000e+00 : f32
      %jit3A_846 = arith.constant 0.000000e+00 : f32
      %broadcast_in_dim3A_847 = vector.broadcast %jit3A_845 : f32 to vector<16xf32>
      %broadcast_in_dim3A_848 = vector.broadcast %jit3A_846 : f32 to vector<16xf32>
      %select_n3A_849 = arith.select %or3A_844, %broadcast_in_dim3A_847, %broadcast_in_dim3A_848 : vector<16xi1>, vector<16xf32>
      %jit3A_850 = arith.constant 1.000000e+00 : f32
      %jit3A_851 = arith.constant 2.000000e+00 : f32
      %broadcast_in_dim3A_852 = vector.broadcast %jit3A_850 : f32 to vector<16xf32>
      %broadcast_in_dim3A_853 = vector.broadcast %jit3A_851 : f32 to vector<16xf32>
      %select_n3A_854 = arith.select %or3A_844, %broadcast_in_dim3A_852, %broadcast_in_dim3A_853 : vector<16xi1>, vector<16xf32>
      %sub3A_855 = arith.subf %add3A_834, %select_n3A_849 : vector<16xf32>
      %abs3A = math.absf %sub3A_855 : vector<16xf32>
      %mul3A_856 = arith.mulf %select_n3A_854, %abs3A : vector<16xf32>
      %add3A_857 = arith.addf %broadcast_in_dim3A_807, %mul3A_856 : vector<16xf32>
      %get3A_858 = arith.constant 0 : i32
      %get3A_859 = arith.constant 1 : i32
      %get3A_860 = arith.index_cast %get3A_858 : i32 to index
      %get3A_861 = arith.index_cast %get3A_859 : i32 to index
      %get3A_862 = arith.constant 0 : index
      %get3A_863 = tpu.vector_load %arg15[%get3A_860, %get3A_861, %get3A_862] {strides = array<i32>} : memref<16x4x16xf32, #tpu.memory_space<vmem>>, vector<16xf32>,
      %get3A_864 = arith.constant 1 : i32
      %get3A_865 = arith.constant 1 : i32
      %get3A_866 = arith.index_cast %get3A_864 : i32 to index
      %get3A_867 = arith.index_cast %get3A_865 : i32 to index
      %get3A_868 = arith.constant 0 : index
      %get3A_869 = tpu.vector_load %arg15[%get3A_866, %get3A_867, %get3A_868] {strides = array<i32>} : memref<16x4x16xf32, #tpu.memory_space<vmem>>, vector<16xf32>,
      %add3A_870 = arith.addf %get3A_863, %get3A_869 : vector<16xf32>
      %get3A_871 = arith.constant 2 : i32
      %get3A_872 = arith.constant 1 : i32
      %get3A_873 = arith.index_cast %get3A_871 : i32 to index
      %get3A_874 = arith.index_cast %get3A_872 : i32 to index
      %get3A_875 = arith.constant 0 : index
      %get3A_876 = tpu.vector_load %arg15[%get3A_873, %get3A_874, %get3A_875] {strides = array<i32>} : memref<16x4x16xf32, #tpu.memory_space<vmem>>, vector<16xf32>,
      %add3A_877 = arith.addf %add3A_870, %get3A_876 : vector<16xf32>
      %get3A_878 = arith.constant 3 : i32
      %get3A_879 = arith.constant 1 : i32
      %get3A_880 = arith.index_cast %get3A_878 : i32 to index
      %get3A_881 = arith.index_cast %get3A_879 : i32 to index
      %get3A_882 = arith.constant 0 : index
      %get3A_883 = tpu.vector_load %arg15[%get3A_880, %get3A_881, %get3A_882] {strides = array<i32>} : memref<16x4x16xf32, #tpu.memory_space<vmem>>, vector<16xf32>,
      %add3A_884 = arith.addf %add3A_877, %get3A_883 : vector<16xf32>
      %lt3A_885 = arith.constant 0 : i32
      %lt3A_886 = vector.broadcast %lt3A_885 : i32 to vector<16xi32>
      %lt3A_887 = arith.cmpi slt, %iota3A, %lt3A_886 : vector<16xi32>
      %eq3A_888 = arith.constant 3 : i32
      %eq3A_889 = vector.broadcast %eq3A_888 : i32 to vector<16xi32>
      %eq3A_890 = arith.cmpi eq, %iota3A, %eq3A_889 : vector<16xi32>
      %or3A_891 = arith.ori %lt3A_887, %eq3A_890 : vector<16xi1>
      %eq3A_892 = arith.constant 11 : i32
      %eq3A_893 = vector.broadcast %eq3A_892 : i32 to vector<16xi32>
      %eq3A_894 = arith.cmpi eq, %iota3A, %eq3A_893 : vector<16xi32>
      %or3A_895 = arith.ori %or3A_891, %eq3A_894 : vector<16xi1>
      %jit3A_896 = arith.constant 1.000000e+00 : f32
      %jit3A_897 = arith.constant 0.000000e+00 : f32
      %broadcast_in_dim3A_898 = vector.broadcast %jit3A_896 : f32 to vector<16xf32>
      %broadcast_in_dim3A_899 = vector.broadcast %jit3A_897 : f32 to vector<16xf32>
      %select_n3A_900 = arith.select %or3A_895, %broadcast_in_dim3A_898, %broadcast_in_dim3A_899 : vector<16xi1>, vector<16xf32>
      %jit3A_901 = arith.constant 1.000000e+00 : f32
      %jit3A_902 = arith.constant 2.000000e+00 : f32
      %broadcast_in_dim3A_903 = vector.broadcast %jit3A_901 : f32 to vector<16xf32>
      %broadcast_in_dim3A_904 = vector.broadcast %jit3A_902 : f32 to vector<16xf32>
      %select_n3A_905 = arith.select %or3A_895, %broadcast_in_dim3A_903, %broadcast_in_dim3A_904 : vector<16xi1>, vector<16xf32>
      %sub3A_906 = arith.subf %add3A_884, %select_n3A_900 : vector<16xf32>
      %abs3A_907 = math.absf %sub3A_906 : vector<16xf32>
      %mul3A_908 = arith.mulf %select_n3A_905, %abs3A_907 : vector<16xf32>
      %add3A_909 = arith.addf %add3A_857, %mul3A_908 : vector<16xf32>
      %get3A_910 = arith.constant 0 : i32
      %get3A_911 = arith.constant 2 : i32
      %get3A_912 = arith.index_cast %get3A_910 : i32 to index
      %get3A_913 = arith.index_cast %get3A_911 : i32 to index
      %get3A_914 = arith.constant 0 : index
      %get3A_915 = tpu.vector_load %arg15[%get3A_912, %get3A_913, %get3A_914] {strides = array<i32>} : memref<16x4x16xf32, #tpu.memory_space<vmem>>, vector<16xf32>,
      %get3A_916 = arith.constant 1 : i32
      %get3A_917 = arith.constant 2 : i32
      %get3A_918 = arith.index_cast %get3A_916 : i32 to index
      %get3A_919 = arith.index_cast %get3A_917 : i32 to index
      %get3A_920 = arith.constant 0 : index
      %get3A_921 = tpu.vector_load %arg15[%get3A_918, %get3A_919, %get3A_920] {strides = array<i32>} : memref<16x4x16xf32, #tpu.memory_space<vmem>>, vector<16xf32>,
      %add3A_922 = arith.addf %get3A_915, %get3A_921 : vector<16xf32>
      %get3A_923 = arith.constant 2 : i32
      %get3A_924 = arith.constant 2 : i32
      %get3A_925 = arith.index_cast %get3A_923 : i32 to index
      %get3A_926 = arith.index_cast %get3A_924 : i32 to index
      %get3A_927 = arith.constant 0 : index
      %get3A_928 = tpu.vector_load %arg15[%get3A_925, %get3A_926, %get3A_927] {strides = array<i32>} : memref<16x4x16xf32, #tpu.memory_space<vmem>>, vector<16xf32>,
      %add3A_929 = arith.addf %add3A_922, %get3A_928 : vector<16xf32>
      %get3A_930 = arith.constant 3 : i32
      %get3A_931 = arith.constant 2 : i32
      %get3A_932 = arith.index_cast %get3A_930 : i32 to index
      %get3A_933 = arith.index_cast %get3A_931 : i32 to index
      %get3A_934 = arith.constant 0 : index
      %get3A_935 = tpu.vector_load %arg15[%get3A_932, %get3A_933, %get3A_934] {strides = array<i32>} : memref<16x4x16xf32, #tpu.memory_space<vmem>>, vector<16xf32>,
      %add3A_936 = arith.addf %add3A_929, %get3A_935 : vector<16xf32>
      %lt3A_937 = arith.constant 0 : i32
      %lt3A_938 = vector.broadcast %lt3A_937 : i32 to vector<16xi32>
      %lt3A_939 = arith.cmpi slt, %iota3A, %lt3A_938 : vector<16xi32>
      %eq3A_940 = arith.constant 2 : i32
      %eq3A_941 = vector.broadcast %eq3A_940 : i32 to vector<16xi32>
      %eq3A_942 = arith.cmpi eq, %iota3A, %eq3A_941 : vector<16xi32>
      %or3A_943 = arith.ori %lt3A_939, %eq3A_942 : vector<16xi1>
      %eq3A_944 = arith.constant 8 : i32
      %eq3A_945 = vector.broadcast %eq3A_944 : i32 to vector<16xi32>
      %eq3A_946 = arith.cmpi eq, %iota3A, %eq3A_945 : vector<16xi32>
      %or3A_947 = arith.ori %or3A_943, %eq3A_946 : vector<16xi1>
      %eq3A_948 = arith.constant 13 : i32
      %eq3A_949 = vector.broadcast %eq3A_948 : i32 to vector<16xi32>
      %eq3A_950 = arith.cmpi eq, %iota3A, %eq3A_949 : vector<16xi32>
      %or3A_951 = arith.ori %or3A_947, %eq3A_950 : vector<16xi1>
      %jit3A_952 = arith.constant 1.000000e+00 : f32
      %jit3A_953 = arith.constant 0.000000e+00 : f32
      %broadcast_in_dim3A_954 = vector.broadcast %jit3A_952 : f32 to vector<16xf32>
      %broadcast_in_dim3A_955 = vector.broadcast %jit3A_953 : f32 to vector<16xf32>
      %select_n3A_956 = arith.select %or3A_951, %broadcast_in_dim3A_954, %broadcast_in_dim3A_955 : vector<16xi1>, vector<16xf32>
      %jit3A_957 = arith.constant 1.000000e+00 : f32
      %jit3A_958 = arith.constant 2.000000e+00 : f32
      %broadcast_in_dim3A_959 = vector.broadcast %jit3A_957 : f32 to vector<16xf32>
      %broadcast_in_dim3A_960 = vector.broadcast %jit3A_958 : f32 to vector<16xf32>
      %select_n3A_961 = arith.select %or3A_951, %broadcast_in_dim3A_959, %broadcast_in_dim3A_960 : vector<16xi1>, vector<16xf32>
      %sub3A_962 = arith.subf %add3A_936, %select_n3A_956 : vector<16xf32>
      %abs3A_963 = math.absf %sub3A_962 : vector<16xf32>
      %mul3A_964 = arith.mulf %select_n3A_961, %abs3A_963 : vector<16xf32>
      %add3A_965 = arith.addf %add3A_909, %mul3A_964 : vector<16xf32>
      %get3A_966 = arith.constant 0 : i32
      %get3A_967 = arith.constant 3 : i32
      %get3A_968 = arith.index_cast %get3A_966 : i32 to index
      %get3A_969 = arith.index_cast %get3A_967 : i32 to index
      %get3A_970 = arith.constant 0 : index
      %get3A_971 = tpu.vector_load %arg15[%get3A_968, %get3A_969, %get3A_970] {strides = array<i32>} : memref<16x4x16xf32, #tpu.memory_space<vmem>>, vector<16xf32>,
      %get3A_972 = arith.constant 1 : i32
      %get3A_973 = arith.constant 3 : i32
      %get3A_974 = arith.index_cast %get3A_972 : i32 to index
      %get3A_975 = arith.index_cast %get3A_973 : i32 to index
      %get3A_976 = arith.constant 0 : index
      %get3A_977 = tpu.vector_load %arg15[%get3A_974, %get3A_975, %get3A_976] {strides = array<i32>} : memref<16x4x16xf32, #tpu.memory_space<vmem>>, vector<16xf32>,
      %add3A_978 = arith.addf %get3A_971, %get3A_977 : vector<16xf32>
      %get3A_979 = arith.constant 2 : i32
      %get3A_980 = arith.constant 3 : i32
      %get3A_981 = arith.index_cast %get3A_979 : i32 to index
      %get3A_982 = arith.index_cast %get3A_980 : i32 to index
      %get3A_983 = arith.constant 0 : index
      %get3A_984 = tpu.vector_load %arg15[%get3A_981, %get3A_982, %get3A_983] {strides = array<i32>} : memref<16x4x16xf32, #tpu.memory_space<vmem>>, vector<16xf32>,
      %add3A_985 = arith.addf %add3A_978, %get3A_984 : vector<16xf32>
      %get3A_986 = arith.constant 3 : i32
      %get3A_987 = arith.constant 3 : i32
      %get3A_988 = arith.index_cast %get3A_986 : i32 to index
      %get3A_989 = arith.index_cast %get3A_987 : i32 to index
      %get3A_990 = arith.constant 0 : index
      %get3A_991 = tpu.vector_load %arg15[%get3A_988, %get3A_989, %get3A_990] {strides = array<i32>} : memref<16x4x16xf32, #tpu.memory_space<vmem>>, vector<16xf32>,
      %add3A_992 = arith.addf %add3A_985, %get3A_991 : vector<16xf32>
      %lt3A_993 = arith.constant 0 : i32
      %lt3A_994 = vector.broadcast %lt3A_993 : i32 to vector<16xi32>
      %lt3A_995 = arith.cmpi slt, %iota3A, %lt3A_994 : vector<16xi32>
      %eq3A_996 = arith.constant 1 : i32
      %eq3A_997 = vector.broadcast %eq3A_996 : i32 to vector<16xi32>
      %eq3A_998 = arith.cmpi eq, %iota3A, %eq3A_997 : vector<16xi32>
      %or3A_999 = arith.ori %lt3A_995, %eq3A_998 : vector<16xi1>
      %eq3A_1000 = arith.constant 4 : i32
      %eq3A_1001 = vector.broadcast %eq3A_1000 : i32 to vector<16xi32>
      %eq3A_1002 = arith.cmpi eq, %iota3A, %eq3A_1001 : vector<16xi32>
      %or3A_1003 = arith.ori %or3A_999, %eq3A_1002 : vector<16xi1>
      %eq3A_1004 = arith.constant 6 : i32
      %eq3A_1005 = vector.broadcast %eq3A_1004 : i32 to vector<16xi32>
      %eq3A_1006 = arith.cmpi eq, %iota3A, %eq3A_1005 : vector<16xi32>
      %or3A_1007 = arith.ori %or3A_1003, %eq3A_1006 : vector<16xi1>
      %jit3A_1008 = arith.constant 1.000000e+00 : f32
      %jit3A_1009 = arith.constant 0.000000e+00 : f32
      %broadcast_in_dim3A_1010 = vector.broadcast %jit3A_1008 : f32 to vector<16xf32>
      %broadcast_in_dim3A_1011 = vector.broadcast %jit3A_1009 : f32 to vector<16xf32>
      %select_n3A_1012 = arith.select %or3A_1007, %broadcast_in_dim3A_1010, %broadcast_in_dim3A_1011 : vector<16xi1>, vector<16xf32>
      %jit3A_1013 = arith.constant 1.000000e+00 : f32
      %jit3A_1014 = arith.constant 2.000000e+00 : f32
      %broadcast_in_dim3A_1015 = vector.broadcast %jit3A_1013 : f32 to vector<16xf32>
      %broadcast_in_dim3A_1016 = vector.broadcast %jit3A_1014 : f32 to vector<16xf32>
      %select_n3A_1017 = arith.select %or3A_1007, %broadcast_in_dim3A_1015, %broadcast_in_dim3A_1016 : vector<16xi1>, vector<16xf32>
      %sub3A_1018 = arith.subf %add3A_992, %select_n3A_1012 : vector<16xf32>
      %abs3A_1019 = math.absf %sub3A_1018 : vector<16xf32>
      %mul3A_1020 = arith.mulf %select_n3A_1017, %abs3A_1019 : vector<16xf32>
      %add3A_1021 = arith.addf %add3A_965, %mul3A_1020 : vector<16xf32>
      %get3A_1022 = arith.constant 4 : i32
      %get3A_1023 = arith.constant 0 : i32
      %get3A_1024 = arith.index_cast %get3A_1022 : i32 to index
      %get3A_1025 = arith.index_cast %get3A_1023 : i32 to index
      %get3A_1026 = arith.constant 0 : index
      %get3A_1027 = tpu.vector_load %arg15[%get3A_1024, %get3A_1025, %get3A_1026] {strides = array<i32>} : memref<16x4x16xf32, #tpu.memory_space<vmem>>, vector<16xf32>,
      %get3A_1028 = arith.constant 5 : i32
      %get3A_1029 = arith.constant 0 : i32
      %get3A_1030 = arith.index_cast %get3A_1028 : i32 to index
      %get3A_1031 = arith.index_cast %get3A_1029 : i32 to index
      %get3A_1032 = arith.constant 0 : index
      %get3A_1033 = tpu.vector_load %arg15[%get3A_1030, %get3A_1031, %get3A_1032] {strides = array<i32>} : memref<16x4x16xf32, #tpu.memory_space<vmem>>, vector<16xf32>,
      %add3A_1034 = arith.addf %get3A_1027, %get3A_1033 : vector<16xf32>
      %get3A_1035 = arith.constant 6 : i32
      %get3A_1036 = arith.constant 0 : i32
      %get3A_1037 = arith.index_cast %get3A_1035 : i32 to index
      %get3A_1038 = arith.index_cast %get3A_1036 : i32 to index
      %get3A_1039 = arith.constant 0 : index
      %get3A_1040 = tpu.vector_load %arg15[%get3A_1037, %get3A_1038, %get3A_1039] {strides = array<i32>} : memref<16x4x16xf32, #tpu.memory_space<vmem>>, vector<16xf32>,
      %add3A_1041 = arith.addf %add3A_1034, %get3A_1040 : vector<16xf32>
      %get3A_1042 = arith.constant 7 : i32
      %get3A_1043 = arith.constant 0 : i32
      %get3A_1044 = arith.index_cast %get3A_1042 : i32 to index
      %get3A_1045 = arith.index_cast %get3A_1043 : i32 to index
      %get3A_1046 = arith.constant 0 : index
      %get3A_1047 = tpu.vector_load %arg15[%get3A_1044, %get3A_1045, %get3A_1046] {strides = array<i32>} : memref<16x4x16xf32, #tpu.memory_space<vmem>>, vector<16xf32>,
      %add3A_1048 = arith.addf %add3A_1041, %get3A_1047 : vector<16xf32>
      %lt3A_1049 = arith.constant 0 : i32
      %lt3A_1050 = vector.broadcast %lt3A_1049 : i32 to vector<16xi32>
      %lt3A_1051 = arith.cmpi slt, %iota3A, %lt3A_1050 : vector<16xi32>
      %eq3A_1052 = arith.constant 0 : i32
      %eq3A_1053 = vector.broadcast %eq3A_1052 : i32 to vector<16xi32>
      %eq3A_1054 = arith.cmpi eq, %iota3A, %eq3A_1053 : vector<16xi32>
      %or3A_1055 = arith.ori %lt3A_1051, %eq3A_1054 : vector<16xi1>
      %eq3A_1056 = arith.constant 10 : i32
      %eq3A_1057 = vector.broadcast %eq3A_1056 : i32 to vector<16xi32>
      %eq3A_1058 = arith.cmpi eq, %iota3A, %eq3A_1057 : vector<16xi32>
      %or3A_1059 = arith.ori %or3A_1055, %eq3A_1058 : vector<16xi1>
      %jit3A_1060 = arith.constant 1.000000e+00 : f32
      %jit3A_1061 = arith.constant 0.000000e+00 : f32
      %broadcast_in_dim3A_1062 = vector.broadcast %jit3A_1060 : f32 to vector<16xf32>
      %broadcast_in_dim3A_1063 = vector.broadcast %jit3A_1061 : f32 to vector<16xf32>
      %select_n3A_1064 = arith.select %or3A_1059, %broadcast_in_dim3A_1062, %broadcast_in_dim3A_1063 : vector<16xi1>, vector<16xf32>
      %jit3A_1065 = arith.constant 1.000000e+00 : f32
      %jit3A_1066 = arith.constant 2.000000e+00 : f32
      %broadcast_in_dim3A_1067 = vector.broadcast %jit3A_1065 : f32 to vector<16xf32>
      %broadcast_in_dim3A_1068 = vector.broadcast %jit3A_1066 : f32 to vector<16xf32>
      %select_n3A_1069 = arith.select %or3A_1059, %broadcast_in_dim3A_1067, %broadcast_in_dim3A_1068 : vector<16xi1>, vector<16xf32>
      %sub3A_1070 = arith.subf %add3A_1048, %select_n3A_1064 : vector<16xf32>
      %abs3A_1071 = math.absf %sub3A_1070 : vector<16xf32>
      %mul3A_1072 = arith.mulf %select_n3A_1069, %abs3A_1071 : vector<16xf32>
      %add3A_1073 = arith.addf %add3A_1021, %mul3A_1072 : vector<16xf32>
      %get3A_1074 = arith.constant 4 : i32
      %get3A_1075 = arith.constant 1 : i32
      %get3A_1076 = arith.index_cast %get3A_1074 : i32 to index
      %get3A_1077 = arith.index_cast %get3A_1075 : i32 to index
      %get3A_1078 = arith.constant 0 : index
      %get3A_1079 = tpu.vector_load %arg15[%get3A_1076, %get3A_1077, %get3A_1078] {strides = array<i32>} : memref<16x4x16xf32, #tpu.memory_space<vmem>>, vector<16xf32>,
      %get3A_1080 = arith.constant 5 : i32
      %get3A_1081 = arith.constant 1 : i32
      %get3A_1082 = arith.index_cast %get3A_1080 : i32 to index
      %get3A_1083 = arith.index_cast %get3A_1081 : i32 to index
      %get3A_1084 = arith.constant 0 : index
      %get3A_1085 = tpu.vector_load %arg15[%get3A_1082, %get3A_1083, %get3A_1084] {strides = array<i32>} : memref<16x4x16xf32, #tpu.memory_space<vmem>>, vector<16xf32>,
      %add3A_1086 = arith.addf %get3A_1079, %get3A_1085 : vector<16xf32>
      %get3A_1087 = arith.constant 6 : i32
      %get3A_1088 = arith.constant 1 : i32
      %get3A_1089 = arith.index_cast %get3A_1087 : i32 to index
      %get3A_1090 = arith.index_cast %get3A_1088 : i32 to index
      %get3A_1091 = arith.constant 0 : index
      %get3A_1092 = tpu.vector_load %arg15[%get3A_1089, %get3A_1090, %get3A_1091] {strides = array<i32>} : memref<16x4x16xf32, #tpu.memory_space<vmem>>, vector<16xf32>,
      %add3A_1093 = arith.addf %add3A_1086, %get3A_1092 : vector<16xf32>
      %get3A_1094 = arith.constant 7 : i32
      %get3A_1095 = arith.constant 1 : i32
      %get3A_1096 = arith.index_cast %get3A_1094 : i32 to index
      %get3A_1097 = arith.index_cast %get3A_1095 : i32 to index
      %get3A_1098 = arith.constant 0 : index
      %get3A_1099 = tpu.vector_load %arg15[%get3A_1096, %get3A_1097, %get3A_1098] {strides = array<i32>} : memref<16x4x16xf32, #tpu.memory_space<vmem>>, vector<16xf32>,
      %add3A_1100 = arith.addf %add3A_1093, %get3A_1099 : vector<16xf32>
      %lt3A_1101 = arith.constant 0 : i32
      %lt3A_1102 = vector.broadcast %lt3A_1101 : i32 to vector<16xi32>
      %lt3A_1103 = arith.cmpi slt, %iota3A, %lt3A_1102 : vector<16xi32>
      %eq3A_1104 = arith.constant 3 : i32
      %eq3A_1105 = vector.broadcast %eq3A_1104 : i32 to vector<16xi32>
      %eq3A_1106 = arith.cmpi eq, %iota3A, %eq3A_1105 : vector<16xi32>
      %or3A_1107 = arith.ori %lt3A_1103, %eq3A_1106 : vector<16xi1>
      %eq3A_1108 = arith.constant 11 : i32
      %eq3A_1109 = vector.broadcast %eq3A_1108 : i32 to vector<16xi32>
      %eq3A_1110 = arith.cmpi eq, %iota3A, %eq3A_1109 : vector<16xi32>
      %or3A_1111 = arith.ori %or3A_1107, %eq3A_1110 : vector<16xi1>
      %jit3A_1112 = arith.constant 1.000000e+00 : f32
      %jit3A_1113 = arith.constant 0.000000e+00 : f32
      %broadcast_in_dim3A_1114 = vector.broadcast %jit3A_1112 : f32 to vector<16xf32>
      %broadcast_in_dim3A_1115 = vector.broadcast %jit3A_1113 : f32 to vector<16xf32>
      %select_n3A_1116 = arith.select %or3A_1111, %broadcast_in_dim3A_1114, %broadcast_in_dim3A_1115 : vector<16xi1>, vector<16xf32>
      %jit3A_1117 = arith.constant 1.000000e+00 : f32
      %jit3A_1118 = arith.constant 2.000000e+00 : f32
      %broadcast_in_dim3A_1119 = vector.broadcast %jit3A_1117 : f32 to vector<16xf32>
      %broadcast_in_dim3A_1120 = vector.broadcast %jit3A_1118 : f32 to vector<16xf32>
      %select_n3A_1121 = arith.select %or3A_1111, %broadcast_in_dim3A_1119, %broadcast_in_dim3A_1120 : vector<16xi1>, vector<16xf32>
      %sub3A_1122 = arith.subf %add3A_1100, %select_n3A_1116 : vector<16xf32>
      %abs3A_1123 = math.absf %sub3A_1122 : vector<16xf32>
      %mul3A_1124 = arith.mulf %select_n3A_1121, %abs3A_1123 : vector<16xf32>
      %add3A_1125 = arith.addf %add3A_1073, %mul3A_1124 : vector<16xf32>
      %get3A_1126 = arith.constant 4 : i32
      %get3A_1127 = arith.constant 2 : i32
      %get3A_1128 = arith.index_cast %get3A_1126 : i32 to index
      %get3A_1129 = arith.index_cast %get3A_1127 : i32 to index
      %get3A_1130 = arith.constant 0 : index
      %get3A_1131 = tpu.vector_load %arg15[%get3A_1128, %get3A_1129, %get3A_1130] {strides = array<i32>} : memref<16x4x16xf32, #tpu.memory_space<vmem>>, vector<16xf32>,
      %get3A_1132 = arith.constant 5 : i32
      %get3A_1133 = arith.constant 2 : i32
      %get3A_1134 = arith.index_cast %get3A_1132 : i32 to index
      %get3A_1135 = arith.index_cast %get3A_1133 : i32 to index
      %get3A_1136 = arith.constant 0 : index
      %get3A_1137 = tpu.vector_load %arg15[%get3A_1134, %get3A_1135, %get3A_1136] {strides = array<i32>} : memref<16x4x16xf32, #tpu.memory_space<vmem>>, vector<16xf32>,
      %add3A_1138 = arith.addf %get3A_1131, %get3A_1137 : vector<16xf32>
      %get3A_1139 = arith.constant 6 : i32
      %get3A_1140 = arith.constant 2 : i32
      %get3A_1141 = arith.index_cast %get3A_1139 : i32 to index
      %get3A_1142 = arith.index_cast %get3A_1140 : i32 to index
      %get3A_1143 = arith.constant 0 : index
      %get3A_1144 = tpu.vector_load %arg15[%get3A_1141, %get3A_1142, %get3A_1143] {strides = array<i32>} : memref<16x4x16xf32, #tpu.memory_space<vmem>>, vector<16xf32>,
      %add3A_1145 = arith.addf %add3A_1138, %get3A_1144 : vector<16xf32>
      %get3A_1146 = arith.constant 7 : i32
      %get3A_1147 = arith.constant 2 : i32
      %get3A_1148 = arith.index_cast %get3A_1146 : i32 to index
      %get3A_1149 = arith.index_cast %get3A_1147 : i32 to index
      %get3A_1150 = arith.constant 0 : index
      %get3A_1151 = tpu.vector_load %arg15[%get3A_1148, %get3A_1149, %get3A_1150] {strides = array<i32>} : memref<16x4x16xf32, #tpu.memory_space<vmem>>, vector<16xf32>,
      %add3A_1152 = arith.addf %add3A_1145, %get3A_1151 : vector<16xf32>
      %lt3A_1153 = arith.constant 0 : i32
      %lt3A_1154 = vector.broadcast %lt3A_1153 : i32 to vector<16xi32>
      %lt3A_1155 = arith.cmpi slt, %iota3A, %lt3A_1154 : vector<16xi32>
      %eq3A_1156 = arith.constant 2 : i32
      %eq3A_1157 = vector.broadcast %eq3A_1156 : i32 to vector<16xi32>
      %eq3A_1158 = arith.cmpi eq, %iota3A, %eq3A_1157 : vector<16xi32>
      %or3A_1159 = arith.ori %lt3A_1155, %eq3A_1158 : vector<16xi1>
      %eq3A_1160 = arith.constant 8 : i32
      %eq3A_1161 = vector.broadcast %eq3A_1160 : i32 to vector<16xi32>
      %eq3A_1162 = arith.cmpi eq, %iota3A, %eq3A_1161 : vector<16xi32>
      %or3A_1163 = arith.ori %or3A_1159, %eq3A_1162 : vector<16xi1>
      %eq3A_1164 = arith.constant 13 : i32
      %eq3A_1165 = vector.broadcast %eq3A_1164 : i32 to vector<16xi32>
      %eq3A_1166 = arith.cmpi eq, %iota3A, %eq3A_1165 : vector<16xi32>
      %or3A_1167 = arith.ori %or3A_1163, %eq3A_1166 : vector<16xi1>
      %jit3A_1168 = arith.constant 1.000000e+00 : f32
      %jit3A_1169 = arith.constant 0.000000e+00 : f32
      %broadcast_in_dim3A_1170 = vector.broadcast %jit3A_1168 : f32 to vector<16xf32>
      %broadcast_in_dim3A_1171 = vector.broadcast %jit3A_1169 : f32 to vector<16xf32>
      %select_n3A_1172 = arith.select %or3A_1167, %broadcast_in_dim3A_1170, %broadcast_in_dim3A_1171 : vector<16xi1>, vector<16xf32>
      %jit3A_1173 = arith.constant 1.000000e+00 : f32
      %jit3A_1174 = arith.constant 2.000000e+00 : f32
      %broadcast_in_dim3A_1175 = vector.broadcast %jit3A_1173 : f32 to vector<16xf32>
      %broadcast_in_dim3A_1176 = vector.broadcast %jit3A_1174 : f32 to vector<16xf32>
      %select_n3A_1177 = arith.select %or3A_1167, %broadcast_in_dim3A_1175, %broadcast_in_dim3A_1176 : vector<16xi1>, vector<16xf32>
      %sub3A_1178 = arith.subf %add3A_1152, %select_n3A_1172 : vector<16xf32>
      %abs3A_1179 = math.absf %sub3A_1178 : vector<16xf32>
      %mul3A_1180 = arith.mulf %select_n3A_1177, %abs3A_1179 : vector<16xf32>
      %add3A_1181 = arith.addf %add3A_1125, %mul3A_1180 : vector<16xf32>
      %get3A_1182 = arith.constant 4 : i32
      %get3A_1183 = arith.constant 3 : i32
      %get3A_1184 = arith.index_cast %get3A_1182 : i32 to index
      %get3A_1185 = arith.index_cast %get3A_1183 : i32 to index
      %get3A_1186 = arith.constant 0 : index
      %get3A_1187 = tpu.vector_load %arg15[%get3A_1184, %get3A_1185, %get3A_1186] {strides = array<i32>} : memref<16x4x16xf32, #tpu.memory_space<vmem>>, vector<16xf32>,
      %get3A_1188 = arith.constant 5 : i32
      %get3A_1189 = arith.constant 3 : i32
      %get3A_1190 = arith.index_cast %get3A_1188 : i32 to index
      %get3A_1191 = arith.index_cast %get3A_1189 : i32 to index
      %get3A_1192 = arith.constant 0 : index
      %get3A_1193 = tpu.vector_load %arg15[%get3A_1190, %get3A_1191, %get3A_1192] {strides = array<i32>} : memref<16x4x16xf32, #tpu.memory_space<vmem>>, vector<16xf32>,
      %add3A_1194 = arith.addf %get3A_1187, %get3A_1193 : vector<16xf32>
      %get3A_1195 = arith.constant 6 : i32
      %get3A_1196 = arith.constant 3 : i32
      %get3A_1197 = arith.index_cast %get3A_1195 : i32 to index
      %get3A_1198 = arith.index_cast %get3A_1196 : i32 to index
      %get3A_1199 = arith.constant 0 : index
      %get3A_1200 = tpu.vector_load %arg15[%get3A_1197, %get3A_1198, %get3A_1199] {strides = array<i32>} : memref<16x4x16xf32, #tpu.memory_space<vmem>>, vector<16xf32>,
      %add3A_1201 = arith.addf %add3A_1194, %get3A_1200 : vector<16xf32>
      %get3A_1202 = arith.constant 7 : i32
      %get3A_1203 = arith.constant 3 : i32
      %get3A_1204 = arith.index_cast %get3A_1202 : i32 to index
      %get3A_1205 = arith.index_cast %get3A_1203 : i32 to index
      %get3A_1206 = arith.constant 0 : index
      %get3A_1207 = tpu.vector_load %arg15[%get3A_1204, %get3A_1205, %get3A_1206] {strides = array<i32>} : memref<16x4x16xf32, #tpu.memory_space<vmem>>, vector<16xf32>,
      %add3A_1208 = arith.addf %add3A_1201, %get3A_1207 : vector<16xf32>
      %lt3A_1209 = arith.constant 0 : i32
      %lt3A_1210 = vector.broadcast %lt3A_1209 : i32 to vector<16xi32>
      %lt3A_1211 = arith.cmpi slt, %iota3A, %lt3A_1210 : vector<16xi32>
      %eq3A_1212 = arith.constant 1 : i32
      %eq3A_1213 = vector.broadcast %eq3A_1212 : i32 to vector<16xi32>
      %eq3A_1214 = arith.cmpi eq, %iota3A, %eq3A_1213 : vector<16xi32>
      %or3A_1215 = arith.ori %lt3A_1211, %eq3A_1214 : vector<16xi1>
      %eq3A_1216 = arith.constant 4 : i32
      %eq3A_1217 = vector.broadcast %eq3A_1216 : i32 to vector<16xi32>
      %eq3A_1218 = arith.cmpi eq, %iota3A, %eq3A_1217 : vector<16xi32>
      %or3A_1219 = arith.ori %or3A_1215, %eq3A_1218 : vector<16xi1>
      %eq3A_1220 = arith.constant 6 : i32
      %eq3A_1221 = vector.broadcast %eq3A_1220 : i32 to vector<16xi32>
      %eq3A_1222 = arith.cmpi eq, %iota3A, %eq3A_1221 : vector<16xi32>
      %or3A_1223 = arith.ori %or3A_1219, %eq3A_1222 : vector<16xi1>
      %jit3A_1224 = arith.constant 1.000000e+00 : f32
      %jit3A_1225 = arith.constant 0.000000e+00 : f32
      %broadcast_in_dim3A_1226 = vector.broadcast %jit3A_1224 : f32 to vector<16xf32>
      %broadcast_in_dim3A_1227 = vector.broadcast %jit3A_1225 : f32 to vector<16xf32>
      %select_n3A_1228 = arith.select %or3A_1223, %broadcast_in_dim3A_1226, %broadcast_in_dim3A_1227 : vector<16xi1>, vector<16xf32>
      %jit3A_1229 = arith.constant 1.000000e+00 : f32
      %jit3A_1230 = arith.constant 2.000000e+00 : f32
      %broadcast_in_dim3A_1231 = vector.broadcast %jit3A_1229 : f32 to vector<16xf32>
      %broadcast_in_dim3A_1232 = vector.broadcast %jit3A_1230 : f32 to vector<16xf32>
      %select_n3A_1233 = arith.select %or3A_1223, %broadcast_in_dim3A_1231, %broadcast_in_dim3A_1232 : vector<16xi1>, vector<16xf32>
      %sub3A_1234 = arith.subf %add3A_1208, %select_n3A_1228 : vector<16xf32>
      %abs3A_1235 = math.absf %sub3A_1234 : vector<16xf32>
      %mul3A_1236 = arith.mulf %select_n3A_1233, %abs3A_1235 : vector<16xf32>
      %add3A_1237 = arith.addf %add3A_1181, %mul3A_1236 : vector<16xf32>
      %get3A_1238 = arith.constant 8 : i32
      %get3A_1239 = arith.constant 0 : i32
      %get3A_1240 = arith.index_cast %get3A_1238 : i32 to index
      %get3A_1241 = arith.index_cast %get3A_1239 : i32 to index
      %get3A_1242 = arith.constant 0 : index
      %get3A_1243 = tpu.vector_load %arg15[%get3A_1240, %get3A_1241, %get3A_1242] {strides = array<i32>} : memref<16x4x16xf32, #tpu.memory_space<vmem>>, vector<16xf32>,
      %get3A_1244 = arith.constant 9 : i32
      %get3A_1245 = arith.constant 0 : i32
      %get3A_1246 = arith.index_cast %get3A_1244 : i32 to index
      %get3A_1247 = arith.index_cast %get3A_1245 : i32 to index
      %get3A_1248 = arith.constant 0 : index
      %get3A_1249 = tpu.vector_load %arg15[%get3A_1246, %get3A_1247, %get3A_1248] {strides = array<i32>} : memref<16x4x16xf32, #tpu.memory_space<vmem>>, vector<16xf32>,
      %add3A_1250 = arith.addf %get3A_1243, %get3A_1249 : vector<16xf32>
      %get3A_1251 = arith.constant 10 : i32
      %get3A_1252 = arith.constant 0 : i32
      %get3A_1253 = arith.index_cast %get3A_1251 : i32 to index
      %get3A_1254 = arith.index_cast %get3A_1252 : i32 to index
      %get3A_1255 = arith.constant 0 : index
      %get3A_1256 = tpu.vector_load %arg15[%get3A_1253, %get3A_1254, %get3A_1255] {strides = array<i32>} : memref<16x4x16xf32, #tpu.memory_space<vmem>>, vector<16xf32>,
      %add3A_1257 = arith.addf %add3A_1250, %get3A_1256 : vector<16xf32>
      %get3A_1258 = arith.constant 11 : i32
      %get3A_1259 = arith.constant 0 : i32
      %get3A_1260 = arith.index_cast %get3A_1258 : i32 to index
      %get3A_1261 = arith.index_cast %get3A_1259 : i32 to index
      %get3A_1262 = arith.constant 0 : index
      %get3A_1263 = tpu.vector_load %arg15[%get3A_1260, %get3A_1261, %get3A_1262] {strides = array<i32>} : memref<16x4x16xf32, #tpu.memory_space<vmem>>, vector<16xf32>,
      %add3A_1264 = arith.addf %add3A_1257, %get3A_1263 : vector<16xf32>
      %lt3A_1265 = arith.constant 0 : i32
      %lt3A_1266 = vector.broadcast %lt3A_1265 : i32 to vector<16xi32>
      %lt3A_1267 = arith.cmpi slt, %iota3A, %lt3A_1266 : vector<16xi32>
      %eq3A_1268 = arith.constant 0 : i32
      %eq3A_1269 = vector.broadcast %eq3A_1268 : i32 to vector<16xi32>
      %eq3A_1270 = arith.cmpi eq, %iota3A, %eq3A_1269 : vector<16xi32>
      %or3A_1271 = arith.ori %lt3A_1267, %eq3A_1270 : vector<16xi1>
      %eq3A_1272 = arith.constant 10 : i32
      %eq3A_1273 = vector.broadcast %eq3A_1272 : i32 to vector<16xi32>
      %eq3A_1274 = arith.cmpi eq, %iota3A, %eq3A_1273 : vector<16xi32>
      %or3A_1275 = arith.ori %or3A_1271, %eq3A_1274 : vector<16xi1>
      %jit3A_1276 = arith.constant 1.000000e+00 : f32
      %jit3A_1277 = arith.constant 0.000000e+00 : f32
      %broadcast_in_dim3A_1278 = vector.broadcast %jit3A_1276 : f32 to vector<16xf32>
      %broadcast_in_dim3A_1279 = vector.broadcast %jit3A_1277 : f32 to vector<16xf32>
      %select_n3A_1280 = arith.select %or3A_1275, %broadcast_in_dim3A_1278, %broadcast_in_dim3A_1279 : vector<16xi1>, vector<16xf32>
      %jit3A_1281 = arith.constant 1.000000e+00 : f32
      %jit3A_1282 = arith.constant 2.000000e+00 : f32
      %broadcast_in_dim3A_1283 = vector.broadcast %jit3A_1281 : f32 to vector<16xf32>
      %broadcast_in_dim3A_1284 = vector.broadcast %jit3A_1282 : f32 to vector<16xf32>
      %select_n3A_1285 = arith.select %or3A_1275, %broadcast_in_dim3A_1283, %broadcast_in_dim3A_1284 : vector<16xi1>, vector<16xf32>
      %sub3A_1286 = arith.subf %add3A_1264, %select_n3A_1280 : vector<16xf32>
      %abs3A_1287 = math.absf %sub3A_1286 : vector<16xf32>
      %mul3A_1288 = arith.mulf %select_n3A_1285, %abs3A_1287 : vector<16xf32>
      %add3A_1289 = arith.addf %add3A_1237, %mul3A_1288 : vector<16xf32>
      %get3A_1290 = arith.constant 8 : i32
      %get3A_1291 = arith.constant 1 : i32
      %get3A_1292 = arith.index_cast %get3A_1290 : i32 to index
      %get3A_1293 = arith.index_cast %get3A_1291 : i32 to index
      %get3A_1294 = arith.constant 0 : index
      %get3A_1295 = tpu.vector_load %arg15[%get3A_1292, %get3A_1293, %get3A_1294] {strides = array<i32>} : memref<16x4x16xf32, #tpu.memory_space<vmem>>, vector<16xf32>,
      %get3A_1296 = arith.constant 9 : i32
      %get3A_1297 = arith.constant 1 : i32
      %get3A_1298 = arith.index_cast %get3A_1296 : i32 to index
      %get3A_1299 = arith.index_cast %get3A_1297 : i32 to index
      %get3A_1300 = arith.constant 0 : index
      %get3A_1301 = tpu.vector_load %arg15[%get3A_1298, %get3A_1299, %get3A_1300] {strides = array<i32>} : memref<16x4x16xf32, #tpu.memory_space<vmem>>, vector<16xf32>,
      %add3A_1302 = arith.addf %get3A_1295, %get3A_1301 : vector<16xf32>
      %get3A_1303 = arith.constant 10 : i32
      %get3A_1304 = arith.constant 1 : i32
      %get3A_1305 = arith.index_cast %get3A_1303 : i32 to index
      %get3A_1306 = arith.index_cast %get3A_1304 : i32 to index
      %get3A_1307 = arith.constant 0 : index
      %get3A_1308 = tpu.vector_load %arg15[%get3A_1305, %get3A_1306, %get3A_1307] {strides = array<i32>} : memref<16x4x16xf32, #tpu.memory_space<vmem>>, vector<16xf32>,
      %add3A_1309 = arith.addf %add3A_1302, %get3A_1308 : vector<16xf32>
      %get3A_1310 = arith.constant 11 : i32
      %get3A_1311 = arith.constant 1 : i32
      %get3A_1312 = arith.index_cast %get3A_1310 : i32 to index
      %get3A_1313 = arith.index_cast %get3A_1311 : i32 to index
      %get3A_1314 = arith.constant 0 : index
      %get3A_1315 = tpu.vector_load %arg15[%get3A_1312, %get3A_1313, %get3A_1314] {strides = array<i32>} : memref<16x4x16xf32, #tpu.memory_space<vmem>>, vector<16xf32>,
      %add3A_1316 = arith.addf %add3A_1309, %get3A_1315 : vector<16xf32>
      %lt3A_1317 = arith.constant 0 : i32
      %lt3A_1318 = vector.broadcast %lt3A_1317 : i32 to vector<16xi32>
      %lt3A_1319 = arith.cmpi slt, %iota3A, %lt3A_1318 : vector<16xi32>
      %eq3A_1320 = arith.constant 3 : i32
      %eq3A_1321 = vector.broadcast %eq3A_1320 : i32 to vector<16xi32>
      %eq3A_1322 = arith.cmpi eq, %iota3A, %eq3A_1321 : vector<16xi32>
      %or3A_1323 = arith.ori %lt3A_1319, %eq3A_1322 : vector<16xi1>
      %eq3A_1324 = arith.constant 11 : i32
      %eq3A_1325 = vector.broadcast %eq3A_1324 : i32 to vector<16xi32>
      %eq3A_1326 = arith.cmpi eq, %iota3A, %eq3A_1325 : vector<16xi32>
      %or3A_1327 = arith.ori %or3A_1323, %eq3A_1326 : vector<16xi1>
      %jit3A_1328 = arith.constant 1.000000e+00 : f32
      %jit3A_1329 = arith.constant 0.000000e+00 : f32
      %broadcast_in_dim3A_1330 = vector.broadcast %jit3A_1328 : f32 to vector<16xf32>
      %broadcast_in_dim3A_1331 = vector.broadcast %jit3A_1329 : f32 to vector<16xf32>
      %select_n3A_1332 = arith.select %or3A_1327, %broadcast_in_dim3A_1330, %broadcast_in_dim3A_1331 : vector<16xi1>, vector<16xf32>
      %jit3A_1333 = arith.constant 1.000000e+00 : f32
      %jit3A_1334 = arith.constant 2.000000e+00 : f32
      %broadcast_in_dim3A_1335 = vector.broadcast %jit3A_1333 : f32 to vector<16xf32>
      %broadcast_in_dim3A_1336 = vector.broadcast %jit3A_1334 : f32 to vector<16xf32>
      %select_n3A_1337 = arith.select %or3A_1327, %broadcast_in_dim3A_1335, %broadcast_in_dim3A_1336 : vector<16xi1>, vector<16xf32>
      %sub3A_1338 = arith.subf %add3A_1316, %select_n3A_1332 : vector<16xf32>
      %abs3A_1339 = math.absf %sub3A_1338 : vector<16xf32>
      %mul3A_1340 = arith.mulf %select_n3A_1337, %abs3A_1339 : vector<16xf32>
      %add3A_1341 = arith.addf %add3A_1289, %mul3A_1340 : vector<16xf32>
      %get3A_1342 = arith.constant 8 : i32
      %get3A_1343 = arith.constant 2 : i32
      %get3A_1344 = arith.index_cast %get3A_1342 : i32 to index
      %get3A_1345 = arith.index_cast %get3A_1343 : i32 to index
      %get3A_1346 = arith.constant 0 : index
      %get3A_1347 = tpu.vector_load %arg15[%get3A_1344, %get3A_1345, %get3A_1346] {strides = array<i32>} : memref<16x4x16xf32, #tpu.memory_space<vmem>>, vector<16xf32>,
      %get3A_1348 = arith.constant 9 : i32
      %get3A_1349 = arith.constant 2 : i32
      %get3A_1350 = arith.index_cast %get3A_1348 : i32 to index
      %get3A_1351 = arith.index_cast %get3A_1349 : i32 to index
      %get3A_1352 = arith.constant 0 : index
      %get3A_1353 = tpu.vector_load %arg15[%get3A_1350, %get3A_1351, %get3A_1352] {strides = array<i32>} : memref<16x4x16xf32, #tpu.memory_space<vmem>>, vector<16xf32>,
      %add3A_1354 = arith.addf %get3A_1347, %get3A_1353 : vector<16xf32>
      %get3A_1355 = arith.constant 10 : i32
      %get3A_1356 = arith.constant 2 : i32
      %get3A_1357 = arith.index_cast %get3A_1355 : i32 to index
      %get3A_1358 = arith.index_cast %get3A_1356 : i32 to index
      %get3A_1359 = arith.constant 0 : index
      %get3A_1360 = tpu.vector_load %arg15[%get3A_1357, %get3A_1358, %get3A_1359] {strides = array<i32>} : memref<16x4x16xf32, #tpu.memory_space<vmem>>, vector<16xf32>,
      %add3A_1361 = arith.addf %add3A_1354, %get3A_1360 : vector<16xf32>
      %get3A_1362 = arith.constant 11 : i32
      %get3A_1363 = arith.constant 2 : i32
      %get3A_1364 = arith.index_cast %get3A_1362 : i32 to index
      %get3A_1365 = arith.index_cast %get3A_1363 : i32 to index
      %get3A_1366 = arith.constant 0 : index
      %get3A_1367 = tpu.vector_load %arg15[%get3A_1364, %get3A_1365, %get3A_1366] {strides = array<i32>} : memref<16x4x16xf32, #tpu.memory_space<vmem>>, vector<16xf32>,
      %add3A_1368 = arith.addf %add3A_1361, %get3A_1367 : vector<16xf32>
      %lt3A_1369 = arith.constant 0 : i32
      %lt3A_1370 = vector.broadcast %lt3A_1369 : i32 to vector<16xi32>
      %lt3A_1371 = arith.cmpi slt, %iota3A, %lt3A_1370 : vector<16xi32>
      %eq3A_1372 = arith.constant 2 : i32
      %eq3A_1373 = vector.broadcast %eq3A_1372 : i32 to vector<16xi32>
      %eq3A_1374 = arith.cmpi eq, %iota3A, %eq3A_1373 : vector<16xi32>
      %or3A_1375 = arith.ori %lt3A_1371, %eq3A_1374 : vector<16xi1>
      %eq3A_1376 = arith.constant 8 : i32
      %eq3A_1377 = vector.broadcast %eq3A_1376 : i32 to vector<16xi32>
      %eq3A_1378 = arith.cmpi eq, %iota3A, %eq3A_1377 : vector<16xi32>
      %or3A_1379 = arith.ori %or3A_1375, %eq3A_1378 : vector<16xi1>
      %eq3A_1380 = arith.constant 13 : i32
      %eq3A_1381 = vector.broadcast %eq3A_1380 : i32 to vector<16xi32>
      %eq3A_1382 = arith.cmpi eq, %iota3A, %eq3A_1381 : vector<16xi32>
      %or3A_1383 = arith.ori %or3A_1379, %eq3A_1382 : vector<16xi1>
      %jit3A_1384 = arith.constant 1.000000e+00 : f32
      %jit3A_1385 = arith.constant 0.000000e+00 : f32
      %broadcast_in_dim3A_1386 = vector.broadcast %jit3A_1384 : f32 to vector<16xf32>
      %broadcast_in_dim3A_1387 = vector.broadcast %jit3A_1385 : f32 to vector<16xf32>
      %select_n3A_1388 = arith.select %or3A_1383, %broadcast_in_dim3A_1386, %broadcast_in_dim3A_1387 : vector<16xi1>, vector<16xf32>
      %jit3A_1389 = arith.constant 1.000000e+00 : f32
      %jit3A_1390 = arith.constant 2.000000e+00 : f32
      %broadcast_in_dim3A_1391 = vector.broadcast %jit3A_1389 : f32 to vector<16xf32>
      %broadcast_in_dim3A_1392 = vector.broadcast %jit3A_1390 : f32 to vector<16xf32>
      %select_n3A_1393 = arith.select %or3A_1383, %broadcast_in_dim3A_1391, %broadcast_in_dim3A_1392 : vector<16xi1>, vector<16xf32>
      %sub3A_1394 = arith.subf %add3A_1368, %select_n3A_1388 : vector<16xf32>
      %abs3A_1395 = math.absf %sub3A_1394 : vector<16xf32>
      %mul3A_1396 = arith.mulf %select_n3A_1393, %abs3A_1395 : vector<16xf32>
      %add3A_1397 = arith.addf %add3A_1341, %mul3A_1396 : vector<16xf32>
      %get3A_1398 = arith.constant 8 : i32
      %get3A_1399 = arith.constant 3 : i32
      %get3A_1400 = arith.index_cast %get3A_1398 : i32 to index
      %get3A_1401 = arith.index_cast %get3A_1399 : i32 to index
      %get3A_1402 = arith.constant 0 : index
      %get3A_1403 = tpu.vector_load %arg15[%get3A_1400, %get3A_1401, %get3A_1402] {strides = array<i32>} : memref<16x4x16xf32, #tpu.memory_space<vmem>>, vector<16xf32>,
      %get3A_1404 = arith.constant 9 : i32
      %get3A_1405 = arith.constant 3 : i32
      %get3A_1406 = arith.index_cast %get3A_1404 : i32 to index
      %get3A_1407 = arith.index_cast %get3A_1405 : i32 to index
      %get3A_1408 = arith.constant 0 : index
      %get3A_1409 = tpu.vector_load %arg15[%get3A_1406, %get3A_1407, %get3A_1408] {strides = array<i32>} : memref<16x4x16xf32, #tpu.memory_space<vmem>>, vector<16xf32>,
      %add3A_1410 = arith.addf %get3A_1403, %get3A_1409 : vector<16xf32>
      %get3A_1411 = arith.constant 10 : i32
      %get3A_1412 = arith.constant 3 : i32
      %get3A_1413 = arith.index_cast %get3A_1411 : i32 to index
      %get3A_1414 = arith.index_cast %get3A_1412 : i32 to index
      %get3A_1415 = arith.constant 0 : index
      %get3A_1416 = tpu.vector_load %arg15[%get3A_1413, %get3A_1414, %get3A_1415] {strides = array<i32>} : memref<16x4x16xf32, #tpu.memory_space<vmem>>, vector<16xf32>,
      %add3A_1417 = arith.addf %add3A_1410, %get3A_1416 : vector<16xf32>
      %get3A_1418 = arith.constant 11 : i32
      %get3A_1419 = arith.constant 3 : i32
      %get3A_1420 = arith.index_cast %get3A_1418 : i32 to index
      %get3A_1421 = arith.index_cast %get3A_1419 : i32 to index
      %get3A_1422 = arith.constant 0 : index
      %get3A_1423 = tpu.vector_load %arg15[%get3A_1420, %get3A_1421, %get3A_1422] {strides = array<i32>} : memref<16x4x16xf32, #tpu.memory_space<vmem>>, vector<16xf32>,
      %add3A_1424 = arith.addf %add3A_1417, %get3A_1423 : vector<16xf32>
      %lt3A_1425 = arith.constant 0 : i32
      %lt3A_1426 = vector.broadcast %lt3A_1425 : i32 to vector<16xi32>
      %lt3A_1427 = arith.cmpi slt, %iota3A, %lt3A_1426 : vector<16xi32>
      %eq3A_1428 = arith.constant 1 : i32
      %eq3A_1429 = vector.broadcast %eq3A_1428 : i32 to vector<16xi32>
      %eq3A_1430 = arith.cmpi eq, %iota3A, %eq3A_1429 : vector<16xi32>
      %or3A_1431 = arith.ori %lt3A_1427, %eq3A_1430 : vector<16xi1>
      %eq3A_1432 = arith.constant 4 : i32
      %eq3A_1433 = vector.broadcast %eq3A_1432 : i32 to vector<16xi32>
      %eq3A_1434 = arith.cmpi eq, %iota3A, %eq3A_1433 : vector<16xi32>
      %or3A_1435 = arith.ori %or3A_1431, %eq3A_1434 : vector<16xi1>
      %eq3A_1436 = arith.constant 6 : i32
      %eq3A_1437 = vector.broadcast %eq3A_1436 : i32 to vector<16xi32>
      %eq3A_1438 = arith.cmpi eq, %iota3A, %eq3A_1437 : vector<16xi32>
      %or3A_1439 = arith.ori %or3A_1435, %eq3A_1438 : vector<16xi1>
      %jit3A_1440 = arith.constant 1.000000e+00 : f32
      %jit3A_1441 = arith.constant 0.000000e+00 : f32
      %broadcast_in_dim3A_1442 = vector.broadcast %jit3A_1440 : f32 to vector<16xf32>
      %broadcast_in_dim3A_1443 = vector.broadcast %jit3A_1441 : f32 to vector<16xf32>
      %select_n3A_1444 = arith.select %or3A_1439, %broadcast_in_dim3A_1442, %broadcast_in_dim3A_1443 : vector<16xi1>, vector<16xf32>
      %jit3A_1445 = arith.constant 1.000000e+00 : f32
      %jit3A_1446 = arith.constant 2.000000e+00 : f32
      %broadcast_in_dim3A_1447 = vector.broadcast %jit3A_1445 : f32 to vector<16xf32>
      %broadcast_in_dim3A_1448 = vector.broadcast %jit3A_1446 : f32 to vector<16xf32>
      %select_n3A_1449 = arith.select %or3A_1439, %broadcast_in_dim3A_1447, %broadcast_in_dim3A_1448 : vector<16xi1>, vector<16xf32>
      %sub3A_1450 = arith.subf %add3A_1424, %select_n3A_1444 : vector<16xf32>
      %abs3A_1451 = math.absf %sub3A_1450 : vector<16xf32>
      %mul3A_1452 = arith.mulf %select_n3A_1449, %abs3A_1451 : vector<16xf32>
      %add3A_1453 = arith.addf %add3A_1397, %mul3A_1452 : vector<16xf32>
      %get3A_1454 = arith.constant 12 : i32
      %get3A_1455 = arith.constant 0 : i32
      %get3A_1456 = arith.index_cast %get3A_1454 : i32 to index
      %get3A_1457 = arith.index_cast %get3A_1455 : i32 to index
      %get3A_1458 = arith.constant 0 : index
      %get3A_1459 = tpu.vector_load %arg15[%get3A_1456, %get3A_1457, %get3A_1458] {strides = array<i32>} : memref<16x4x16xf32, #tpu.memory_space<vmem>>, vector<16xf32>,
      %get3A_1460 = arith.constant 13 : i32
      %get3A_1461 = arith.constant 0 : i32
      %get3A_1462 = arith.index_cast %get3A_1460 : i32 to index
      %get3A_1463 = arith.index_cast %get3A_1461 : i32 to index
      %get3A_1464 = arith.constant 0 : index
      %get3A_1465 = tpu.vector_load %arg15[%get3A_1462, %get3A_1463, %get3A_1464] {strides = array<i32>} : memref<16x4x16xf32, #tpu.memory_space<vmem>>, vector<16xf32>,
      %add3A_1466 = arith.addf %get3A_1459, %get3A_1465 : vector<16xf32>
      %get3A_1467 = arith.constant 14 : i32
      %get3A_1468 = arith.constant 0 : i32
      %get3A_1469 = arith.index_cast %get3A_1467 : i32 to index
      %get3A_1470 = arith.index_cast %get3A_1468 : i32 to index
      %get3A_1471 = arith.constant 0 : index
      %get3A_1472 = tpu.vector_load %arg15[%get3A_1469, %get3A_1470, %get3A_1471] {strides = array<i32>} : memref<16x4x16xf32, #tpu.memory_space<vmem>>, vector<16xf32>,
      %add3A_1473 = arith.addf %add3A_1466, %get3A_1472 : vector<16xf32>
      %get3A_1474 = arith.constant 15 : i32
      %get3A_1475 = arith.constant 0 : i32
      %get3A_1476 = arith.index_cast %get3A_1474 : i32 to index
      %get3A_1477 = arith.index_cast %get3A_1475 : i32 to index
      %get3A_1478 = arith.constant 0 : index
      %get3A_1479 = tpu.vector_load %arg15[%get3A_1476, %get3A_1477, %get3A_1478] {strides = array<i32>} : memref<16x4x16xf32, #tpu.memory_space<vmem>>, vector<16xf32>,
      %add3A_1480 = arith.addf %add3A_1473, %get3A_1479 : vector<16xf32>
      %lt3A_1481 = arith.constant 0 : i32
      %lt3A_1482 = vector.broadcast %lt3A_1481 : i32 to vector<16xi32>
      %lt3A_1483 = arith.cmpi slt, %iota3A, %lt3A_1482 : vector<16xi32>
      %eq3A_1484 = arith.constant 0 : i32
      %eq3A_1485 = vector.broadcast %eq3A_1484 : i32 to vector<16xi32>
      %eq3A_1486 = arith.cmpi eq, %iota3A, %eq3A_1485 : vector<16xi32>
      %or3A_1487 = arith.ori %lt3A_1483, %eq3A_1486 : vector<16xi1>
      %eq3A_1488 = arith.constant 10 : i32
      %eq3A_1489 = vector.broadcast %eq3A_1488 : i32 to vector<16xi32>
      %eq3A_1490 = arith.cmpi eq, %iota3A, %eq3A_1489 : vector<16xi32>
      %or3A_1491 = arith.ori %or3A_1487, %eq3A_1490 : vector<16xi1>
      %jit3A_1492 = arith.constant 1.000000e+00 : f32
      %jit3A_1493 = arith.constant 0.000000e+00 : f32
      %broadcast_in_dim3A_1494 = vector.broadcast %jit3A_1492 : f32 to vector<16xf32>
      %broadcast_in_dim3A_1495 = vector.broadcast %jit3A_1493 : f32 to vector<16xf32>
      %select_n3A_1496 = arith.select %or3A_1491, %broadcast_in_dim3A_1494, %broadcast_in_dim3A_1495 : vector<16xi1>, vector<16xf32>
      %jit3A_1497 = arith.constant 1.000000e+00 : f32
      %jit3A_1498 = arith.constant 2.000000e+00 : f32
      %broadcast_in_dim3A_1499 = vector.broadcast %jit3A_1497 : f32 to vector<16xf32>
      %broadcast_in_dim3A_1500 = vector.broadcast %jit3A_1498 : f32 to vector<16xf32>
      %select_n3A_1501 = arith.select %or3A_1491, %broadcast_in_dim3A_1499, %broadcast_in_dim3A_1500 : vector<16xi1>, vector<16xf32>
      %sub3A_1502 = arith.subf %add3A_1480, %select_n3A_1496 : vector<16xf32>
      %abs3A_1503 = math.absf %sub3A_1502 : vector<16xf32>
      %mul3A_1504 = arith.mulf %select_n3A_1501, %abs3A_1503 : vector<16xf32>
      %add3A_1505 = arith.addf %add3A_1453, %mul3A_1504 : vector<16xf32>
      %get3A_1506 = arith.constant 12 : i32
      %get3A_1507 = arith.constant 1 : i32
      %get3A_1508 = arith.index_cast %get3A_1506 : i32 to index
      %get3A_1509 = arith.index_cast %get3A_1507 : i32 to index
      %get3A_1510 = arith.constant 0 : index
      %get3A_1511 = tpu.vector_load %arg15[%get3A_1508, %get3A_1509, %get3A_1510] {strides = array<i32>} : memref<16x4x16xf32, #tpu.memory_space<vmem>>, vector<16xf32>,
      %get3A_1512 = arith.constant 13 : i32
      %get3A_1513 = arith.constant 1 : i32
      %get3A_1514 = arith.index_cast %get3A_1512 : i32 to index
      %get3A_1515 = arith.index_cast %get3A_1513 : i32 to index
      %get3A_1516 = arith.constant 0 : index
      %get3A_1517 = tpu.vector_load %arg15[%get3A_1514, %get3A_1515, %get3A_1516] {strides = array<i32>} : memref<16x4x16xf32, #tpu.memory_space<vmem>>, vector<16xf32>,
      %add3A_1518 = arith.addf %get3A_1511, %get3A_1517 : vector<16xf32>
      %get3A_1519 = arith.constant 14 : i32
      %get3A_1520 = arith.constant 1 : i32
      %get3A_1521 = arith.index_cast %get3A_1519 : i32 to index
      %get3A_1522 = arith.index_cast %get3A_1520 : i32 to index
      %get3A_1523 = arith.constant 0 : index
      %get3A_1524 = tpu.vector_load %arg15[%get3A_1521, %get3A_1522, %get3A_1523] {strides = array<i32>} : memref<16x4x16xf32, #tpu.memory_space<vmem>>, vector<16xf32>,
      %add3A_1525 = arith.addf %add3A_1518, %get3A_1524 : vector<16xf32>
      %get3A_1526 = arith.constant 15 : i32
      %get3A_1527 = arith.constant 1 : i32
      %get3A_1528 = arith.index_cast %get3A_1526 : i32 to index
      %get3A_1529 = arith.index_cast %get3A_1527 : i32 to index
      %get3A_1530 = arith.constant 0 : index
      %get3A_1531 = tpu.vector_load %arg15[%get3A_1528, %get3A_1529, %get3A_1530] {strides = array<i32>} : memref<16x4x16xf32, #tpu.memory_space<vmem>>, vector<16xf32>,
      %add3A_1532 = arith.addf %add3A_1525, %get3A_1531 : vector<16xf32>
      %lt3A_1533 = arith.constant 0 : i32
      %lt3A_1534 = vector.broadcast %lt3A_1533 : i32 to vector<16xi32>
      %lt3A_1535 = arith.cmpi slt, %iota3A, %lt3A_1534 : vector<16xi32>
      %eq3A_1536 = arith.constant 3 : i32
      %eq3A_1537 = vector.broadcast %eq3A_1536 : i32 to vector<16xi32>
      %eq3A_1538 = arith.cmpi eq, %iota3A, %eq3A_1537 : vector<16xi32>
      %or3A_1539 = arith.ori %lt3A_1535, %eq3A_1538 : vector<16xi1>
      %eq3A_1540 = arith.constant 11 : i32
      %eq3A_1541 = vector.broadcast %eq3A_1540 : i32 to vector<16xi32>
      %eq3A_1542 = arith.cmpi eq, %iota3A, %eq3A_1541 : vector<16xi32>
      %or3A_1543 = arith.ori %or3A_1539, %eq3A_1542 : vector<16xi1>
      %jit3A_1544 = arith.constant 1.000000e+00 : f32
      %jit3A_1545 = arith.constant 0.000000e+00 : f32
      %broadcast_in_dim3A_1546 = vector.broadcast %jit3A_1544 : f32 to vector<16xf32>
      %broadcast_in_dim3A_1547 = vector.broadcast %jit3A_1545 : f32 to vector<16xf32>
      %select_n3A_1548 = arith.select %or3A_1543, %broadcast_in_dim3A_1546, %broadcast_in_dim3A_1547 : vector<16xi1>, vector<16xf32>
      %jit3A_1549 = arith.constant 1.000000e+00 : f32
      %jit3A_1550 = arith.constant 2.000000e+00 : f32
      %broadcast_in_dim3A_1551 = vector.broadcast %jit3A_1549 : f32 to vector<16xf32>
      %broadcast_in_dim3A_1552 = vector.broadcast %jit3A_1550 : f32 to vector<16xf32>
      %select_n3A_1553 = arith.select %or3A_1543, %broadcast_in_dim3A_1551, %broadcast_in_dim3A_1552 : vector<16xi1>, vector<16xf32>
      %sub3A_1554 = arith.subf %add3A_1532, %select_n3A_1548 : vector<16xf32>
      %abs3A_1555 = math.absf %sub3A_1554 : vector<16xf32>
      %mul3A_1556 = arith.mulf %select_n3A_1553, %abs3A_1555 : vector<16xf32>
      %add3A_1557 = arith.addf %add3A_1505, %mul3A_1556 : vector<16xf32>
      %get3A_1558 = arith.constant 12 : i32
      %get3A_1559 = arith.constant 2 : i32
      %get3A_1560 = arith.index_cast %get3A_1558 : i32 to index
      %get3A_1561 = arith.index_cast %get3A_1559 : i32 to index
      %get3A_1562 = arith.constant 0 : index
      %get3A_1563 = tpu.vector_load %arg15[%get3A_1560, %get3A_1561, %get3A_1562] {strides = array<i32>} : memref<16x4x16xf32, #tpu.memory_space<vmem>>, vector<16xf32>,
      %get3A_1564 = arith.constant 13 : i32
      %get3A_1565 = arith.constant 2 : i32
      %get3A_1566 = arith.index_cast %get3A_1564 : i32 to index
      %get3A_1567 = arith.index_cast %get3A_1565 : i32 to index
      %get3A_1568 = arith.constant 0 : index
      %get3A_1569 = tpu.vector_load %arg15[%get3A_1566, %get3A_1567, %get3A_1568] {strides = array<i32>} : memref<16x4x16xf32, #tpu.memory_space<vmem>>, vector<16xf32>,
      %add3A_1570 = arith.addf %get3A_1563, %get3A_1569 : vector<16xf32>
      %get3A_1571 = arith.constant 14 : i32
      %get3A_1572 = arith.constant 2 : i32
      %get3A_1573 = arith.index_cast %get3A_1571 : i32 to index
      %get3A_1574 = arith.index_cast %get3A_1572 : i32 to index
      %get3A_1575 = arith.constant 0 : index
      %get3A_1576 = tpu.vector_load %arg15[%get3A_1573, %get3A_1574, %get3A_1575] {strides = array<i32>} : memref<16x4x16xf32, #tpu.memory_space<vmem>>, vector<16xf32>,
      %add3A_1577 = arith.addf %add3A_1570, %get3A_1576 : vector<16xf32>
      %get3A_1578 = arith.constant 15 : i32
      %get3A_1579 = arith.constant 2 : i32
      %get3A_1580 = arith.index_cast %get3A_1578 : i32 to index
      %get3A_1581 = arith.index_cast %get3A_1579 : i32 to index
      %get3A_1582 = arith.constant 0 : index
      %get3A_1583 = tpu.vector_load %arg15[%get3A_1580, %get3A_1581, %get3A_1582] {strides = array<i32>} : memref<16x4x16xf32, #tpu.memory_space<vmem>>, vector<16xf32>,
      %add3A_1584 = arith.addf %add3A_1577, %get3A_1583 : vector<16xf32>
      %lt3A_1585 = arith.constant 0 : i32
      %lt3A_1586 = vector.broadcast %lt3A_1585 : i32 to vector<16xi32>
      %lt3A_1587 = arith.cmpi slt, %iota3A, %lt3A_1586 : vector<16xi32>
      %eq3A_1588 = arith.constant 2 : i32
      %eq3A_1589 = vector.broadcast %eq3A_1588 : i32 to vector<16xi32>
      %eq3A_1590 = arith.cmpi eq, %iota3A, %eq3A_1589 : vector<16xi32>
      %or3A_1591 = arith.ori %lt3A_1587, %eq3A_1590 : vector<16xi1>
      %eq3A_1592 = arith.constant 8 : i32
      %eq3A_1593 = vector.broadcast %eq3A_1592 : i32 to vector<16xi32>
      %eq3A_1594 = arith.cmpi eq, %iota3A, %eq3A_1593 : vector<16xi32>
      %or3A_1595 = arith.ori %or3A_1591, %eq3A_1594 : vector<16xi1>
      %eq3A_1596 = arith.constant 13 : i32
      %eq3A_1597 = vector.broadcast %eq3A_1596 : i32 to vector<16xi32>
      %eq3A_1598 = arith.cmpi eq, %iota3A, %eq3A_1597 : vector<16xi32>
      %or3A_1599 = arith.ori %or3A_1595, %eq3A_1598 : vector<16xi1>
      %jit3A_1600 = arith.constant 1.000000e+00 : f32
      %jit3A_1601 = arith.constant 0.000000e+00 : f32
      %broadcast_in_dim3A_1602 = vector.broadcast %jit3A_1600 : f32 to vector<16xf32>
      %broadcast_in_dim3A_1603 = vector.broadcast %jit3A_1601 : f32 to vector<16xf32>
      %select_n3A_1604 = arith.select %or3A_1599, %broadcast_in_dim3A_1602, %broadcast_in_dim3A_1603 : vector<16xi1>, vector<16xf32>
      %jit3A_1605 = arith.constant 1.000000e+00 : f32
      %jit3A_1606 = arith.constant 2.000000e+00 : f32
      %broadcast_in_dim3A_1607 = vector.broadcast %jit3A_1605 : f32 to vector<16xf32>
      %broadcast_in_dim3A_1608 = vector.broadcast %jit3A_1606 : f32 to vector<16xf32>
      %select_n3A_1609 = arith.select %or3A_1599, %broadcast_in_dim3A_1607, %broadcast_in_dim3A_1608 : vector<16xi1>, vector<16xf32>
      %sub3A_1610 = arith.subf %add3A_1584, %select_n3A_1604 : vector<16xf32>
      %abs3A_1611 = math.absf %sub3A_1610 : vector<16xf32>
      %mul3A_1612 = arith.mulf %select_n3A_1609, %abs3A_1611 : vector<16xf32>
      %add3A_1613 = arith.addf %add3A_1557, %mul3A_1612 : vector<16xf32>
      %get3A_1614 = arith.constant 12 : i32
      %get3A_1615 = arith.constant 3 : i32
      %get3A_1616 = arith.index_cast %get3A_1614 : i32 to index
      %get3A_1617 = arith.index_cast %get3A_1615 : i32 to index
      %get3A_1618 = arith.constant 0 : index
      %get3A_1619 = tpu.vector_load %arg15[%get3A_1616, %get3A_1617, %get3A_1618] {strides = array<i32>} : memref<16x4x16xf32, #tpu.memory_space<vmem>>, vector<16xf32>,
      %get3A_1620 = arith.constant 13 : i32
      %get3A_1621 = arith.constant 3 : i32
      %get3A_1622 = arith.index_cast %get3A_1620 : i32 to index
      %get3A_1623 = arith.index_cast %get3A_1621 : i32 to index
      %get3A_1624 = arith.constant 0 : index
      %get3A_1625 = tpu.vector_load %arg15[%get3A_1622, %get3A_1623, %get3A_1624] {strides = array<i32>} : memref<16x4x16xf32, #tpu.memory_space<vmem>>, vector<16xf32>,
      %add3A_1626 = arith.addf %get3A_1619, %get3A_1625 : vector<16xf32>
      %get3A_1627 = arith.constant 14 : i32
      %get3A_1628 = arith.constant 3 : i32
      %get3A_1629 = arith.index_cast %get3A_1627 : i32 to index
      %get3A_1630 = arith.index_cast %get3A_1628 : i32 to index
      %get3A_1631 = arith.constant 0 : index
      %get3A_1632 = tpu.vector_load %arg15[%get3A_1629, %get3A_1630, %get3A_1631] {strides = array<i32>} : memref<16x4x16xf32, #tpu.memory_space<vmem>>, vector<16xf32>,
      %add3A_1633 = arith.addf %add3A_1626, %get3A_1632 : vector<16xf32>
      %get3A_1634 = arith.constant 15 : i32
      %get3A_1635 = arith.constant 3 : i32
      %get3A_1636 = arith.index_cast %get3A_1634 : i32 to index
      %get3A_1637 = arith.index_cast %get3A_1635 : i32 to index
      %get3A_1638 = arith.constant 0 : index
      %get3A_1639 = tpu.vector_load %arg15[%get3A_1636, %get3A_1637, %get3A_1638] {strides = array<i32>} : memref<16x4x16xf32, #tpu.memory_space<vmem>>, vector<16xf32>,
      %add3A_1640 = arith.addf %add3A_1633, %get3A_1639 : vector<16xf32>
      %lt3A_1641 = arith.constant 0 : i32
      %lt3A_1642 = vector.broadcast %lt3A_1641 : i32 to vector<16xi32>
      %lt3A_1643 = arith.cmpi slt, %iota3A, %lt3A_1642 : vector<16xi32>
      %eq3A_1644 = arith.constant 1 : i32
      %eq3A_1645 = vector.broadcast %eq3A_1644 : i32 to vector<16xi32>
      %eq3A_1646 = arith.cmpi eq, %iota3A, %eq3A_1645 : vector<16xi32>
      %or3A_1647 = arith.ori %lt3A_1643, %eq3A_1646 : vector<16xi1>
      %eq3A_1648 = arith.constant 4 : i32
      %eq3A_1649 = vector.broadcast %eq3A_1648 : i32 to vector<16xi32>
      %eq3A_1650 = arith.cmpi eq, %iota3A, %eq3A_1649 : vector<16xi32>
      %or3A_1651 = arith.ori %or3A_1647, %eq3A_1650 : vector<16xi1>
      %eq3A_1652 = arith.constant 6 : i32
      %eq3A_1653 = vector.broadcast %eq3A_1652 : i32 to vector<16xi32>
      %eq3A_1654 = arith.cmpi eq, %iota3A, %eq3A_1653 : vector<16xi32>
      %or3A_1655 = arith.ori %or3A_1651, %eq3A_1654 : vector<16xi1>
      %jit3A_1656 = arith.constant 1.000000e+00 : f32
      %jit3A_1657 = arith.constant 0.000000e+00 : f32
      %broadcast_in_dim3A_1658 = vector.broadcast %jit3A_1656 : f32 to vector<16xf32>
      %broadcast_in_dim3A_1659 = vector.broadcast %jit3A_1657 : f32 to vector<16xf32>
      %select_n3A_1660 = arith.select %or3A_1655, %broadcast_in_dim3A_1658, %broadcast_in_dim3A_1659 : vector<16xi1>, vector<16xf32>
      %jit3A_1661 = arith.constant 1.000000e+00 : f32
      %jit3A_1662 = arith.constant 2.000000e+00 : f32
      %broadcast_in_dim3A_1663 = vector.broadcast %jit3A_1661 : f32 to vector<16xf32>
      %broadcast_in_dim3A_1664 = vector.broadcast %jit3A_1662 : f32 to vector<16xf32>
      %select_n3A_1665 = arith.select %or3A_1655, %broadcast_in_dim3A_1663, %broadcast_in_dim3A_1664 : vector<16xi1>, vector<16xf32>
      %sub3A_1666 = arith.subf %add3A_1640, %select_n3A_1660 : vector<16xf32>
      %abs3A_1667 = math.absf %sub3A_1666 : vector<16xf32>
      %mul3A_1668 = arith.mulf %select_n3A_1665, %abs3A_1667 : vector<16xf32>
      %add3A_1669 = arith.addf %add3A_1613, %mul3A_1668 : vector<16xf32>
      %reduce_sum3A = arith.constant true
      %reduce_sum3A_1670 = vector.broadcast %reduce_sum3A : i1 to vector<16xi1>
      %reduce_sum3A_1671 = tpu.scan <sum>, %add3A_1669 masked %reduce_sum3A_1670 : vector<16xf32>, vector<16xi1> -> vector<16xf32>
      %reduce_sum3A_1672 = vector.extract %reduce_sum3A_1671[15] : f32 from vector<16xf32>
      %mul3A_1673 = arith.constant 1.250000e-03 : f32
      %mul3A_1674 = arith.mulf %reduce_sum3A_1672, %mul3A_1673 : f32
      %broadcast_in_dim3A_1675 = vector.broadcast %mul3A_1674 : f32 to vector<16xf32>
      %swap3A_1676 = arith.constant 0 : index
      %swap3A_1677 = tpu.vector_load %arg12[%swap3A_1676] {strides = array<i32>} : memref<16xf32, #tpu.memory_space<vmem>>, vector<16xf32>,
      tpu.vector_store %arg12[%swap3A_1676], %broadcast_in_dim3A_1675 {strides = array<i32>} : memref<16xf32, #tpu.memory_space<vmem>>, vector<16xf32>,
      "tpu.region"() ({
        %run_scoped3A = tpu.sem_alloc : memref<!tpu.dma_semaphore, #tpu.memory_space<semaphore_mem>>
        %dma_start3A_1678 = arith.constant 0 : i32
        %dma_start3A_1679 = tpu.memref_slice %arg6[%arg0, %dma_start3A_1678] : memref<2x16xf32, #tpu.memory_space<hbm>> -> memref<1x16xf32, #tpu.memory_space<hbm>>
        %dma_start3A_1680 = tpu.memref_squeeze %dma_start3A_1679 : memref<1x16xf32, #tpu.memory_space<hbm>> -> memref<16xf32, #tpu.memory_space<hbm>>
        %dma_start3A_1681 = arith.constant 0 : i32
        %dma_start3A_1682 = tpu.memref_slice %arg6[%arg0, %dma_start3A_1681] : memref<2x16xf32, #tpu.memory_space<hbm>> -> memref<1x16xf32, #tpu.memory_space<hbm>>
        %dma_start3A_1683 = tpu.memref_squeeze %dma_start3A_1682 : memref<1x16xf32, #tpu.memory_space<hbm>> -> memref<16xf32, #tpu.memory_space<hbm>>
        tpu.enqueue_dma source(%arg12 : memref<16xf32, #tpu.memory_space<vmem>>) target(%dma_start3A_1683 : memref<16xf32, #tpu.memory_space<hbm>>) target_semaphore(%run_scoped3A : memref<!tpu.dma_semaphore, #tpu.memory_space<semaphore_mem>>)
        %dma_wait3A_1684 = arith.constant 0 : i32
        %dma_wait3A_1685 = tpu.memref_slice %arg6[%arg0, %dma_wait3A_1684] : memref<2x16xf32, #tpu.memory_space<hbm>> -> memref<1x16xf32, #tpu.memory_space<hbm>>
        %dma_wait3A_1686 = tpu.memref_squeeze %dma_wait3A_1685 : memref<1x16xf32, #tpu.memory_space<hbm>> -> memref<16xf32, #tpu.memory_space<hbm>>
        %dma_wait3A_1687 = arith.constant 0 : i32
        %dma_wait3A_1688 = tpu.memref_slice %arg6[%arg0, %dma_wait3A_1687] : memref<2x16xf32, #tpu.memory_space<hbm>> -> memref<1x16xf32, #tpu.memory_space<hbm>>
        %dma_wait3A_1689 = tpu.memref_squeeze %dma_wait3A_1688 : memref<1x16xf32, #tpu.memory_space<hbm>> -> memref<16xf32, #tpu.memory_space<hbm>>
        tpu.wait_dma2 semaphore(%run_scoped3A : memref<!tpu.dma_semaphore, #tpu.memory_space<semaphore_mem>>) src(%arg12 : memref<16xf32, #tpu.memory_space<vmem>>) dst(%dma_wait3A_1689 : memref<16xf32, #tpu.memory_space<hbm>>)
        tpu.yield
      }) : () -> ()
    } else {
    }
    return
  }
}

</mosaic_0001>

<sc_bundles>
// kernel: kernel.3.cloned.1.call-start
scs
__scs_entry_jumppad:
0x0: {  	(pc) =	sbr.rel $0x88, $3  }
0x1: {  	(tag) =	ssettag $0x0;
	lr =	simm.s32 $0x1  }
0x2: {  	[smem:$0x3F9F] =	sst lr;
	_ =	strace $0xD0000000  }
0x3: {  	_ = 	snop  }
0x4: {  	_ = 	snop  }
0x5: {  	_ = 	snop  }
0x6: {  	_ = 	snop  }
0x7: {  	_ = 	snop  }
__scs_overlays_trampoline_lowered:
0x8: {  	[smem:$0x3FAE] =	sst s0  }
0x9: {  	[smem:$0x3FAF] =	sst s1  }
0xa: {  	[smem:$0x3FB0] =	sst s2  }
0xb: {  	[smem:$0x3FB1] =	sst s3  }
0xc: {  	[smem:$0x3FB2] =	sst s4  }
0xd: {  	[smem:$0x3FB3] =	sst s5  }
0xe: {  	[smem:$0x3FB4] =	sst s6  }
0xf: {  	[smem:$0x3FB5] =	sst s7  }
0x10: {  	[smem:$0x3FB6] =	sst s8  }
0x11: {  	[smem:$0x3FB7] =	sst s9;
	s0 =	simm.s32 @!p0 $0x0  }
0x12: {  	s1 =	sld [smem:$0x3F9D];
	s0 =	simm.s32 @p0 $0x1  }
0x13: {  	[smem:$0x3FB8] =	sst s0;
	s0 =	simm.s32 @!p1 $0x0  }
0x14: {  	s2 =	sld [smem:$0x3F9C];
	s0 =	simm.s32 @p1 $0x1  }
0x15: {  	[smem:$0x3FB9] =	sst s0;
	s0 =	simm.s32 @!p2 $0x0  }
0x16: {  	s3 =	sld [smem:$0x3FDB];
	s0 =	simm.s32 @p2 $0x1  }
0x17: {  	s4 =	simm.s32 $0x1BF5;
	[smem:$0x3FBB] =	sst s0  }
0x18: {  	s0 =	sld [smem:$0x3F9E];
	_ =	swait.ge [sflag:s4], $0x0  }
0x19: {  	s7 =	sld [smem:$0x3F9F]  }
0x1a: {  	s8 =	sadd.s32 $0xFFFFE003, lr  }
0x1b: {  	s9 =	sadd.s32 $0xFFFFFEF7, lr;
	s5 =	simm.s32 $0xFFFFFFFF;
	p2 =	slt.u32 s8, $0xFFFFF086  }
0x1c: {  	p1 =	slt.u32 s9, $0xF7A;
	s5 =	simm.s32 @!p2 $0x0  }
0x1d: {  	s5 =	simm.s32 @p1 $0x1;
	p0 =	seq.s32 s7, s2  }
0x1e: {  	s7 =	smul.u32 @!p0 $0xF7A, s2;
	p2 =	seq.s32 @!p0 s5, $0x0  }
0x1f: {  	s9 =	smul.u32 $0xF7A, s1;
	s8 =	simm.s32 @!p0 $0x1BF5;
	p2 =	por !p2, p0  }
0x20: {  	[sflag:s8] =	ssyncset.s32 @!p0 $0xFFFFF086;
	s6 =	sadd.s32 @!p0 s3, s7;
	s7 =	simm.s32 @!p0 $0x108  }
0x21: {  	s3 =	sadd.s32 s3, s9;
	s6 =	sadd.s32 @!p0 $0x88, s6;
	s7 =	simm.s32 @p2 $0x1082  }
0x22: {  	[simem:s7], [sflag:s8] =	dma.local @!p0 [hbm:s6], $0xF7A  }
0x23: {  	s9 =	sor.u32 $0xD0000000, s2;
	s6 =	simm.s32 $0x108;
	_ =	swait.ge @!p0 [sflag:s8], $0x0  }
0x24: {  	s3 =	sadd.s32 $0x88, s3;
	s6 =	simm.s32 @!p1 $0x1082;
	[sflag:s4] =	ssyncset.s32 $0xFFFFF086  }
0x25: {  	[simem:s6], [sflag:s4] =	dma.local [hbm:s3], $0xF7A  }
0x26: {  	[smem:$0x3F9F] =	sst s1;
	(tag) =	ssettag s2;
	_ =	strace s9  }
0x27: {  	s1 =	sld [smem:$0x3FAF]  }
0x28: {  	s2 =	sld [smem:$0x3FB0]  }
0x29: {  	s4 =	sld [smem:$0x3FB2]  }
0x2a: {  	p0 =	seq.s32 s5, $0x0;
	s5 =	sld [smem:$0x3FB3]  }
0x2b: {  	s6 =	sld [smem:$0x3FB4]  }
0x2c: {  	s7 =	sld [smem:$0x3FB5]  }
0x2d: {  	s3 =	simm.s32 $0x108;
	s8 =	sld [smem:$0x3FB6]  }
0x2e: {  	s3 =	simm.s32 @!p0 $0x1082;
	s9 =	sld [smem:$0x3FB7]  }
0x2f: {  	lr =	sadd.s32 s0, s3;
	s0 =	sld [smem:$0x3FAE]  }
0x30: {  	s3 =	sld [smem:$0x3FB1]  }
0x31: {  	[smem:$0x3FBA] =	sst s10  }
0x32: {  	s10 =	sld [smem:$0x3FB8];
	_ =	sdelay $0x3  }
0x33: {  	p0 =	seq.s32 s10, $0x1;
	s10 =	sld [smem:$0x3FBA];
	_ =	sdelay $0x3  }
0x34: {  	[smem:$0x3FBA] =	sst s10  }
0x35: {  	s10 =	sld [smem:$0x3FB9];
	_ =	sdelay $0x3  }
0x36: {  	p1 =	seq.s32 s10, $0x1;
	s10 =	sld [smem:$0x3FBA];
	_ =	sdelay $0x3  }
0x37: {  	[smem:$0x3FBA] =	sst s10  }
0x38: {  	s10 =	sld [smem:$0x3FBB]  }
0x39: {  	_ = 	snop;
	(pc) =	sbr.ind lr, $3  }
0x3a: {  	_ = 	snop  }
0x3b: {  	_ = 	snop  }
0x3c: {  	p2 =	seq.s32 s10, $0x1;
	s10 =	sld [smem:$0x3FBA]  }
0x3d: {  	_ =	shalt  }
0x3e: {  	_ =	shalt  }
0x3f: {  	_ =	shalt  }
0x40: {  	_ =	shalt  }
0x41: {  	_ =	shalt  }
0x42: {  	_ =	shalt  }
0x43: {  	_ =	shalt  }
0x44: {  	_ =	shalt  }
0x45: {  	_ =	shalt  }
0x46: {  	_ =	shalt  }
0x47: {  	_ =	shalt  }
0x48: {  	_ =	shalt  }
0x49: {  	_ =	shalt  }
0x4a: {  	_ =	shalt  }
0x4b: {  	_ =	shalt  }
0x4c: {  	_ =	shalt  }
0x4d: {  	_ =	shalt  }
0x4e: {  	_ =	shalt  }
0x4f: {  	_ =	shalt  }
0x50: {  	_ =	shalt  }
0x51: {  	_ =	shalt  }
0x52: {  	_ =	shalt  }
0x53: {  	_ =	shalt  }
0x54: {  	_ =	shalt  }
0x55: {  	_ =	shalt  }
0x56: {  	_ =	shalt  }
0x57: {  	_ =	shalt  }
0x58: {  	_ =	shalt  }
0x59: {  	_ =	shalt  }
0x5a: {  	_ =	shalt  }
0x5b: {  	_ =	shalt  }
0x5c: {  	_ =	shalt  }
0x5d: {  	_ =	shalt  }
0x5e: {  	_ =	shalt  }
0x5f: {  	_ =	shalt  }
0x60: {  	_ =	shalt  }
0x61: {  	_ =	shalt  }
0x62: {  	_ =	shalt  }
0x63: {  	_ =	shalt  }
0x64: {  	_ =	shalt  }
0x65: {  	_ =	shalt  }
0x66: {  	_ =	shalt  }
0x67: {  	_ =	shalt  }
0x68: {  	_ =	shalt  }
0x69: {  	_ =	shalt  }
0x6a: {  	_ =	shalt  }
0x6b: {  	_ =	shalt  }
0x6c: {  	_ =	shalt  }
0x6d: {  	_ =	shalt  }
0x6e: {  	_ =	shalt  }
0x6f: {  	_ =	shalt  }
0x70: {  	_ =	shalt  }
0x71: {  	_ =	shalt  }
0x72: {  	_ =	shalt  }
0x73: {  	_ =	shalt  }
0x74: {  	_ =	shalt  }
0x75: {  	_ =	shalt  }
0x76: {  	_ =	shalt  }
0x77: {  	_ =	shalt  }
0x78: {  	_ =	shalt  }
0x79: {  	_ =	shalt  }
0x7a: {  	_ =	shalt  }
0x7b: {  	_ =	shalt  }
0x7c: {  	_ =	shalt  }
0x7d: {  	_ =	shalt  }
0x7e: {  	_ =	shalt  }
0x7f: {  	_ =	shalt  }
0x80: {  	_ =	shalt  }
0x81: {  	_ =	shalt  }
0x82: {  	_ =	shalt  }
0x83: {  	_ =	shalt  }
0x84: {  	_ =	shalt  }
0x85: {  	_ =	shalt  }
0x86: {  	_ =	shalt  }
0x87: {  	_ =	shalt  }
.Lfunc_end0:
.L_simem_size_0:
called_computation_lowered:
.L_overlay_start_0:
0x88: {  	s2 =	sld [smem:$0x3FD9]  }
0x89: {  	s3 =	sld [smem:$0x3FFE];
	_ =	sdelay $0x1  }
0x8a: {  	s1 =	srdreg.scid  }
0x8b: {  	s0 =	sand.u32 $0x1, s1  }
0x8c: {  	s17 =	sshll.u32 s0, $0xA;
	s2 =	sadd.s32 s3, s2  }
0x8d: {  	s2 =	sadd.s32 s2, s17  }
0x8e: {  	[smem:$0x3FC6] =	sst s2  }
0x8f: {  	_ = 	snop  }
0x90: {  	s2 =	sld [smem:$0x3FC9]  }
0x91: {  	s18 =	sld [smem:$0x3FC8];
	(tm) =	ssettm $0x1  }
0x92: {  	s4 =	sld [smem:$0x3FFB];
	_ =	sdelay $0x3  }
0x93: {  	_ =	strace s4  }
0x94: {  	s4 =	sld [smem:$0x3FFC];
	_ =	sdelay $0x3  }
0x95: {  	_ =	strace s4  }
0x96: {  	s4 =	sld [smem:$0x3FFD];
	_ =	sdelay $0x3  }
0x97: {  	_ =	strace s4  }
0x98: {  	_ =	strace $0x8FFFFFFF  }
0x99: {  	s19 =	sld [smem:$0x3FDB];
	_ =	sdelay $0x1  }
0x9a: {  	s5 =	simm.s32 $_scs_section_size  }
0x9b: {  	s6 =	simm.s32 $_size__tile_overlayer_lowered;
	s7 =	simm.s32 $_tile_overlayer_lowered  }
0x9c: {  	s22 =	simm.s32 $0x1BFF;
	s21 =	sshll.u32 s7, $0x1;
	s4 =	sadd.s32 s5, s19  }
0x9d: {  	s8 =	simm.s32 $0x0;
	s20 =	sshll.u32 s6, $0x1;
	s6 =	sadd.s32 s21, s4  }
0x9e: {  	[timem:s8], [sflag:s22] =	dma.local [hbm:s6], s20  }
0x9f: {  	_ =	swait.ge [sflag:s22], s20  }
0xa0: {  	s5 =	ssub.s32 $0x0, s20;
	[sflag:s22] =	ssyncset.done $0x0  }
0xa1: {  	[sflag:s22] =	ssyncadd.s32 s5;
	_ =	sdelay $0x1  }
0xa2: {  	s23 =	simm.s32 $0x1B8B  }
0xa3: {  	_ =	swait.ge [sflag:s23], $0x1  }
0xa4: {  	[sflag:s23] =	ssyncset.done $0x0  }
0xa5: {  	s25 =	simm.s32 $0x1B8E;
	s24 =	sld [smem:$0x3FFE];
	[sflag:s23] =	ssyncadd.s32 $0xFFFFFFFF  }
0xa6: {  	s26 =	simm.s32 $execute0_lowered;
	[smem:$0x3FD2] =	sst s25  }
0xa7: {  	s6 =	sshll.u32 s26, $0x1;
	_ =	strace $0x80000046;
	[dreg:$0x1] =	wrdreg $0xFFFFFFFF  }
0xa8: {  	s28 =	simm.s32 $_size_execute0_lowered;
	s4 =	sadd.s32 s4, s6;
	[dreg:$0x0] =	wrdreg $0x0  }
0xa9: {  	s6 =	sshll.u32 s28, $0x1;
	[dreg:$0x2] =	wrdreg s4  }
0xaa: {  	[dreg:$0x3] =	wrdreg s6  }
0xab: {  	[dreg:$0x4] =	wrdreg $0xC0  }
0xac: {  	_ =	task [dreg:s8], $0x5FFFF  }
0xad: {  	[dreg:$0x1] =	wrdreg $0xFFFFFFFF  }
0xae: {  	[dreg:$0x0] =	wrdreg $0x60  }
0xaf: {  	[dreg:$0x2] =	wrdreg s2  }
0xb0: {  	[dreg:$0x3] =	wrdreg s18  }
0xb1: {  	[dreg:$0x4] =	wrdreg s24  }
0xb2: {  	[dreg:$0x5] =	wrdreg $0x9  }
0xb3: {  	_ =	task.clear_ibuf [dreg:s8], $0x6FFFF;
	_ =	strace $0x90000046  }
0xb4: {  	s29 =	simm.s32 $0x9;
	_ =	strace $0x80000048  }
0xb5: {  	_ =	swait.ge [sflag:s29], $0x1  }
0xb6: {  	[sflag:s29] =	ssyncadd.s32 $0xFFFFFFFF  }
0xb7: {  	_ =	strace $0x90000048  }
0xb8: {  	_ =	sfence  }
0xb9: {  	s30 =	sld [smem:$0x0];
	_ =	sdelay $0x2  }
0xba: {  	s31 =	sshll.u32 s1, $0xD;
	s1 =	sshrl.u32 s1, $0x2  }
0xbb: {  	s3 =	sand.u32 $0x4000, s31;
	s1 =	sadd.s32 s1, s30  }
0xbc: {  	s0 =	sor.u32 s3, s0;
	s1 =	sshll.u32 s1, $0x11  }
0xbd: {  	s0 =	sor.u32 s1, s0  }
0xbe: {  	s0 =	sadd.s32 $0x8F2B, s0  }
0xbf: {  	[sflag:s0] =	ssyncadd.remote.s32 $0x1  }
0xc0: {  	_ =	sfence.sel $0xFFFF  }
0xc1: {  	[dreg:$0x0] =	wrdreg $0xFFFFFFFF;
	(pc) =	sbr.abs _section_cstart, $3  }
0xc2: {  	[dreg:$0x1] =	wrdreg $0xFFFFFFFF  }
0xc3: {  	_ =	task.clear_ibuf [dreg:s8], $0x2FFFF;
	_ =	strace $0x9FFFFFFF  }
0xc4: {  	(tm) =	ssettm $0x7FFFFFFF  }
0xc5: {  	_ =	shalt  }
tec
execute0_lowered:
.L_overlay_start_1:
0x0: {  	(tag) =	ssettag $0x1  }
0x1: {  	s0 =	rddreg [dreg:$0x0]  }
0x2: {  	s3 =	rddreg [dreg:$0x1]  }
0x3: {  	s2 =	rddreg [dreg:$0x2];
	s1 =	simm.s32 $0x0;
	s4 =	srdreg.scid  }
0x4: {  	s11 =	stileid.u32;
	[smem:$0x7FF] =	sst s1;
	s6 =	sand.u32 $0x1, s4  }
0x5: {  	s5 =	sadd.s32 $0xA00, s2;
	s8 =	sadd.s32 $0xE00, s2;
	s7 =	sshrl.u32 s11, $0x2  }
0x6: {  	s13 =	sand.u32 $0x3, s11;
	s15 =	sshll.u32 s11, $0x8;
	s24 =	sshll.u32 s11, $0x6  }
0x7: {  	p0 =	sne.s32 s11, $0x0;
	_ =	strace $0x80000047;
	s4 =	sshll.u32 s6, $0x4  }
0x8: {  	s19 =	ssub.s32 $0x2, s6;
	s10 =	sshll.u32 s6, $0x2;
	s14 =	sshll.u32 s6, $0xC  }
0x9: {  	s25 =	sshll.u32 s13, $0x9;
	s26 =	sshll.u32 s6, $0xA;
	s9 =	sadd.s32 s4, s2  }
0xa: {  	s20 =	sshrl.u32 s19, $0x1;
	s21 =	sor.u32 s7, s10;
	s2 =	sshll.u32 s13, $0xA  }
0xb: {  	s7 =	sshll.u32 s7, $0xA;
	s15 =	sor.u32 s15, s14;
	s0 =	sadd.s32 s0, s25  }
0xc: {  	s29 =	sadd.s32 s8, s26;
	s12 =	ssub.s32 s19, s20;
	s10 =	sshll.u32 s21, $0xC  }
0xd: {  	s4 =	sshll.u32 s21, $0x4;
	s3 =	sadd.s32 s3, s2;
	[dreg:$0x7] =	wrdreg s0  }
0xe: {  	s7 =	sor.u32 s14, s7;
	[dreg:$0x9] =	wrdreg s29;
	s30 =	sadd.s32 $0x1600, s9  }
0xf: {  	v0 =	vlaneseq.u32;
	s22 =	sshrl.u32 s15, $0x3;
	s3 =	sadd.s32 s4, s3;
	v1 =	vmov s10;
	[dreg:$0xa] =	wrdreg s30  }
.Ltmp0:
0x10: {  	v2 =	vimm.f32 $-Inf;
	vm0 =	vmmov $0x3ff;
	s31 =	smax.u32 s12, $0x1;
	[dreg:$0x4] =	wrdreg s3;
	[tilespmem:$0x1FFC0] =	vst v1;
	v1 =	vshrl.u32 v0, $0x3;
	(pc) =	sbr.rel .LBB2_1-.Ltmp0, $4  }
0x11: {  	vm1 =	vmmov $0xffff;
	v3 =	vand.u32 $0x7, v0;
	s7 =	sshrl.u32 s7, $0x3;
	s3 =	sadd.s32 s5, s22;
	[dreg:$0xb] =	wrdreg s31;
	v1 =	vmul.u32 $0x8, v1  }
0x12: {  	vm4 =	vcmask $0xF0C;
	vm5 =	vcmask $0x2F2C;
	vm6 =	vcmask $0xB08;
	[tilespmem:$0x1FFD0] =	vst v3;
	s23 =	sadd.s32 s5, s7;
	[dreg:$0x5] =	wrdreg s3;
	s3 =	sadd.s32 s8, s24  }
0x13: {  	vm7 =	vcmask $0x2320;
	vm8 =	vcmask $0x3734;
	s13 =	simm.s32 $0x2;
	[dreg:$0x6] =	wrdreg s23;
	s28 =	sadd.s32 s26, s3;
	[tilespmem:$0x1FFE0] =	vst v1;
	v1 =	vor.u32 $0x8, v0  }
0x14: {  	vm9 =	vcmask $0x704;
	vm10 =	vcmask $0x1310;
	vm11 =	vcmask $0x1B18;
	s25 =	simm.s32 $0x0;
	s21 =	simm.s32 $0x2880;
	[dreg:$0x8] =	wrdreg s28;
	[tilespmem:$0x1FFF0] =	vst v1  }
.LBB2_15:
0x15: {  	s25 =	sadd.s32 $0x1, s25;
	s0 =	rddreg [dreg:$0xb]  }
0x16: {  	p1 =	sne.s32 s25, s0  }
.Ltmp1:
0x17: {  	_ = 	snop;
	(pc) =	sbr.rel @!p1 .LBB2_16-.Ltmp1, $1  }
0x18: {  	_ =	sdelay $0x3  }
.LBB2_1:
0x19: {  	s0 =	rddreg [dreg:$0x4];
	s3 =	simm.s32 $0x80;
	s4 =	simm.s32 $0x400  }
0x1a: {  	[tilespmem:s1], [sflag:$0x2] =	stream.strided.gather [hbm4b:s0+s3], $0x400, s4, s3, $0x38;
	[tilespmem:$0x6C00] =	vst v63  }
0x1b: {  	_ =	swait.ge [sflag:s13], $0x400  }
0x1c: {  	[sflag:s13] =	ssyncset.done $0x0  }
0x1d: {  	v3 =	vimm.s32 $0x0;
	v1 =	vimm.s32 $0x0;
	v4 =	vimm.f32 $-Inf;
	s0 =	simm.s32 $0x0;
	[sflag:s13] =	ssyncadd.s32 $0xFFFFFC00  }
.LBB2_2:
0x1e: {  	s9 =	simm.s32 $0x40  }
0x1f: {  	v5 =	vld [tilespmem:s9+$0xFFFFFFC0];
	_ =	sdelay $0x1  }
0x20: {  	v6 =	vld [tilespmem:s9+$0xFFFFFFD0];
	_ =	sdelay $0x1  }
0x21: {  	v7 =	vimm.f32 $-Inf;
	v8 =	vld [tilespmem:s9+$0xFFFFFFE0]  }
0x22: {  	vm2 =	vgt.f32 v5, v7  }
0x23: {  	v5 =	vsel vm2, v5, v7;
	v7 =	vld [tilespmem:s9+$0xFFFFFFF0]  }
0x24: {  	vm12 =	vgt.f32 v6, v5  }
0x25: {  	v5 =	vsel vm12, v6, v5  }
0x26: {  	s3 =	simm.s32 $0x0;
	vm13 =	vgt.f32 v8, v5  }
0x27: {  	s28 =	simm.s32 $0x10;
	v9 =	vld [tilespmem:s9+$0x0];
	v6 =	vor.u32 s3, v0;
	v8 =	vsel vm13, v8, v5  }
0x28: {  	s29 =	simm.s32 $0x20;
	v10 =	vor.u32 s28, v0;
	v6 =	vsel vm2, v6, v3;
	vm2 =	vgt.f32 v7, v8  }
0x29: {  	s30 =	simm.s32 $0x30;
	v5 =	vld [tilespmem:s9+$0x10];
	v6 =	vsel vm12, v10, v6;
	v7 =	vsel vm2, v7, v8;
	v8 =	vor.u32 s29, v0  }
0x2a: {  	v6 =	vsel vm13, v8, v6;
	v8 =	vor.u32 s30, v0  }
0x2b: {  	v8 =	vsel vm2, v8, v6;
	v6 =	vld [tilespmem:s9+$0x20]  }
0x2c: {  	s31 =	simm.s32 $0x40;
	vm12 =	vgt.f32 v9, v7  }
0x2d: {  	s11 =	simm.s32 $0x50;
	v10 =	vor.u32 s31, v0;
	v9 =	vsel vm12, v9, v7;
	v7 =	vld [tilespmem:s9+$0x30]  }
0x2e: {  	s8 =	simm.s32 $0x0;
	s3 =	simm.s32 $0x70;
	s9 =	simm.s32 $0xC0;
	v8 =	vsel vm12, v10, v8;
	v10 =	vor.u32 s11, v0;
	vm12 =	vgt.f32 v5, v9  }
.LBB2_3:
0x2f: {  	v11 =	vld [tilespmem:s9+$0xFFFFFFC0];
	s8 =	sadd.s32 $0x8, s8;
	v5 =	vsel vm12, v5, v9;
	v8 =	vsel vm12, v10, v8;
	s11 =	sadd.s32 $0xFFFFFFF0, s3  }
0x30: {  	p1 =	slt.u32 s8, $0x38;
	v9 =	vor.u32 s11, v0;
	vm2 =	vgt.f32 v6, v5  }
0x31: {  	v10 =	vld [tilespmem:s9+$0xFFFFFFD0];
	v5 =	vsel vm2, v6, v5;
	v6 =	vsel vm2, v9, v8  }
0x32: {  	v8 =	vor.u32 s3, v0;
	s3 =	sadd.s32 $0x80, s3;
	vm2 =	vgt.f32 v7, v5  }
0x33: {  	s11 =	sadd.s32 $0xFFFFFF90, s3;
	v9 =	vld [tilespmem:s9+$0xFFFFFFE0];
	v5 =	vsel vm2, v7, v5;
	v6 =	vsel vm2, v8, v6  }
0x34: {  	v7 =	vor.u32 s11, v0;
	vm2 =	vgt.f32 v11, v5  }
0x35: {  	s11 =	sadd.s32 $0xFFFFFFA0, s3;
	v5 =	vsel vm2, v11, v5;
	v6 =	vsel vm2, v7, v6;
	v7 =	vld [tilespmem:s9+$0xFFFFFFF0]  }
0x36: {  	v8 =	vor.u32 s11, v0;
	vm2 =	vgt.f32 v10, v5  }
0x37: {  	s11 =	sadd.s32 $0xFFFFFFB0, s3;
	v5 =	vsel vm2, v10, v5;
	v6 =	vsel vm2, v8, v6;
	v8 =	vld [tilespmem:s9+$0x0]  }
0x38: {  	v10 =	vor.u32 s11, v0;
	vm2 =	vgt.f32 v9, v5  }
0x39: {  	s11 =	sadd.s32 $0xFFFFFFC0, s3;
	v9 =	vsel vm2, v9, v5;
	v6 =	vsel vm2, v10, v6;
	v5 =	vld [tilespmem:s9+$0x10]  }
.Ltmp2:
0x3a: {  	v10 =	vor.u32 s11, v0;
	vm2 =	vgt.f32 v7, v9;
	(pc) =	sbr.rel @p1 .LBB2_3-.Ltmp2, $4  }
0x3b: {  	s11 =	sadd.s32 $0xFFFFFFD0, s3;
	v7 =	vsel vm2, v7, v9;
	v10 =	vsel vm2, v10, v6;
	v6 =	vld [tilespmem:s9+$0x20]  }
0x3c: {  	v11 =	vor.u32 s11, v0;
	vm2 =	vgt.f32 v8, v7  }
0x3d: {  	s11 =	sadd.s32 $0xFFFFFFE0, s3;
	v9 =	vsel vm2, v8, v7;
	v8 =	vsel vm2, v11, v10;
	v7 =	vld [tilespmem:s9+$0x30]  }
0x3e: {  	v10 =	vor.u32 s11, v0;
	s9 =	sadd.s32 $0x80, s9;
	vm12 =	vgt.f32 v5, v9  }
0x3f: {  	v5 =	vsel vm12, v5, v9  }
0x40: {  	vm2 =	vgt.f32 v6, v5  }
0x41: {  	v5 =	vsel vm2, v6, v5  }
0x42: {  	vm13 =	vgt.f32 v7, v5  }
0x43: {  	v5 =	vsel vm13, v7, v5  }
0x44: {  	(xrf0) =	vmax.scan.msk.f32 $0xffff, v5;
	_ =	sdelay $0x4  }
0x45: {  	s8 =	sadd.s32 $0xFFFFFFF0, s3  }
0x46: {  	v6 =	vsel vm12, v10, v8;
	v7 =	vor.u32 s8, v0;
	v63, _, _ =	vpop (xrf0)  }
0x47: {  	v6 =	vsel vm2, v7, v6;
	v7 =	vor.u32 s3, v0;
	v8 =	vbroadcast v63, $0xF  }
0x48: {  	v6 =	vsel vm13, v7, v6  }
0x49: {  	vm2 =	veq.f32 v5, v8;
	v5 =	vxor.u32 $0x80000000, v6  }
0x4a: {  	v5 =	vnsel vm2, $0xFFFFFFFF, v5  }
0x4b: {  	(xrf0) =	vmin.scan.msk.u32 $0xffff, v5;
	_ =	sdelay $0x5  }
0x4c: {  	v5, _, _ =	vpop (xrf0)  }
0x4d: {  	(v2sf) =	vpush v5, $0xF;
	_ =	sdelay $0xe  }
0x4e: {  	s31 =	spop (v2sf)  }
0x4f: {  	v6 =	vmov s0;
	s0 =	sadd.s32 $0x1, s0;
	s3 =	sxor.u32 $0x80000000, s31  }
0x50: {  	p1 =	sne.s32 s0, $0xA;
	v5 =	vmov s3  }
.Ltmp3:
0x51: {  	_ = 	snop;
	(pc) =	sbr.rel @p1 .LBB2_2-.Ltmp3, $3  }
0x52: {  	_ =	sdelay $0x1  }
0x53: {  	vm2 =	veq.s32 v6, v0;
	s3 =	sadd.s32 s2, s3  }
0x54: {  	v4 =	vsel vm2, v8, v4;
	v1 =	vsel vm2, s3, v1;
	[tilespmem:v5+s1+$0x0] =	vst.idx.msk $0x1, v2  }
0x55: {  	[tilespmem:$0x4900] =	vst v4  }
0x56: {  	[tilespmem:$0x4980] =	vst v1;
	s0 =	simm.s32 $0x0;
	s3 =	rddreg [dreg:$0x5];
	s4 =	simm.s32 $0x4900  }
0x57: {  	[hbm4b:s3+s0] =	stream.linear.scatter [tilespmem:s4], [sflag:$0x2], $0x100, $0x38;
	[tilespmem:$0x6C00] =	vst v63  }
0x58: {  	_ =	swait.ge [sflag:s13], $0x100  }
0x59: {  	[sflag:s13] =	ssyncset.done $0x0  }
0x5a: {  	[sflag:s13] =	ssyncadd.s32 $0xFFFFFF00  }
0x5b: {  	[bflag:$0x0] =	sbarrier.arrive $0xFFFF  }
0x5c: {  	s30 =	simm.s32 $0x2480;
	s29 =	rddreg [dreg:$0x6]  }
0x5d: {  	[tilespmem:s30], [sflag:$0x2] =	stream.linear.gather [hbm4b:s29+s0], $0x400, $0x38;
	[tilespmem:$0x6C00] =	vst v63  }
0x5e: {  	_ =	swait.ge [sflag:s13], $0x400  }
0x5f: {  	[sflag:s13] =	ssyncset.done $0x0  }
0x60: {  	[sflag:s13] =	ssyncadd.s32 $0xFFFFFC00  }
0x61: {  	v1 =	vld [tilespmem:$0x2500]  }
0x62: {  	v3 =	vld [tilespmem:$0x2600]  }
0x63: {  	v4 =	vld [tilespmem:$0x2700]  }
0x64: {  	v5 =	vld [tilespmem:$0x2800]  }
0x65: {  	v6 =	vld [tilespmem:$0x2480]  }
0x66: {  	v7 =	vld [tilespmem:$0x2680]  }
0x67: {  	v8 =	vld [tilespmem:$0x2780]  }
0x68: {  	v9 =	vld [tilespmem:$0x2580];
	_ =	sdelay $0x3  }
0x69: {  	vm12 =	vlt.s32 v4, v5;
	vm13 =	vlt.s32 v1, v3;
	vm2 =	veq.f32 v7, v8  }
0x6a: {  	vm14 =	veq.f32 v6, v9;
	vm15 =	vgt.f32 v7, v8;
	vm2 =	vmand vm12, vm2  }
0x6b: {  	vm3 =	vgt.f32 v6, v9;
	vm14 =	vmand vm13, vm14;
	vm2 =	vmor vm15, vm2  }
0x6c: {  	vm3 =	vmor vm3, vm14;
	v10 =	vsel vm2, v4, v5  }
0x6d: {  	v11 =	vsel vm3, v6, v9;
	v12 =	vsel vm3, v1, v3;
	v13 =	vsel vm2, v7, v8  }
0x6e: {  	vm2 =	veq.f32 v11, v13;
	vm3 =	vlt.s32 v12, v10  }
0x6f: {  	vm14 =	vgt.f32 v11, v13;
	vm2 =	vmand vm2, vm3  }
0x70: {  	vm2 =	vmor vm14, vm2  }
0x71: {  	v11 =	vsel vm2, v11, v13  }
0x72: {  	(xrf0) =	vmax.scan.msk.f32 $0xffff, v11;
	_ =	sdelay $0x5  }
0x73: {  	v63, _, _ =	vpop (xrf0)  }
0x74: {  	v13 =	vbroadcast v63, $0xF  }
0x75: {  	v10 =	vsel vm2, v12, v10  }
0x76: {  	v10 =	vxor.u32 $0x80000000, v10;
	vm2 =	veq.f32 v11, v13  }
0x77: {  	v10 =	vnsel vm2, $0xFFFFFFFF, v10  }
0x78: {  	(xrf0) =	vmin.scan.msk.u32 $0xffff, v10;
	_ =	sdelay $0x5  }
0x79: {  	v10, _, _ =	vpop (xrf0)  }
0x7a: {  	(v2sf) =	vpush v10, $0xF;
	_ =	sdelay $0xe  }
0x7b: {  	v11 =	vmov s0;
	s31 =	spop (v2sf)  }
0x7c: {  	vm14 =	veq.s32 v11, v0;
	s8 =	sxor.u32 $0x80000000, s31  }
0x7d: {  	s0 =	simm.s32 $0x1;
	v10 =	vimm.s32 $0x0;
	vm2 =	veq.s32 v1, s8;
	vm15 =	veq.s32 v4, s8  }
.LBB2_6:
0x7e: {  	p1 =	sne.s32 s0, $0x9;
	v6 =	vsel vm2, $0xFF800000, v6;
	vm2 =	veq.s32 v3, s8;
	vm3 =	veq.s32 v5, s8;
	s3 =	smov.u32 s0;
	s0 =	sadd.s32 $0x1, s0  }
0x7f: {  	v7 =	vsel vm15, $0xFF800000, v7;
	v9 =	vsel vm2, $0xFF800000, v9;
	v8 =	vsel vm3, $0xFF800000, v8  }
0x80: {  	v10 =	vsel vm14, s8, v10;
	vm2 =	veq.f32 v7, v8  }
0x81: {  	vm3 =	veq.f32 v6, v9;
	vm14 =	vgt.f32 v7, v8;
	vm2 =	vmand vm12, vm2  }
0x82: {  	vm15 =	vgt.f32 v6, v9;
	vm3 =	vmand vm13, vm3;
	vm2 =	vmor vm14, vm2  }
0x83: {  	vm3 =	vmor vm15, vm3;
	v11 =	vsel vm2, v4, v5  }
0x84: {  	v12 =	vsel vm3, v6, v9;
	v13 =	vsel vm3, v1, v3;
	v14 =	vsel vm2, v7, v8  }
0x85: {  	vm2 =	vgt.f32 v12, v14;
	vm3 =	veq.f32 v12, v14;
	vm14 =	vlt.s32 v13, v11  }
0x86: {  	vm3 =	vmand vm3, vm14  }
0x87: {  	vm2 =	vmor vm2, vm3  }
0x88: {  	v12 =	vsel vm2, v12, v14;
	v11 =	vsel vm2, v13, v11  }
0x89: {  	(xrf0) =	vmax.scan.msk.f32 $0xffff, v12;
	_ =	sdelay $0x5  }
0x8a: {  	v13, _, _ =	vpop (xrf0)  }
0x8b: {  	v13 =	vbroadcast v13, $0xF;
	_ =	sdelay $0x1  }
0x8c: {  	v11 =	vxor.u32 $0x80000000, v11;
	vm2 =	veq.f32 v12, v13  }
0x8d: {  	v11 =	vnsel vm2, $0xFFFFFFFF, v11  }
0x8e: {  	(xrf0) =	vmin.scan.msk.u32 $0xffff, v11;
	_ =	sdelay $0x5  }
0x8f: {  	v11, _, _ =	vpop (xrf0)  }
0x90: {  	(v2sf) =	vpush v11, $0xF;
	_ =	sdelay $0xc  }
.Ltmp4:
0x91: {  	(pc) =	sbr.rel @p1 .LBB2_6-.Ltmp4, $4  }
0x92: {  	_ = 	snop  }
0x93: {  	s8 =	spop (v2sf)  }
0x94: {  	v11 =	vmov s3;
	s8 =	sxor.u32 $0x80000000, s8  }
0x95: {  	vm14 =	veq.s32 v11, v0;
	vm2 =	veq.s32 v1, s8;
	vm15 =	veq.s32 v4, s8  }
0x96: {  	v3 =	vld [tilespmem:$0x1FFC0];
	_ =	sdelay $0x2  }
0x97: {  	v1 =	vsel vm14, s8, v10  }
0x98: {  	v1 =	vnsel vm0, $0x0, v1  }
0x99: {  	v3 =	vadd.s32 v3, v1  }
0x9a: {  	v4 =	vshll.u32 v3, $0x4  }
0x9b: {  	v1 =	vand.u32 $0x7, v1;
	v4 =	vand.u32 $0xFFFFFF80, v4  }
0x9c: {  	v1 =	vor.u32 v1, v4;
	v4 =	vld [tilespmem:$0x1FFD0];
	_ =	sdelay $0x1  }
0x9d: {  	v5 =	vld [tilespmem:$0x1FFE0];
	_ =	sdelay $0x1  }
0x9e: {  	v6 =	vld [tilespmem:$0x1FFF0]  }
0x9f: {  	v4 =	vperm.xlane v1, v4;
	_ =	sdelay $0x1  }
0xa0: {  	v4 =	vadd.s32 v5, v4;
	_ =	sdelay $0x1  }
0xa1: {  	v1 =	vperm.xlane v1, v6;
	_ =	sdelay $0x1  }
0xa2: {  	s9 =	simm.s32 $0x0;
	s3 =	rddreg [dreg:$0x7];
	s0 =	simm.s32 $0x480;
	[tilespmem:$0x400] =	vst v3;
	v1 =	vadd.s32 v5, v1  }
0xa3: {  	[tilespmem:s0], [sflag:$0x1] =	stream.indirect_vreg.gather [hbm4b:s3+s9], $0x80, v4, vm1, $0xb8;
	[tilespmem:$0x6C00] =	vst v63  }
0xa4: {  	s4 =	simm.s32 $0xC80;
	s17 =	sadd.s32 $0x100, s3  }
0xa5: {  	[tilespmem:s4], [sflag:$0x1] =	stream.indirect_vreg.gather [hbm4b:s17+s9], $0x80, v4, vm1, $0xb8;
	[tilespmem:$0x6C00] =	vst v63  }
0xa6: {  	s18 =	simm.s32 $0x1480  }
0xa7: {  	[tilespmem:s18], [sflag:$0x1] =	stream.indirect_vreg.gather [hbm4b:s3+s9], $0x80, v1, vm1, $0xb8;
	[tilespmem:$0x6C00] =	vst v63  }
0xa8: {  	s19 =	simm.s32 $0x1C80;
	s20 =	simm.s32 $0x1  }
0xa9: {  	[tilespmem:s19], [sflag:$0x1] =	stream.indirect_vreg.gather [hbm4b:s17+s9], $0x80, v1, vm1, $0xb8;
	[tilespmem:$0x6C00] =	vst v63  }
0xaa: {  	s22 =	sand.u32 $0x60, s9;
	s11 =	sand.u32 $0xC00, s9;
	_ =	swait.ge [sflag:s20], $0x2000  }
0xab: {  	s23 =	sor.u32 $0x10, s22;
	s0 =	sadd.s32 $0x480, s11;
	[sflag:s20] =	ssyncset.done $0x0  }
0xac: {  	s8 =	sor.u32 s23, s0;
	[sflag:s20] =	ssyncadd.s32 $0xFFFFE000  }
0xad: {  	s12 =	sadd.s32 $0x1500, s11;
	s26 =	sor.u32 s22, s0;
	v18 =	vld [tilespmem:s8+$0x180]  }
0xae: {  	s29 =	sor.u32 s23, s12;
	v9 =	vld [tilespmem:s26+$0x280]  }
0xaf: {  	v3 =	vld [tilespmem:s29+$0x0]  }
0xb0: {  	s11 =	sadd.s32 $0x1480, s11;
	v1 =	vld [tilespmem:s8+$0x280]  }
0xb1: {  	s14 =	sand.u32 $0x3, s9;
	s30 =	sor.u32 s23, s11;
	v4 =	vld [tilespmem:s8+$0x100]  }
0xb2: {  	s14 =	sshll.u32 s14, $0x5;
	v24 =	vld [tilespmem:s30+$0x0]  }
0xb3: {  	s14 =	sadd.s32 $0x0, s14;
	v12 =	vld [tilespmem:s8+$0x0]  }
0xb4: {  	s15 =	sadd.s32 $0x10, s14;
	v23 =	vld [tilespmem:s8+$0x80]  }
0xb5: {  	s28 =	sor.u32 $0x380, s15;
	v19 =	vld [tilespmem:s26+$0x80]  }
0xb6: {  	s24 =	sor.u32 $0x300, s15;
	v22 =	vld [tilespmem:s28+$0x480]  }
0xb7: {  	v13 =	vld [tilespmem:s24+$0x480]  }
0xb8: {  	v26 =	vimm.f32 $0.0e+00;
	v5 =	vld [tilespmem:s26+$0x100]  }
0xb9: {  	v41 =	vimm.f32 $0.0e+00;
	v6 =	vld [tilespmem:s26+$0x200];
	v20 =	vmul.f32 v12, v12;
	v14 =	vmul.f32 v24, v12  }
0xba: {  	v37 =	vimm.f32 $0.0e+00;
	v16 =	vld [tilespmem:s26+$0x0];
	v29 =	vmul.f32 v4, v12;
	v25 =	vmul.f32 v3, v23  }
0xbb: {  	v38 =	vimm.f32 $0.0e+00;
	v8 =	vld [tilespmem:s26+$0x180];
	v7 =	vmul.f32 v9, v19;
	v28 =	vmul.f32 v1, v23  }
0xbc: {  	v15 =	vimm.f32 $0.0e+00;
	v27 =	vmul.f32 v23, v12;
	v21 =	vmul.f32 v13, v12  }
0xbd: {  	v17 =	vimm.f32 $0.0e+00;
	v11 =	vmul.f32 v22, v12;
	v48 =	vmul.f32 v4, v23  }
0xbe: {  	v33 =	vimm.f32 $0.0e+00;
	v4 =	vmul.f32 v5, v19;
	v36 =	vmul.f32 v1, v12  }
0xbf: {  	v35 =	vimm.f32 $0.0e+00;
	v1 =	vmul.f32 v6, v19;
	v42 =	vmul.f32 v18, v12  }
0xc0: {  	v34 =	vimm.f32 $0.0e+00;
	s31 =	sor.u32 $0x300, s14;
	s9 =	sor.u32 s9, s9;
	v10 =	vmul.f32 v16, v16;
	v43 =	vmul.f32 v8, v19  }
0xc1: {  	v32 =	vimm.f32 $0.0e+00;
	s9 =	sor.u32 $0x380, s9;
	v49 =	vld [tilespmem:s31+$0x480];
	v45 =	vmul.f32 v5, v16;
	v39 =	vmul.f32 v3, v12  }
0xc2: {  	v31 =	vimm.f32 $0.0e+00;
	s11 =	sor.u32 s22, s11;
	v46 =	vld [tilespmem:s9+$0x480];
	v50 =	vmul.f32 v8, v16;
	v51 =	vmul.f32 v6, v16  }
0xc3: {  	s12 =	sor.u32 s22, s12;
	v47 =	vld [tilespmem:s11+$0x0];
	v6 =	vimm.f32 $0.0e+00;
	v3 =	vimm.f32 $0.0e+00;
	v40 =	vadd.f32 v4, v26  }
0xc4: {  	s16 =	simm.s32 $0x1;
	v44 =	vld [tilespmem:s12+$0x0];
	v8 =	vimm.f32 $0.0e+00;
	v30 =	vadd.f32 v7, v26;
	v5 =	vadd.f32 v10, v26  }
0xc5: {  	s14 =	simm.s32 $0x0;
	s15 =	simm.s32 $0x100;
	s17 =	simm.s32 $0x20;
	v4 =	vimm.f32 $0.0e+00;
	v10 =	vimm.f32 $0.0e+00;
	v7 =	vimm.f32 $0.0e+00  }
.LBB2_8:
0xc6: {  	s3 =	sand.u32 $0x3, s16;
	s19 =	sand.u32 $0x60, s17;
	s4 =	sand.u32 $0xC00, s15;
	v9 =	vmul.f32 v9, v16;
	v52 =	vmul.f32 v49, v16;
	v40 =	vadd.f32 v48, v40  }
0xc7: {  	v49 =	vmul.f32 v49, v19;
	s3 =	sshll.u32 s3, $0x5;
	s18 =	sadd.s32 $0x480, s4;
	s5 =	sor.u32 $0x10, s19;
	v41 =	vadd.f32 v51, v41;
	v48 =	vmul.f32 v46, v16  }
0xc8: {  	v4 =	vadd.f32 v50, v4;
	s22 =	sor.u32 s19, s18;
	s3 =	sadd.s32 s3, s15;
	v37 =	vadd.f32 v9, v37;
	v50 =	vmul.f32 v47, v16;
	v51 =	vld [tilespmem:s8+$0x200];
	s8 =	sor.u32 s5, s18  }
0xc9: {  	s7 =	sadd.s32 $0x1500, s4;
	v6 =	vadd.f32 v52, v6;
	v10 =	vadd.f32 v49, v10;
	s18 =	sor.u32 $0x300, s3;
	v53 =	vld [tilespmem:s8+$0x180];
	s10 =	sadd.s32 $0x10, s3;
	v52 =	vmul.f32 v44, v16  }
0xca: {  	v38 =	vadd.f32 v45, v38;
	s4 =	sadd.s32 $0x1480, s4;
	v45 =	vmul.f32 v46, v19;
	s6 =	sor.u32 s5, s7;
	v7 =	vadd.f32 v48, v7;
	v9 =	vld [tilespmem:s22+$0x280];
	s20 =	sor.u32 $0x300, s10  }
0xcb: {  	v46 =	vmul.f32 v47, v19;
	s3 =	sor.u32 s19, s4;
	s19 =	sor.u32 s19, s7;
	s4 =	sor.u32 s5, s4;
	v4 =	vadd.f32 v42, v4;
	v3 =	vadd.f32 v50, v3;
	v54 =	vld [tilespmem:s6+$0x0]  }
0xcc: {  	s14 =	sadd.s32 $0x2, s14;
	v8 =	vadd.f32 v43, v8;
	s5 =	sor.u32 $0x380, s10;
	v7 =	vadd.f32 v11, v7;
	v11 =	vmul.f32 v13, v23;
	v42 =	vld [tilespmem:s8+$0x280]  }
0xcd: {  	p1 =	slt.u32 s14, $0x1E;
	v37 =	vadd.f32 v36, v37;
	v13 =	vadd.f32 v52, v15;
	v43 =	vld [tilespmem:s5+$0x480];
	v12 =	vmul.f32 v51, v12  }
0xce: {  	v44 =	vmul.f32 v44, v19;
	v6 =	vadd.f32 v21, v6;
	v3 =	vadd.f32 v14, v3;
	v36 =	vld [tilespmem:s8+$0x100]  }
0xcf: {  	v16 =	vmul.f32 v19, v16;
	v15 =	vadd.f32 v39, v13;
	v10 =	vadd.f32 v11, v10;
	v14 =	vld [tilespmem:s4+$0x0]  }
0xd0: {  	v1 =	vadd.f32 v1, v17;
	v11 =	vmul.f32 v51, v23;
	v41 =	vadd.f32 v12, v41;
	v13 =	vld [tilespmem:s20+$0x480]  }
0xd1: {  	v5 =	vadd.f32 v20, v5;
	v20 =	vmul.f32 v18, v23;
	v38 =	vadd.f32 v29, v38;
	v18 =	vmovc v53;
	v12 =	vld [tilespmem:s8+$0x0]  }
0xd2: {  	v29 =	vmul.f32 v19, v19;
	v16 =	vadd.f32 v16, v33;
	v17 =	vadd.f32 v11, v1;
	v21 =	vld [tilespmem:s8+$0x80]  }
0xd3: {  	v8 =	vadd.f32 v20, v8;
	v1 =	vadd.f32 v44, v35;
	v11 =	vmul.f32 v24, v23;
	v19 =	vld [tilespmem:s22+$0x80]  }
0xd4: {  	v34 =	vadd.f32 v45, v34;
	v32 =	vadd.f32 v46, v32;
	v35 =	vmul.f32 v22, v23;
	v22 =	vmovc v43  }
0xd5: {  	v30 =	vadd.f32 v28, v30;
	v31 =	vadd.f32 v29, v31;
	v39 =	vmul.f32 v23, v23;
	v24 =	vmovc v14;
	v50 =	vld [tilespmem:s22+$0x180]  }
0xd6: {  	v33 =	vadd.f32 v27, v16;
	v45 =	vld [tilespmem:s22+$0x100];
	v20 =	vmul.f32 v12, v12;
	v14 =	vmul.f32 v24, v12  }
0xd7: {  	v32 =	vadd.f32 v11, v32;
	v29 =	vmul.f32 v36, v12;
	v51 =	vld [tilespmem:s22+$0x200];
	v43 =	vmul.f32 v54, v21;
	v23 =	vmovc v21  }
0xd8: {  	v31 =	vadd.f32 v39, v31;
	v16 =	vld [tilespmem:s22+$0x0];
	v52 =	vmul.f32 v9, v19;
	v28 =	vmul.f32 v42, v23  }
0xd9: {  	v34 =	vadd.f32 v35, v34;
	v21 =	vmul.f32 v13, v12;
	v27 =	vmul.f32 v23, v12  }
0xda: {  	s4 =	sor.u32 s15, s17;
	v35 =	vadd.f32 v25, v1;
	v11 =	vmul.f32 v22, v12;
	v48 =	vmul.f32 v36, v23;
	v25 =	vmovc v43  }
.Ltmp5:
0xdb: {  	s4 =	sor.u32 $0x380, s4;
	v36 =	vmul.f32 v42, v12;
	v49 =	vld [tilespmem:s18+$0x480];
	v39 =	vmul.f32 v45, v19;
	(pc) =	sbr.rel @p1 .LBB2_8-.Ltmp5, $4  }
0xdc: {  	v42 =	vmul.f32 v18, v12;
	v46 =	vld [tilespmem:s4+$0x480];
	v1 =	vmul.f32 v51, v19  }
0xdd: {  	v43 =	vmul.f32 v50, v19;
	v47 =	vld [tilespmem:s3+$0x0];
	v53 =	vmul.f32 v16, v16;
	v40 =	vadd.f32 v39, v40  }
0xde: {  	v30 =	vadd.f32 v52, v30;
	v45 =	vmul.f32 v45, v16;
	v39 =	vmul.f32 v54, v12;
	v44 =	vld [tilespmem:s19+$0x0]  }
0xdf: {  	s16 =	sadd.s32 $0x1, s16;
	s15 =	sadd.s32 $0x100, s15;
	s17 =	sadd.s32 $0x20, s17;
	v50 =	vmul.f32 v50, v16;
	v51 =	vmul.f32 v51, v16;
	v5 =	vadd.f32 v53, v5  }
0xe0: {  	v9 =	vmul.f32 v9, v16;
	v52 =	vmul.f32 v49, v16  }
0xe1: {  	v40 =	vadd.f32 v48, v40;
	v58 =	vmul.f32 v49, v19;
	v38 =	vadd.f32 v45, v38  }
0xe2: {  	v1 =	vadd.f32 v1, v17;
	v49 =	vimm.f32 $0.0e+00;
	v45 =	vimm.f32 $0.0e+00  }
0xe3: {  	v55 =	vimm.f32 $0.0e+00;
	v54 =	vimm.f32 $0.0e+00;
	v56 =	vadd.f32 v51, v41  }
0xe4: {  	v57 =	vmul.f32 v46, v16;
	v4 =	vadd.f32 v50, v4;
	v5 =	vadd.f32 v20, v5  }
0xe5: {  	v60 =	vld [tilespmem:s8+$0x200];
	v62 =	vmul.f32 v46, v19;
	v9 =	vadd.f32 v9, v37;
	v6 =	vadd.f32 v52, v6  }
0xe6: {  	[tilespmem:$0x1FED0] =	vst v40;
	v59 =	vmul.f32 v47, v16;
	v10 =	vadd.f32 v58, v10;
	v4 =	vadd.f32 v42, v4  }
0xe7: {  	s0 =	sor.u32 s23, s0;
	v41 =	vld [tilespmem:s29+$0x0];
	v46 =	vimm.f32 $0.0e+00;
	v7 =	vadd.f32 v57, v7;
	[tilespmem:$0x1FF60] =	vst v5;
	v5 =	vadd.f32 v29, v38  }
0xe8: {  	v48 =	vld [tilespmem:s0+$0x100];
	v61 =	vmul.f32 v44, v16;
	v3 =	vadd.f32 v59, v3;
	v9 =	vadd.f32 v36, v9;
	[tilespmem:$0x1FEE0] =	vst v4  }
0xe9: {  	v63 =	vmul.f32 v47, v19;
	v6 =	vadd.f32 v21, v6;
	v4 =	vadd.f32 v43, v8;
	[tilespmem:$0x1FF70] =	vst v5  }
0xea: {  	v40 =	vld [tilespmem:s26+$0x100];
	v7 =	vadd.f32 v11, v7;
	v8 =	vadd.f32 v61, v15;
	v11 =	vmul.f32 v60, v12;
	[tilespmem:$0x1FF00] =	vst v9  }
0xeb: {  	v21 =	vld [tilespmem:s0+$0x200];
	v12 =	vmul.f32 v44, v19;
	v5 =	vmul.f32 v18, v23;
	[tilespmem:$0x1FF10] =	vst v6;
	v3 =	vadd.f32 v14, v3  }
0xec: {  	v44 =	vld [tilespmem:s26+$0x180];
	v6 =	vmul.f32 v19, v16;
	[tilespmem:$0x1FEF0] =	vst v7;
	v7 =	vmul.f32 v13, v23;
	v8 =	vadd.f32 v39, v8  }
0xed: {  	v58 =	vimm.f32 $0.0e+00;
	v9 =	vld [tilespmem:s26+$0x280];
	v53 =	vmul.f32 v41, v48;
	v4 =	vadd.f32 v5, v4;
	[tilespmem:$0x1FF20] =	vst v3  }
0xee: {  	v5 =	vld [tilespmem:s11+$0x0];
	v13 =	vmul.f32 v23, v23;
	v6 =	vadd.f32 v6, v33;
	[tilespmem:$0x1FF30] =	vst v8;
	v7 =	vadd.f32 v7, v10  }
0xef: {  	v15 =	vadd.f32 v28, v30;
	v14 =	vld [tilespmem:s9+$0x480];
	v16 =	vmul.f32 v40, v40;
	v8 =	vmul.f32 v19, v19;
	[tilespmem:$0x1FF90] =	vst v4  }
0xf0: {  	v3 =	vld [tilespmem:s26+$0x200];
	v4 =	vmul.f32 v24, v23;
	v28 =	vadd.f32 v27, v6;
	[tilespmem:$0x1FF40] =	vst v7;
	v7 =	vadd.f32 v11, v56  }
0xf1: {  	v47 =	vld [tilespmem:s31+$0x480];
	v6 =	vmul.f32 v21, v21;
	v57 =	vmul.f32 v44, v40;
	v8 =	vadd.f32 v8, v31  }
0xf2: {  	v52 =	vimm.f32 $0.0e+00;
	v10 =	vld [tilespmem:s0+$0x280];
	v18 =	vmul.f32 v9, v44;
	[tilespmem:$0x1FF50] =	vst v7;
	v7 =	vmul.f32 v60, v23  }
0xf3: {  	v56 =	vmul.f32 v21, v48;
	v17 =	vmul.f32 v5, v40;
	v27 =	vadd.f32 v13, v8  }
0xf4: {  	v36 =	vld [tilespmem:s12+$0x0];
	v13 =	vmul.f32 v41, v21;
	v1 =	vadd.f32 v7, v1;
	v7 =	vadd.f32 v63, v32  }
0xf5: {  	v51 =	vadd.f32 v16, v26;
	v20 =	vmul.f32 v14, v3;
	v16 =	vmul.f32 v3, v44  }
0xf6: {  	v19 =	vmul.f32 v47, v3;
	[tilespmem:$0x1FF80] =	vst v1;
	v1 =	vadd.f32 v12, v35;
	v4 =	vadd.f32 v4, v7  }
0xf7: {  	v11 =	vadd.f32 v62, v34;
	v8 =	vmul.f32 v10, v21;
	v12 =	vmul.f32 v22, v23;
	v35 =	vld [tilespmem:s0+$0x180]  }
0xf8: {  	v42 =	vld [tilespmem:s24+$0x480];
	[tilespmem:$0x1FFB0] =	vst v4;
	v4 =	vmul.f32 v3, v3;
	v25 =	vadd.f32 v25, v1;
	v1 =	vmul.f32 v9, v3  }
0xf9: {  	v7 =	vld [tilespmem:s30+$0x0];
	v24 =	vadd.f32 v12, v11;
	v11 =	vmul.f32 v36, v3;
	v12 =	vmul.f32 v5, v3  }
0xfa: {  	v43 =	vmul.f32 v10, v48;
	v4 =	vadd.f32 v4, v26;
	v1 =	vadd.f32 v1, v26  }
0xfb: {  	v5 =	vmul.f32 v5, v44;
	v11 =	vadd.f32 v11, v26;
	v12 =	vadd.f32 v12, v26  }
0xfc: {  	[tilespmem:$0x1FFA0] =	vst v15;
	v15 =	vmul.f32 v10, v35;
	v10 =	vmul.f32 v9, v40;
	v32 =	vadd.f32 v8, v1;
	v1 =	vld [tilespmem:s28+$0x480]  }
0xfd: {  	v9 =	vmul.f32 v14, v40;
	v14 =	vmul.f32 v14, v44;
	v29 =	vadd.f32 v6, v4  }
0xfe: {  	v6 =	vmul.f32 v42, v21;
	v4 =	vmul.f32 v7, v21;
	v31 =	vadd.f32 v13, v11  }
0xff: {  	v8 =	vmul.f32 v7, v48;
	v11 =	vadd.f32 v5, v26;
	v5 =	vadd.f32 v20, v26  }
0x100: {  	v20 =	vmul.f32 v3, v40;
	v30 =	vadd.f32 v4, v12;
	v4 =	vmul.f32 v36, v44  }
0x101: {  	v13 =	vadd.f32 v17, v26;
	v17 =	vmul.f32 v21, v35;
	v12 =	vmul.f32 v1, v21  }
0x102: {  	s8 =	simm.s32 $0x100;
	v3 =	vimm.f32 $0.0e+00;
	v50 =	vadd.f32 v4, v26;
	v4 =	vimm.f32 $0.0e+00  }
0x103: {  	s9 =	simm.s32 $0x1;
	s11 =	simm.s32 $0x20;
	s0 =	simm.s32 $0x0;
	v33 =	vadd.f32 v12, v5;
	v12 =	vimm.f32 $0.0e+00;
	v5 =	vimm.f32 $0.0e+00  }
.LBB2_10:
0x104: {  	s4 =	sand.u32 $0x60, s11;
	s5 =	sand.u32 $0xC00, s8;
	s0 =	sadd.s32 $0x2, s0;
	v21 =	vmul.f32 v47, v40;
	v18 =	vadd.f32 v18, v26;
	v34 =	vmul.f32 v42, v35  }
0x105: {  	s3 =	sand.u32 $0x3, s9;
	v3 =	vadd.f32 v19, v3;
	v19 =	vmul.f32 v35, v48;
	s6 =	sadd.s32 $0x480, s5;
	s7 =	sor.u32 $0x10, s4;
	v12 =	vadd.f32 v20, v12  }
0x106: {  	v4 =	vadd.f32 v16, v4;
	v7 =	vmul.f32 v7, v35;
	s10 =	sshll.u32 s3, $0x5;
	s15 =	sadd.s32 $0x1480, s5;
	s3 =	sor.u32 s4, s6;
	v26 =	vadd.f32 v15, v18  }
0x107: {  	s5 =	sadd.s32 $0x1500, s5;
	s10 =	sadd.s32 s10, s8;
	s12 =	sor.u32 s7, s6;
	v15 =	vmul.f32 v42, v48;
	v18 =	vmul.f32 v41, v35;
	v3 =	vadd.f32 v6, v3;
	v16 =	vld [tilespmem:s3+$0x280]  }
0x108: {  	v13 =	vadd.f32 v8, v13;
	s16 =	sor.u32 s4, s5;
	v6 =	vmul.f32 v1, v48;
	v4 =	vadd.f32 v17, v4;
	s6 =	sor.u32 $0x300, s10;
	s10 =	sadd.s32 $0x10, s10;
	v20 =	vld [tilespmem:s3+$0x200]  }
0x109: {  	v5 =	vadd.f32 v10, v5;
	v8 =	vmul.f32 v36, v40;
	v10 =	vmul.f32 v48, v48;
	s5 =	sor.u32 s7, s5;
	s17 =	sor.u32 $0x300, s10;
	s14 =	sor.u32 $0x380, s10;
	v17 =	vld [tilespmem:s12+$0x200]  }
0x10a: {  	v14 =	vadd.f32 v14, v58;
	s4 =	sor.u32 s4, s15;
	s7 =	sor.u32 s7, s15;
	v1 =	vmul.f32 v1, v35;
	v11 =	vadd.f32 v7, v11;
	s10 =	sor.u32 s8, s11;
	v37 =	vld [tilespmem:s12+$0x280]  }
0x10b: {  	p1 =	slt.u32 s0, $0x1E;
	v7 =	vadd.f32 v21, v46;
	v8 =	vadd.f32 v8, v49;
	v21 =	vmul.f32 v47, v44;
	s10 =	sor.u32 $0x380, s10;
	v36 =	vld [tilespmem:s16+$0x0]  }
0x10c: {  	v9 =	vadd.f32 v9, v45;
	v38 =	vmul.f32 v44, v44;
	v58 =	vadd.f32 v1, v14;
	v42 =	vld [tilespmem:s17+$0x480]  }
0x10d: {  	v5 =	vadd.f32 v43, v5;
	v46 =	vadd.f32 v15, v7;
	v14 =	vld [tilespmem:s4+$0x0];
	v1 =	vmul.f32 v20, v20  }
0x10e: {  	v45 =	vadd.f32 v6, v9;
	v49 =	vadd.f32 v53, v8;
	v7 =	vmul.f32 v16, v20;
	v39 =	vld [tilespmem:s10+$0x480]  }
0x10f: {  	v8 =	vadd.f32 v38, v55;
	v6 =	vmul.f32 v17, v17;
	v1 =	vadd.f32 v1, v29;
	v41 =	vld [tilespmem:s5+$0x0]  }
0x110: {  	v12 =	vadd.f32 v56, v12;
	v9 =	vadd.f32 v7, v32;
	v15 =	vmul.f32 v37, v17;
	v7 =	vld [tilespmem:s7+$0x0]  }
0x111: {  	v10 =	vadd.f32 v10, v51;
	v38 =	vadd.f32 v57, v54;
	v32 =	vmul.f32 v36, v20;
	v47 =	vld [tilespmem:s6+$0x480]  }
0x112: {  	v29 =	vadd.f32 v6, v1;
	v1 =	vadd.f32 v21, v52;
	v6 =	vmul.f32 v35, v35;
	v40 =	vld [tilespmem:s3+$0x100]  }
0x113: {  	v54 =	vadd.f32 v19, v38;
	v21 =	vadd.f32 v32, v31;
	v48 =	vld [tilespmem:s12+$0x100]  }
0x114: {  	v19 =	vmul.f32 v14, v20;
	v55 =	vadd.f32 v6, v8;
	v52 =	vadd.f32 v34, v1;
	v44 =	vld [tilespmem:s3+$0x180]  }
0x115: {  	v38 =	vadd.f32 v18, v50;
	v32 =	vadd.f32 v15, v9;
	v1 =	vmul.f32 v41, v17;
	v35 =	vld [tilespmem:s12+$0x180]  }
0x116: {  	v6 =	vmul.f32 v42, v17;
	v9 =	vadd.f32 v19, v30;
	v15 =	vmul.f32 v7, v17  }
0x117: {  	v31 =	vadd.f32 v1, v21;
	v18 =	vmul.f32 v40, v40;
	v19 =	vmul.f32 v14, v40  }
0x118: {  	v30 =	vadd.f32 v15, v9;
	v1 =	vld [tilespmem:s14+$0x480];
	v43 =	vmul.f32 v37, v48;
	v8 =	vmul.f32 v7, v48  }
0x119: {  	v53 =	vmul.f32 v41, v48;
	v51 =	vadd.f32 v18, v10;
	v9 =	vmul.f32 v14, v44  }
0x11a: {  	v14 =	vmul.f32 v39, v20;
	v15 =	vmul.f32 v37, v35  }
0x11b: {  	v34 =	vimm.f32 $0.0e+00;
	v10 =	vmul.f32 v16, v40;
	v18 =	vmul.f32 v16, v44  }
.Ltmp6:
0x11c: {  	v56 =	vmul.f32 v17, v48;
	v13 =	vadd.f32 v19, v13;
	v21 =	vmul.f32 v36, v44;
	(pc) =	sbr.rel @p1 .LBB2_10-.Ltmp6, $4  }
0x11d: {  	v16 =	vmul.f32 v20, v44;
	v11 =	vadd.f32 v9, v11;
	v37 =	vmul.f32 v1, v17  }
0x11e: {  	v57 =	vmul.f32 v44, v40;
	v19 =	vmul.f32 v47, v20;
	v33 =	vadd.f32 v14, v33  }
0x11f: {  	s3 =	simm.s32 $0x0;
	v9 =	vmul.f32 v39, v40;
	v14 =	vmul.f32 v39, v44;
	v50 =	vadd.f32 v21, v38  }
0x120: {  	s9 =	sadd.s32 $0x1, s9;
	s8 =	sadd.s32 $0x100, s8;
	s11 =	sadd.s32 $0x20, s11;
	v20 =	vmul.f32 v20, v40;
	v17 =	vmul.f32 v17, v35;
	v33 =	vadd.f32 v37, v33  }
0x121: {  	v18 =	vadd.f32 v18, v26;
	v3 =	vadd.f32 v19, v3  }
0x122: {  	v21 =	vmul.f32 v47, v40;
	v4 =	vadd.f32 v16, v4;
	v39 =	vadd.f32 v8, v13  }
0x123: {  	v59 =	vmul.f32 v42, v35;
	v9 =	vadd.f32 v9, v45;
	v12 =	vadd.f32 v20, v12  }
0x124: {  	v19 =	vmul.f32 v35, v48;
	s0 =	sand.u32 $0x3, s3;
	v37 =	vadd.f32 v15, v18;
	v26 =	vadd.f32 v6, v3  }
0x125: {  	v7 =	vmul.f32 v7, v35;
	s4 =	sor.u32 s3, s3;
	s5 =	sand.u32 $0xC00, s3;
	s20 =	sand.u32 $0x60, s3;
	v38 =	vadd.f32 v17, v4;
	v3 =	vadd.f32 v10, v5  }
0x126: {  	s0 =	sshll.u32 s0, $0x5;
	s4 =	sor.u32 $0x380, s4;
	s26 =	sadd.s32 $0x1500, s5;
	v4 =	vmul.f32 v36, v40;
	v5 =	vadd.f32 v14, v58;
	v6 =	vmul.f32 v1, v35  }
0x127: {  	v40 =	vadd.f32 v7, v11;
	v7 =	vmul.f32 v42, v48;
	v8 =	vadd.f32 v21, v46;
	s0 =	sadd.s32 $0x0, s0;
	v36 =	vld [tilespmem:s4+$0x480];
	s30 =	sor.u32 s20, s26  }
0x128: {  	s22 =	sor.u32 $0x10, s20;
	v1 =	vmul.f32 v1, v48;
	s7 =	sor.u32 $0x300, s0;
	v11 =	vld [tilespmem:s30+$0x0];
	v4 =	vadd.f32 v4, v49;
	v42 =	vadd.f32 v6, v5  }
0x129: {  	s28 =	sor.u32 s22, s26;
	s0 =	sadd.s32 $0x10, s0;
	v5 =	vmul.f32 v44, v44;
	v45 =	vadd.f32 v43, v3;
	v46 =	vadd.f32 v7, v8;
	v43 =	vld [tilespmem:s7+$0x480]  }
0x12a: {  	v3 =	vmul.f32 v48, v48;
	v49 =	vadd.f32 v1, v9;
	s24 =	sor.u32 $0x300, s0;
	v6 =	vmul.f32 v41, v35;
	v41 =	vld [tilespmem:s28+$0x0]  }
0x12b: {  	s6 =	sadd.s32 $0x480, s5;
	v1 =	vmul.f32 v47, v44;
	s0 =	sor.u32 $0x380, s0;
	v44 =	vld [tilespmem:s24+$0x480];
	v48 =	vadd.f32 v53, v4;
	v4 =	vadd.f32 v5, v55  }
0x12c: {  	s23 =	sor.u32 s20, s6;
	v47 =	vld [tilespmem:s0+$0x480];
	v5 =	vadd.f32 v57, v54;
	v51 =	vadd.f32 v3, v51;
	v3 =	vmul.f32 v35, v35  }
0x12d: {  	s6 =	sor.u32 s22, s6;
	v14 =	vimm.f32 $0.0e+00;
	v53 =	vld [tilespmem:s23+$0x280];
	v54 =	vadd.f32 v56, v12;
	v1 =	vadd.f32 v1, v52  }
0x12e: {  	s5 =	sadd.s32 $0x1480, s5;
	v55 =	vld [tilespmem:s6+$0x280];
	v50 =	vadd.f32 v6, v50;
	v52 =	vadd.f32 v3, v4;
	v4 =	vmul.f32 v36, v36  }
0x12f: {  	s29 =	sor.u32 s22, s5;
	v57 =	vadd.f32 v19, v5;
	v16 =	vmul.f32 v11, v11;
	v17 =	vmul.f32 v11, v36  }
0x130: {  	v35 =	vld [tilespmem:s29+$0x0];
	v56 =	vadd.f32 v59, v1;
	v3 =	vmul.f32 v43, v43;
	v1 =	vmul.f32 v36, v43  }
0x131: {  	v59 =	vimm.f32 $0.0e+00;
	v9 =	vmul.f32 v44, v44;
	v15 =	vmul.f32 v47, v47  }
0x132: {  	v60 =	vmul.f32 v41, v47;
	v20 =	vadd.f32 v4, v34;
	v5 =	vmul.f32 v53, v53  }
0x133: {  	v4 =	vimm.f32 $0.0e+00;
	v7 =	vmul.f32 v55, v55;
	v6 =	vmul.f32 v36, v53  }
0x134: {  	s31 =	sor.u32 s20, s5;
	v3 =	vadd.f32 v3, v34;
	v8 =	vmul.f32 v43, v53;
	v12 =	vmul.f32 v47, v55  }
0x135: {  	v13 =	vmul.f32 v41, v55;
	v62 =	vmul.f32 v35, v35;
	v10 =	vadd.f32 v6, v34;
	v6 =	vld [tilespmem:s31+$0x0]  }
0x136: {  	v21 =	vmul.f32 v11, v53;
	v5 =	vadd.f32 v5, v34;
	v19 =	vadd.f32 v8, v34  }
0x137: {  	v58 =	vadd.f32 v9, v3;
	v3 =	vmul.f32 v41, v44;
	v8 =	vmul.f32 v41, v35  }
0x138: {  	v9 =	vimm.f32 $0.0e+00;
	v63 =	vadd.f32 v7, v5;
	v61 =	vadd.f32 v12, v10  }
0x139: {  	s8 =	simm.s32 $0x100;
	v5 =	vadd.f32 v1, v34;
	v10 =	vimm.f32 $0.0e+00;
	v7 =	vimm.f32 $0.0e+00  }
0x13a: {  	s9 =	simm.s32 $0x1;
	s11 =	simm.s32 $0x20;
	s0 =	simm.s32 $0x0;
	v12 =	vimm.f32 $0.0e+00;
	v1 =	vimm.f32 $0.0e+00;
	v18 =	vmul.f32 v6, v6  }
.LBB2_12:
0x13b: {  	s3 =	sand.u32 $0x3, s9;
	s4 =	sand.u32 $0x60, s11;
	s5 =	sor.u32 s8, s11;
	v22 =	vmul.f32 v11, v6;
	v23 =	vmul.f32 v35, v55;
	v20 =	vadd.f32 v15, v20  }
0x13c: {  	s6 =	sand.u32 $0xC00, s8;
	v11 =	vmul.f32 v11, v43;
	v15 =	vadd.f32 v16, v34;
	v16 =	vmul.f32 v44, v55;
	s3 =	sshll.u32 s3, $0x5;
	s5 =	sor.u32 $0x380, s5  }
0x13d: {  	v34 =	vmul.f32 v6, v36;
	s7 =	sadd.s32 $0x480, s6;
	s10 =	sor.u32 $0x10, s4;
	v9 =	vadd.f32 v21, v9;
	v21 =	vmul.f32 v6, v43;
	s3 =	sadd.s32 s3, s8  }
0x13e: {  	v10 =	vadd.f32 v17, v10;
	v6 =	vmul.f32 v6, v53;
	v16 =	vadd.f32 v16, v19;
	s12 =	sor.u32 $0x300, s3;
	v36 =	vld [tilespmem:s5+$0x480];
	s5 =	sor.u32 s10, s7;
	s3 =	sadd.s32 $0x10, s3  }
0x13f: {  	v7 =	vadd.f32 v18, v7;
	v9 =	vadd.f32 v13, v9;
	v13 =	vmul.f32 v47, v44;
	v43 =	vld [tilespmem:s12+$0x480];
	s12 =	sadd.s32 $0x1480, s6;
	s6 =	sadd.s32 $0x1500, s6;
	s14 =	sor.u32 $0x300, s3  }
0x140: {  	s7 =	sor.u32 s4, s7;
	v14 =	vadd.f32 v6, v14;
	v6 =	vadd.f32 v21, v12;
	v12 =	vmul.f32 v35, v47;
	s15 =	sor.u32 s4, s12;
	s4 =	sor.u32 s4, s6;
	v55 =	vld [tilespmem:s5+$0x280]  }
0x141: {  	v17 =	vmul.f32 v41, v41;
	v4 =	vadd.f32 v11, v4;
	v11 =	vadd.f32 v22, v59;
	s3 =	sor.u32 $0x380, s3;
	s5 =	sor.u32 s10, s12;
	s6 =	sor.u32 s10, s6;
	v53 =	vld [tilespmem:s7+$0x280]  }
0x142: {  	s0 =	sadd.s32 $0x2, s0;
	v18 =	vmul.f32 v35, v44;
	v1 =	vadd.f32 v34, v1;
	v7 =	vadd.f32 v62, v7;
	v35 =	vld [tilespmem:s5+$0x0]  }
0x143: {  	p1 =	slt.u32 s0, $0x1E;
	v4 =	vadd.f32 v3, v4;
	v59 =	vadd.f32 v8, v11;
	v21 =	vmul.f32 v36, v36;
	v44 =	vld [tilespmem:s14+$0x480]  }
0x144: {  	v10 =	vadd.f32 v60, v10;
	v1 =	vadd.f32 v12, v1;
	v3 =	vmul.f32 v43, v43;
	v47 =	vld [tilespmem:s3+$0x480]  }
0x145: {  	v12 =	vadd.f32 v18, v6;
	v22 =	vmul.f32 v36, v43;
	v41 =	vld [tilespmem:s6+$0x0];
	v8 =	vmul.f32 v55, v55  }
0x146: {  	v14 =	vadd.f32 v23, v14;
	v6 =	vld [tilespmem:s15+$0x0];
	v18 =	vmul.f32 v53, v53;
	v3 =	vadd.f32 v3, v58  }
0x147: {  	v34 =	vadd.f32 v17, v15;
	v19 =	vmul.f32 v43, v53;
	v23 =	vmul.f32 v36, v53;
	v11 =	vld [tilespmem:s4+$0x0]  }
0x148: {  	v5 =	vadd.f32 v13, v5;
	v17 =	vadd.f32 v18, v63;
	v18 =	vmul.f32 v44, v44  }
0x149: {  	v23 =	vadd.f32 v23, v61;
	v60 =	vmul.f32 v47, v55;
	v15 =	vmul.f32 v47, v47  }
.Ltmp7:
0x14a: {  	v19 =	vadd.f32 v19, v16;
	v13 =	vmul.f32 v41, v55;
	v58 =	vadd.f32 v18, v3;
	(pc) =	sbr.rel @p1 .LBB2_12-.Ltmp7, $4  }
0x14b: {  	v62 =	vmul.f32 v35, v35;
	v63 =	vadd.f32 v8, v17;
	v3 =	vmul.f32 v41, v44  }
0x14c: {  	v61 =	vadd.f32 v60, v23;
	v60 =	vmul.f32 v41, v47;
	v16 =	vmul.f32 v11, v11  }
0x14d: {  	v20 =	vadd.f32 v21, v20;
	v8 =	vmul.f32 v41, v35;
	v17 =	vmul.f32 v11, v36  }
0x14e: {  	s9 =	sadd.s32 $0x1, s9;
	s11 =	sadd.s32 $0x20, s11;
	s8 =	sadd.s32 $0x100, s8;
	v5 =	vadd.f32 v22, v5;
	v18 =	vmul.f32 v6, v6;
	v21 =	vmul.f32 v11, v53  }
0x14f: {  	[tilespmem:$0x2900] =	vst v28  }
0x150: {  	[tilespmem:$0x2D80] =	vst v27  }
0x151: {  	[tilespmem:$0x3080] =	vst v24  }
0x152: {  	[tilespmem:$0x3180] =	vst v25  }
0x153: {  	[tilespmem:$0x3200] =	vst v51  }
0x154: {  	[tilespmem:$0x3280] =	vst v57  }
0x155: {  	[tilespmem:$0x3300] =	vst v54  }
0x156: {  	[tilespmem:$0x3380] =	vst v45  }
0x157: {  	v28 =	vld [tilespmem:$0x1FF70];
	[tilespmem:$0x3400] =	vst v46  }
0x158: {  	[tilespmem:$0x3480] =	vst v49  }
0x159: {  	[tilespmem:$0x3500] =	vst v39  }
0x15a: {  	[tilespmem:$0x3580] =	vst v48  }
0x15b: {  	[tilespmem:$0x3600] =	vst v52  }
0x15c: {  	[tilespmem:$0x2980] =	vst v28;
	v28 =	vld [tilespmem:$0x1FEE0]  }
0x15d: {  	[tilespmem:$0x3680] =	vst v38  }
0x15e: {  	[tilespmem:$0x3700] =	vst v37  }
0x15f: {  	[tilespmem:$0x3780] =	vst v56  }
0x160: {  	[tilespmem:$0x3800] =	vst v42  }
0x161: {  	[tilespmem:$0x2A00] =	vst v28;
	v28 =	vld [tilespmem:$0x1FF50]  }
0x162: {  	[tilespmem:$0x3880] =	vst v40  }
0x163: {  	[tilespmem:$0x3900] =	vst v50  }
0x164: {  	[tilespmem:$0x3980] =	vst v29  }
0x165: {  	[tilespmem:$0x3A00] =	vst v32  }
0x166: {  	[tilespmem:$0x2A80] =	vst v28;
	v28 =	vld [tilespmem:$0x1FF00]  }
0x167: {  	[tilespmem:$0x3A80] =	vst v26  }
0x168: {  	[tilespmem:$0x3B00] =	vst v33  }
0x169: {  	[tilespmem:$0x3B80] =	vst v30  }
0x16a: {  	[tilespmem:$0x3C00] =	vst v31  }
0x16b: {  	[tilespmem:$0x2B00] =	vst v28;
	v28 =	vld [tilespmem:$0x1FF10]  }
0x16c: {  	[tilespmem:$0x3C80] =	vst v63  }
0x16d: {  	v49 =	vmul.f32 v44, v55;
	[tilespmem:$0x3F00] =	vst v58;
	v58 =	vadd.f32 v15, v20  }
0x16e: {  	v23 =	vmul.f32 v6, v53;
	[tilespmem:$0x3D80] =	vst v61;
	v53 =	vmul.f32 v47, v44  }
0x16f: {  	v22 =	vld [tilespmem:$0x1FF60];
	v61 =	vadd.f32 v17, v10;
	v19 =	vadd.f32 v49, v19;
	[tilespmem:$0x4100] =	vst v58  }
0x170: {  	v5 =	vadd.f32 v53, v5;
	[tilespmem:$0x2B80] =	vst v28;
	v28 =	vld [tilespmem:$0x1FEF0]  }
0x171: {  	v27 =	vld [tilespmem:$0x1FED0];
	v63 =	vadd.f32 v60, v61;
	[tilespmem:$0x3D00] =	vst v19  }
0x172: {  	[tilespmem:$0x3F80] =	vst v5  }
0x173: {  	v9 =	vadd.f32 v21, v9;
	[tilespmem:$0x4200] =	vst v63  }
0x174: {  	v50 =	vmul.f32 v35, v55;
	v7 =	vadd.f32 v18, v7;
	[tilespmem:$0x2880] =	vst v22  }
0x175: {  	v51 =	vmul.f32 v6, v43;
	v14 =	vadd.f32 v23, v14;
	v9 =	vadd.f32 v13, v9;
	[tilespmem:$0x2C00] =	vst v28;
	v28 =	vld [tilespmem:$0x1FF20]  }
0x176: {  	v52 =	vmul.f32 v11, v43;
	v54 =	vmul.f32 v35, v44;
	v10 =	vadd.f32 v62, v7;
	[tilespmem:$0x2E00] =	vst v27  }
0x177: {  	v55 =	vmul.f32 v6, v36;
	v12 =	vadd.f32 v51, v12;
	v14 =	vadd.f32 v50, v14;
	[tilespmem:$0x3E80] =	vst v9  }
0x178: {  	v4 =	vadd.f32 v52, v4;
	[tilespmem:$0x4280] =	vst v10  }
0x179: {  	v56 =	vmul.f32 v35, v47;
	v1 =	vadd.f32 v55, v1;
	v12 =	vadd.f32 v54, v12;
	v27 =	vld [tilespmem:$0x1FF80];
	[tilespmem:$0x3E00] =	vst v14  }
0x17a: {  	v57 =	vmul.f32 v11, v6;
	v3 =	vadd.f32 v3, v4;
	[tilespmem:$0x2C80] =	vst v28;
	v28 =	vld [tilespmem:$0x1FF30]  }
0x17b: {  	v1 =	vadd.f32 v56, v1;
	[tilespmem:$0x4000] =	vst v12  }
0x17c: {  	[tilespmem:$0x4080] =	vst v3;
	v3 =	vadd.f32 v57, v59  }
0x17d: {  	v11 =	vmul.f32 v41, v41;
	v9 =	vadd.f32 v16, v34;
	[tilespmem:$0x4180] =	vst v1  }
0x17e: {  	v1 =	vadd.f32 v8, v3;
	[tilespmem:$0x2F00] =	vst v27  }
0x17f: {  	v3 =	vadd.f32 v11, v9;
	[tilespmem:$0x2D00] =	vst v28;
	v28 =	vld [tilespmem:$0x1FF90]  }
0x180: {  	[tilespmem:$0x4300] =	vst v1  }
0x181: {  	[tilespmem:$0x4380] =	vst v3;
	v3 =	vimm.f32 $0.0e+00  }
0x182: {  	[tilespmem:$0x4400] =	vst v3  }
0x183: {  	[tilespmem:$0x4480] =	vst v3  }
0x184: {  	[tilespmem:$0x2E80] =	vst v28;
	v28 =	vld [tilespmem:$0x1FFA0]  }
0x185: {  	[tilespmem:$0x4500] =	vst v3  }
0x186: {  	[tilespmem:$0x4580] =	vst v3  }
0x187: {  	[tilespmem:$0x4600] =	vst v3  }
0x188: {  	v27 =	vld [tilespmem:$0x1FF40];
	[tilespmem:$0x4680] =	vst v3  }
0x189: {  	v12 =	vmul.u32 $0x80, v0;
	[tilespmem:$0x2F80] =	vst v28;
	v28 =	vld [tilespmem:$0x1FFB0]  }
0x18a: {  	[tilespmem:$0x4700] =	vst v3  }
0x18b: {  	[tilespmem:$0x4780] =	vst v3  }
0x18c: {  	v1 =	vor.u32 $0x1, v12;
	[tilespmem:$0x4800] =	vst v3  }
0x18d: {  	[tilespmem:$0x3000] =	vst v27  }
0x18e: {  	v3 =	vor.u32 $0x2, v12;
	[tilespmem:$0x3100] =	vst v28  }
0x18f: {  	v4 =	vld.idx.msk [tilespmem:v12+s21+$0x0], $0xffff  }
0x190: {  	v13 =	vor.u32 $0x3, v12  }
0x191: {  	v1 =	vld.idx.msk [tilespmem:v1+s21+$0x0], $0xffff  }
0x192: {  	v14 =	vor.u32 $0x4, v12  }
0x193: {  	v3 =	vld.idx.msk [tilespmem:v3+s21+$0x0], $0xffff  }
0x194: {  	v15 =	vor.u32 $0x5, v12;
	v4 =	vadd.f32 $0.0e+00, v4  }
0x195: {  	v5 =	vld.idx.msk [tilespmem:v13+s21+$0x0], $0xffff  }
0x196: {  	v16 =	vor.u32 $0x6, v12;
	v1 =	vadd.f32 v1, v4  }
0x197: {  	v6 =	vld.idx.msk [tilespmem:v14+s21+$0x0], $0xffff  }
0x198: {  	v1 =	vadd.f32 v3, v1;
	v3 =	vor.u32 $0x7, v12  }
0x199: {  	v7 =	vld.idx.msk [tilespmem:v15+s21+$0x0], $0xffff  }
0x19a: {  	v17 =	vor.u32 $0x8, v12;
	v1 =	vadd.f32 v5, v1  }
0x19b: {  	v4 =	vld.idx.msk [tilespmem:v16+s21+$0x0], $0xffff  }
0x19c: {  	v18 =	vor.u32 $0x9, v12;
	v1 =	vadd.f32 v6, v1  }
0x19d: {  	v3 =	vld.idx.msk [tilespmem:v3+s21+$0x0], $0xffff  }
0x19e: {  	v19 =	vor.u32 $0xA, v12;
	v1 =	vadd.f32 v7, v1  }
0x19f: {  	v5 =	vld.idx.msk [tilespmem:v17+s21+$0x0], $0xffff  }
0x1a0: {  	v20 =	vor.u32 $0xB, v12;
	v1 =	vadd.f32 v4, v1  }
0x1a1: {  	v6 =	vld.idx.msk [tilespmem:v18+s21+$0x0], $0xffff  }
0x1a2: {  	v1 =	vadd.f32 v3, v1;
	v3 =	vor.u32 $0xC, v12  }
0x1a3: {  	v7 =	vld.idx.msk [tilespmem:v19+s21+$0x0], $0xffff  }
0x1a4: {  	v21 =	vor.u32 $0xD, v12;
	v1 =	vadd.f32 v5, v1  }
0x1a5: {  	v4 =	vld.idx.msk [tilespmem:v20+s21+$0x0], $0xffff  }
0x1a6: {  	v22 =	vor.u32 $0xE, v12;
	v1 =	vadd.f32 v6, v1  }
0x1a7: {  	v3 =	vld.idx.msk [tilespmem:v3+s21+$0x0], $0xffff  }
0x1a8: {  	v23 =	vor.u32 $0xF, v12;
	v1 =	vadd.f32 v7, v1  }
0x1a9: {  	v5 =	vld.idx.msk [tilespmem:v21+s21+$0x0], $0xffff  }
0x1aa: {  	v1 =	vadd.f32 v4, v1  }
0x1ab: {  	v24 =	vld.idx.msk [tilespmem:v22+s21+$0x0], $0xffff  }
0x1ac: {  	v1 =	vadd.f32 v3, v1  }
0x1ad: {  	v3 =	vld.idx.msk [tilespmem:v23+s21+$0x0], $0xffff  }
0x1ae: {  	v1 =	vadd.f32 v5, v1;
	_ =	sdelay $0x1  }
0x1af: {  	v25 =	vor.u32 $0x800, v12;
	v1 =	vadd.f32 v24, v1;
	_ =	sdelay $0x1  }
0x1b0: {  	v1 =	vadd.f32 v3, v1;
	v3 =	vor.u32 $0x801, v12;
	_ =	sdelay $0x1  }
0x1b1: {  	[tilespmem:$0x4A00] =	vst v1;
	v1 =	vor.u32 $0x802, v12  }
0x1b2: {  	v4 =	vld.idx.msk [tilespmem:v25+s21+$0x0], $0xffff  }
0x1b3: {  	v26 =	vor.u32 $0x803, v12  }
0x1b4: {  	v3 =	vld.idx.msk [tilespmem:v3+s21+$0x0], $0xffff  }
0x1b5: {  	v27 =	vor.u32 $0x804, v12  }
0x1b6: {  	v1 =	vld.idx.msk [tilespmem:v1+s21+$0x0], $0xffff  }
0x1b7: {  	v28 =	vor.u32 $0x805, v12;
	v4 =	vadd.f32 $0.0e+00, v4  }
0x1b8: {  	v5 =	vld.idx.msk [tilespmem:v26+s21+$0x0], $0xffff  }
0x1b9: {  	v29 =	vor.u32 $0x806, v12;
	v3 =	vadd.f32 v3, v4  }
0x1ba: {  	v6 =	vld.idx.msk [tilespmem:v27+s21+$0x0], $0xffff  }
0x1bb: {  	v1 =	vadd.f32 v1, v3;
	v3 =	vor.u32 $0x807, v12  }
0x1bc: {  	v7 =	vld.idx.msk [tilespmem:v28+s21+$0x0], $0xffff  }
0x1bd: {  	v30 =	vor.u32 $0x808, v12;
	v1 =	vadd.f32 v5, v1  }
0x1be: {  	v4 =	vld.idx.msk [tilespmem:v29+s21+$0x0], $0xffff  }
0x1bf: {  	v31 =	vor.u32 $0x809, v12;
	v1 =	vadd.f32 v6, v1  }
0x1c0: {  	v3 =	vld.idx.msk [tilespmem:v3+s21+$0x0], $0xffff  }
0x1c1: {  	v32 =	vor.u32 $0x80A, v12;
	v1 =	vadd.f32 v7, v1  }
0x1c2: {  	v5 =	vld.idx.msk [tilespmem:v30+s21+$0x0], $0xffff  }
0x1c3: {  	v33 =	vor.u32 $0x80B, v12;
	v1 =	vadd.f32 v4, v1  }
0x1c4: {  	v6 =	vld.idx.msk [tilespmem:v31+s21+$0x0], $0xffff  }
0x1c5: {  	v1 =	vadd.f32 v3, v1;
	v3 =	vor.u32 $0x80C, v12  }
0x1c6: {  	v7 =	vld.idx.msk [tilespmem:v32+s21+$0x0], $0xffff  }
0x1c7: {  	v34 =	vor.u32 $0x80D, v12;
	v1 =	vadd.f32 v5, v1  }
0x1c8: {  	v4 =	vld.idx.msk [tilespmem:v33+s21+$0x0], $0xffff  }
0x1c9: {  	v35 =	vor.u32 $0x80E, v12;
	v1 =	vadd.f32 v6, v1  }
0x1ca: {  	v3 =	vld.idx.msk [tilespmem:v3+s21+$0x0], $0xffff  }
0x1cb: {  	v36 =	vor.u32 $0x80F, v12;
	v1 =	vadd.f32 v7, v1  }
0x1cc: {  	v5 =	vld.idx.msk [tilespmem:v34+s21+$0x0], $0xffff  }
0x1cd: {  	v1 =	vadd.f32 v4, v1  }
0x1ce: {  	v37 =	vld.idx.msk [tilespmem:v35+s21+$0x0], $0xffff  }
0x1cf: {  	v1 =	vadd.f32 v3, v1  }
0x1d0: {  	v3 =	vld.idx.msk [tilespmem:v36+s21+$0x0], $0xffff  }
0x1d1: {  	v1 =	vadd.f32 v5, v1;
	_ =	sdelay $0x1  }
0x1d2: {  	v38 =	vor.u32 $0x1000, v12;
	v1 =	vadd.f32 v37, v1;
	_ =	sdelay $0x1  }
0x1d3: {  	v1 =	vadd.f32 v3, v1;
	v3 =	vor.u32 $0x1001, v12;
	_ =	sdelay $0x1  }
0x1d4: {  	[tilespmem:$0x4A80] =	vst v1;
	v1 =	vor.u32 $0x1002, v12  }
0x1d5: {  	v4 =	vld.idx.msk [tilespmem:v38+s21+$0x0], $0xffff  }
0x1d6: {  	v39 =	vor.u32 $0x1003, v12  }
0x1d7: {  	v3 =	vld.idx.msk [tilespmem:v3+s21+$0x0], $0xffff  }
0x1d8: {  	v40 =	vor.u32 $0x1004, v12  }
0x1d9: {  	v1 =	vld.idx.msk [tilespmem:v1+s21+$0x0], $0xffff  }
0x1da: {  	v41 =	vor.u32 $0x1005, v12;
	v4 =	vadd.f32 $0.0e+00, v4  }
0x1db: {  	v5 =	vld.idx.msk [tilespmem:v39+s21+$0x0], $0xffff  }
0x1dc: {  	v42 =	vor.u32 $0x1006, v12;
	v3 =	vadd.f32 v3, v4  }
0x1dd: {  	v6 =	vld.idx.msk [tilespmem:v40+s21+$0x0], $0xffff  }
0x1de: {  	v1 =	vadd.f32 v1, v3;
	v3 =	vor.u32 $0x1007, v12  }
0x1df: {  	v7 =	vld.idx.msk [tilespmem:v41+s21+$0x0], $0xffff  }
0x1e0: {  	v43 =	vor.u32 $0x1008, v12;
	v1 =	vadd.f32 v5, v1  }
0x1e1: {  	v4 =	vld.idx.msk [tilespmem:v42+s21+$0x0], $0xffff  }
0x1e2: {  	v44 =	vor.u32 $0x1009, v12;
	v1 =	vadd.f32 v6, v1  }
0x1e3: {  	v3 =	vld.idx.msk [tilespmem:v3+s21+$0x0], $0xffff  }
0x1e4: {  	v45 =	vor.u32 $0x100A, v12;
	v1 =	vadd.f32 v7, v1  }
0x1e5: {  	v5 =	vld.idx.msk [tilespmem:v43+s21+$0x0], $0xffff  }
0x1e6: {  	v46 =	vor.u32 $0x100B, v12;
	v1 =	vadd.f32 v4, v1  }
0x1e7: {  	v6 =	vld.idx.msk [tilespmem:v44+s21+$0x0], $0xffff  }
0x1e8: {  	v1 =	vadd.f32 v3, v1;
	v3 =	vor.u32 $0x100C, v12  }
0x1e9: {  	v7 =	vld.idx.msk [tilespmem:v45+s21+$0x0], $0xffff  }
0x1ea: {  	v47 =	vor.u32 $0x100D, v12;
	v1 =	vadd.f32 v5, v1  }
0x1eb: {  	v4 =	vld.idx.msk [tilespmem:v46+s21+$0x0], $0xffff  }
0x1ec: {  	v48 =	vor.u32 $0x100E, v12;
	v1 =	vadd.f32 v6, v1  }
0x1ed: {  	v3 =	vld.idx.msk [tilespmem:v3+s21+$0x0], $0xffff  }
0x1ee: {  	v49 =	vor.u32 $0x100F, v12;
	v1 =	vadd.f32 v7, v1  }
0x1ef: {  	v5 =	vld.idx.msk [tilespmem:v47+s21+$0x0], $0xffff  }
0x1f0: {  	v1 =	vadd.f32 v4, v1  }
0x1f1: {  	v50 =	vld.idx.msk [tilespmem:v48+s21+$0x0], $0xffff  }
0x1f2: {  	v1 =	vadd.f32 v3, v1  }
0x1f3: {  	v3 =	vld.idx.msk [tilespmem:v49+s21+$0x0], $0xffff  }
0x1f4: {  	v1 =	vadd.f32 v5, v1;
	_ =	sdelay $0x1  }
0x1f5: {  	v51 =	vor.u32 $0x1800, v12;
	v1 =	vadd.f32 v50, v1;
	_ =	sdelay $0x1  }
0x1f6: {  	v1 =	vadd.f32 v3, v1;
	v3 =	vor.u32 $0x1801, v12;
	_ =	sdelay $0x1  }
0x1f7: {  	[tilespmem:$0x4B00] =	vst v1;
	v1 =	vor.u32 $0x1802, v12  }
0x1f8: {  	v4 =	vld.idx.msk [tilespmem:v51+s21+$0x0], $0xffff  }
0x1f9: {  	v52 =	vor.u32 $0x1803, v12  }
0x1fa: {  	v3 =	vld.idx.msk [tilespmem:v3+s21+$0x0], $0xffff  }
0x1fb: {  	v53 =	vor.u32 $0x1804, v12  }
0x1fc: {  	v1 =	vld.idx.msk [tilespmem:v1+s21+$0x0], $0xffff  }
0x1fd: {  	v54 =	vor.u32 $0x1805, v12;
	v4 =	vadd.f32 $0.0e+00, v4  }
0x1fe: {  	v5 =	vld.idx.msk [tilespmem:v52+s21+$0x0], $0xffff  }
0x1ff: {  	v55 =	vor.u32 $0x1806, v12;
	v3 =	vadd.f32 v3, v4  }
0x200: {  	v6 =	vld.idx.msk [tilespmem:v53+s21+$0x0], $0xffff  }
0x201: {  	v1 =	vadd.f32 v1, v3;
	v3 =	vor.u32 $0x1807, v12  }
0x202: {  	v7 =	vld.idx.msk [tilespmem:v54+s21+$0x0], $0xffff  }
0x203: {  	v56 =	vor.u32 $0x1808, v12;
	v1 =	vadd.f32 v5, v1  }
0x204: {  	v4 =	vld.idx.msk [tilespmem:v55+s21+$0x0], $0xffff  }
0x205: {  	v57 =	vor.u32 $0x1809, v12;
	v1 =	vadd.f32 v6, v1  }
0x206: {  	v3 =	vld.idx.msk [tilespmem:v3+s21+$0x0], $0xffff  }
0x207: {  	v58 =	vor.u32 $0x180A, v12;
	v1 =	vadd.f32 v7, v1  }
0x208: {  	v5 =	vld.idx.msk [tilespmem:v56+s21+$0x0], $0xffff  }
0x209: {  	v59 =	vor.u32 $0x180B, v12;
	v1 =	vadd.f32 v4, v1  }
0x20a: {  	v6 =	vld.idx.msk [tilespmem:v57+s21+$0x0], $0xffff  }
0x20b: {  	v1 =	vadd.f32 v3, v1;
	v3 =	vor.u32 $0x180C, v12  }
0x20c: {  	v7 =	vld.idx.msk [tilespmem:v58+s21+$0x0], $0xffff  }
0x20d: {  	v60 =	vor.u32 $0x180D, v12;
	v1 =	vadd.f32 v5, v1  }
0x20e: {  	v4 =	vld.idx.msk [tilespmem:v59+s21+$0x0], $0xffff  }
0x20f: {  	v61 =	vor.u32 $0x180E, v12;
	v1 =	vadd.f32 v6, v1  }
0x210: {  	v3 =	vld.idx.msk [tilespmem:v3+s21+$0x0], $0xffff  }
0x211: {  	v62 =	vor.u32 $0x180F, v12;
	v1 =	vadd.f32 v7, v1  }
0x212: {  	v5 =	vld.idx.msk [tilespmem:v60+s21+$0x0], $0xffff  }
0x213: {  	v1 =	vadd.f32 v4, v1  }
0x214: {  	v63 =	vld.idx.msk [tilespmem:v61+s21+$0x0], $0xffff  }
0x215: {  	v1 =	vadd.f32 v3, v1  }
0x216: {  	v3 =	vld.idx.msk [tilespmem:v62+s21+$0x0], $0xffff  }
0x217: {  	v1 =	vadd.f32 v5, v1;
	_ =	sdelay $0x1  }
0x218: {  	v1 =	vadd.f32 v63, v1;
	_ =	sdelay $0x1  }
0x219: {  	v1 =	vadd.f32 v3, v1;
	_ =	sdelay $0x1  }
0x21a: {  	s0 =	rddreg [dreg:$0x8];
	s3 =	simm.s32 $0x4A00;
	[tilespmem:$0x4B80] =	vst v1  }
0x21b: {  	[hbm4b:s0+s1] =	stream.linear.scatter [tilespmem:s3], [sflag:$0x2], $0x200, $0x38;
	[tilespmem:$0x6C00] =	vst v63  }
.Ltmp8:
0x21c: {  	_ =	swait.ge [sflag:s13], $0x200;
	(pc) =	sbr.rel @p0 .LBB2_15-.Ltmp8, $3  }
0x21d: {  	[sflag:s13] =	ssyncset.done $0x0  }
0x21e: {  	[sflag:s13] =	ssyncadd.s32 $0xFFFFFE00  }
0x21f: {  	[bflag:$0x0] =	sbarrier.arrive $0xFFFF;
	_ =	sdelay $0x1  }
0x220: {  	s0 =	rddreg [dreg:$0x9];
	s3 =	simm.s32 $0x4C00  }
0x221: {  	[tilespmem:s3], [sflag:$0x2] =	stream.linear.gather [hbm4b:s0+s1], $0x2000, $0x38;
	[tilespmem:$0x6C00] =	vst v63  }
0x222: {  	_ =	swait.ge [sflag:s13], $0x2000  }
0x223: {  	[sflag:s13] =	ssyncset.done $0x0  }
0x224: {  	[sflag:s13] =	ssyncadd.s32 $0xFFFFE000  }
0x225: {  	v1 =	vld [tilespmem:$0x4C00]  }
0x226: {  	v3 =	vld [tilespmem:$0x4E00]  }
0x227: {  	v4 =	vld [tilespmem:$0x5000]  }
0x228: {  	v5 =	vld [tilespmem:$0x5200]  }
0x229: {  	v6 =	vld [tilespmem:$0x4C80]  }
0x22a: {  	v7 =	vld [tilespmem:$0x4E80]  }
0x22b: {  	v8 =	vld [tilespmem:$0x5080]  }
0x22c: {  	v9 =	vld [tilespmem:$0x5280]  }
0x22d: {  	v10 =	vld [tilespmem:$0x4D00]  }
0x22e: {  	v11 =	vld [tilespmem:$0x4F00]  }
0x22f: {  	v12 =	vld [tilespmem:$0x5100]  }
0x230: {  	v13 =	vld [tilespmem:$0x5300]  }
0x231: {  	v14 =	vld [tilespmem:$0x4D80]  }
0x232: {  	v15 =	vld [tilespmem:$0x4F80]  }
0x233: {  	v16 =	vld [tilespmem:$0x5180]  }
0x234: {  	v17 =	vld [tilespmem:$0x5380]  }
0x235: {  	v18 =	vld [tilespmem:$0x5400]  }
0x236: {  	v19 =	vld [tilespmem:$0x5600]  }
0x237: {  	v20 =	vld [tilespmem:$0x5800]  }
0x238: {  	v21 =	vld [tilespmem:$0x5A00]  }
0x239: {  	v22 =	vld [tilespmem:$0x5480]  }
0x23a: {  	v36 =	vld [tilespmem:$0x5680]  }
0x23b: {  	v37 =	vld [tilespmem:$0x5880]  }
0x23c: {  	v44 =	vld [tilespmem:$0x5580]  }
0x23d: {  	v46 =	vld [tilespmem:$0x5780]  }
0x23e: {  	v54 =	vld [tilespmem:$0x5C80]  }
0x23f: {  	vm2 =	vcmask $0x300;
	v29 =	vimm.f32 $-0.0e+00;
	v55 =	vld [tilespmem:$0x5E80]  }
0x240: {  	vm3 =	vcmask $0x2B28;
	v32 =	vimm.f32 $2.000000000e+00;
	v38 =	vsel vm2, $0xBF800000, v29;
	v58 =	vld [tilespmem:$0x5D00]  }
0x241: {  	v24 =	vsel vm2, $0x3F800000, v32;
	v45 =	vsel vm6, $0xBF800000, v29;
	v27 =	vsel vm4, $0x3F800000, v32;
	v60 =	vld [tilespmem:$0x5F00]  }
0x242: {  	v49 =	vsel vm9, $0xBF800000, v29;
	v39 =	vld [tilespmem:$0x5A80];
	v1 =	vadd.f32 v3, v1;
	v3 =	vadd.f32 v7, v6  }
0x243: {  	v30 =	vsel vm6, $0x3F800000, v32;
	v23 =	vld [tilespmem:$0x5500];
	v10 =	vadd.f32 v11, v10;
	v14 =	vadd.f32 v15, v14  }
0x244: {  	v32 =	vsel vm9, $0x3F800000, v32;
	v28 =	vld [tilespmem:$0x5980];
	v18 =	vadd.f32 v19, v18;
	v6 =	vadd.f32 v36, v22  }
0x245: {  	v47 =	vsel vm7, $0xBF800000, v45;
	v56 =	vld [tilespmem:$0x6080];
	v61 =	vadd.f32 v46, v44;
	v19 =	vadd.f32 v55, v54  }
0x246: {  	v51 =	vsel vm10, $0xBF800000, v49;
	v62 =	vld [tilespmem:$0x6100];
	v7 =	vadd.f32 v60, v58;
	v1 =	vadd.f32 v4, v1  }
0x247: {  	v30 =	vsel vm7, $0x3F800000, v30;
	v41 =	vld [tilespmem:$0x5700];
	v3 =	vadd.f32 v8, v3;
	v10 =	vadd.f32 v12, v10  }
0x248: {  	v53 =	vsel vm10, $0x3F800000, v32;
	v42 =	vld [tilespmem:$0x5900];
	v14 =	vadd.f32 v16, v14;
	v18 =	vadd.f32 v20, v18  }
0x249: {  	v30 =	vsel vm8, $0x3F800000, v30;
	v43 =	vld [tilespmem:$0x5B00];
	v6 =	vadd.f32 v37, v6;
	v8 =	vadd.f32 v28, v61  }
0x24a: {  	v48 =	vld [tilespmem:$0x5B80];
	v4 =	vsel vm3, $0xBF800000, v38;
	v19 =	vadd.f32 v56, v19;
	v1 =	vadd.f32 v5, v1  }
0x24b: {  	v50 =	vld [tilespmem:$0x5C00];
	v7 =	vadd.f32 v62, v7;
	v40 =	vadd.f32 v9, v3;
	v3 =	vsel vm4, $0xBF800000, v29  }
0x24c: {  	v52 =	vld [tilespmem:$0x5E00];
	v10 =	vadd.f32 v13, v10;
	v3 =	vsel vm5, $0xBF800000, v3;
	v1 =	vadd.f32 v4, v1  }
0x24d: {  	v31 =	vld [tilespmem:$0x6000];
	v13 =	vsel vm8, $0xBF800000, v47;
	v14 =	vadd.f32 v17, v14;
	v5 =	vadd.f32 v3, v40  }
0x24e: {  	v33 =	vld [tilespmem:$0x6200];
	v17 =	vsel vm11, $0xBF800000, v51;
	v10 =	vadd.f32 v13, v10;
	v25 =	vand.u32 $0x7FFFFFFF, v1  }
0x24f: {  	v57 =	vld [tilespmem:$0x6280];
	v1 =	vsel vm3, $0x3F800000, v24;
	v26 =	vand.u32 $0x7FFFFFFF, v5;
	v5 =	vsel vm5, $0x3F800000, v27  }
0x250: {  	v63 =	vld [tilespmem:$0x6300];
	v59 =	vadd.f32 v21, v18;
	v25 =	vmul.f32 v1, v25;
	v26 =	vmul.f32 v5, v26  }
0x251: {  	v34 =	vld [tilespmem:$0x6180];
	v9 =	vadd.f32 v41, v23;
	v14 =	vadd.f32 v17, v14;
	v10 =	vand.u32 $0x7FFFFFFF, v10  }
0x252: {  	v35 =	vld [tilespmem:$0x6380];
	v6 =	vadd.f32 v39, v6;
	v10 =	vmul.f32 v30, v10;
	v25 =	vadd.f32 v26, v25  }
0x253: {  	v36 =	vld [tilespmem:$0x6400];
	v8 =	vadd.f32 v48, v8;
	v14 =	vand.u32 $0x7FFFFFFF, v14;
	v26 =	vsel vm11, $0x3F800000, v53  }
0x254: {  	v46 =	vld [tilespmem:$0x6500];
	v19 =	vadd.f32 v57, v19;
	v14 =	vmul.f32 v26, v14;
	v10 =	vadd.f32 v10, v25  }
0x255: {  	v28 =	vld [tilespmem:$0x5D80];
	v7 =	vadd.f32 v63, v7;
	v9 =	vadd.f32 v42, v9  }
0x256: {  	v29 =	vld [tilespmem:$0x5F80];
	v10 =	vadd.f32 v14, v10;
	v14 =	vadd.f32 v4, v59  }
0x257: {  	v37 =	vld [tilespmem:$0x6600];
	v6 =	vadd.f32 v3, v6;
	v8 =	vadd.f32 v17, v8  }
0x258: {  	v38 =	vld [tilespmem:$0x6800];
	v27 =	vadd.f32 v52, v50;
	v9 =	vadd.f32 v43, v9;
	v14 =	vand.u32 $0x7FFFFFFF, v14  }
0x259: {  	v39 =	vld [tilespmem:$0x6A00];
	v19 =	vadd.f32 v3, v19;
	v7 =	vadd.f32 v13, v7;
	v14 =	vmul.f32 v1, v14  }
0x25a: {  	v41 =	vld [tilespmem:$0x6680];
	v6 =	vand.u32 $0x7FFFFFFF, v6;
	v15 =	vadd.f32 v31, v27;
	v9 =	vadd.f32 v13, v9  }
0x25b: {  	v48 =	vld [tilespmem:$0x6700];
	v6 =	vmul.f32 v5, v6;
	v47 =	vadd.f32 v29, v28;
	v10 =	vadd.f32 v14, v10  }
0x25c: {  	v40 =	vld [tilespmem:$0x6480];
	v49 =	vadd.f32 v37, v36;
	v9 =	vand.u32 $0x7FFFFFFF, v9;
	v15 =	vadd.f32 v33, v15  }
0x25d: {  	v43 =	vld [tilespmem:$0x6880];
	v51 =	vadd.f32 v34, v47;
	v9 =	vmul.f32 v30, v9;
	v6 =	vadd.f32 v6, v10  }
0x25e: {  	v8 =	vand.u32 $0x7FFFFFFF, v8;
	v19 =	vand.u32 $0x7FFFFFFF, v19;
	v50 =	vld [tilespmem:$0x6900];
	v15 =	vadd.f32 v4, v15  }
0x25f: {  	v52 =	vld [tilespmem:$0x6580];
	v8 =	vmul.f32 v26, v8;
	v11 =	vadd.f32 v35, v51;
	v6 =	vadd.f32 v9, v6  }
0x260: {  	v45 =	vmul.f32 v5, v19;
	v19 =	vadd.f32 v48, v46;
	v53 =	vld [tilespmem:$0x6780];
	v15 =	vand.u32 $0x7FFFFFFF, v15  }
0x261: {  	v44 =	vld [tilespmem:$0x6A80];
	v11 =	vadd.f32 v17, v11;
	v42 =	vmul.f32 v1, v15;
	v6 =	vadd.f32 v8, v6  }
0x262: {  	v54 =	vld [tilespmem:$0x6B00];
	v9 =	vadd.f32 v41, v40;
	v8 =	vadd.f32 v38, v49  }
0x263: {  	v55 =	vld [tilespmem:$0x6980];
	v14 =	vadd.f32 v50, v19;
	v6 =	vadd.f32 v42, v6  }
0x264: {  	v7 =	vand.u32 $0x7FFFFFFF, v7;
	v9 =	vadd.f32 v43, v9;
	v8 =	vadd.f32 v39, v8  }
0x265: {  	v57 =	vld [tilespmem:$0x6B80];
	v7 =	vmul.f32 v30, v7;
	v10 =	vadd.f32 v53, v52;
	v6 =	vadd.f32 v45, v6  }
0x266: {  	v11 =	vand.u32 $0x7FFFFFFF, v11;
	v56 =	vadd.f32 v44, v9;
	v4 =	vadd.f32 v4, v8  }
0x267: {  	v58 =	vmul.f32 v26, v11;
	v59 =	vadd.f32 v54, v14;
	v6 =	vadd.f32 v7, v6  }
0x268: {  	v10 =	vadd.f32 v55, v10;
	v3 =	vadd.f32 v3, v56;
	v4 =	vand.u32 $0x7FFFFFFF, v4  }
0x269: {  	v1 =	vmul.f32 v1, v4;
	v6 =	vadd.f32 v58, v6  }
0x26a: {  	v60 =	vadd.f32 v13, v59;
	v61 =	vadd.f32 v57, v10;
	v3 =	vand.u32 $0x7FFFFFFF, v3  }
0x26b: {  	v3 =	vmul.f32 v5, v3;
	v1 =	vadd.f32 v1, v6  }
0x26c: {  	v62 =	vadd.f32 v17, v61;
	v4 =	vand.u32 $0x7FFFFFFF, v60  }
0x26d: {  	v1 =	vadd.f32 v3, v1;
	v3 =	vmul.f32 v30, v4  }
0x26e: {  	v63 =	vand.u32 $0x7FFFFFFF, v62  }
0x26f: {  	v1 =	vadd.f32 v3, v1;
	v3 =	vmul.f32 v26, v63;
	_ =	sdelay $0x1  }
0x270: {  	v1 =	vadd.f32 v3, v1;
	_ =	sdelay $0x1  }
0x271: {  	(xrf2) =	vadd.scan.msk.f32 $0xffff, v1;
	_ =	sdelay $0x9  }
0x272: {  	v1, _, _ =	vpop (xrf2)  }
0x273: {  	(v2sf) =	vpush v1, $0xF;
	_ =	sdelay $0xe  }
0x274: {  	s29 =	spop (v2sf)  }
0x275: {  	s0 =	smul.f32 $1.249999970e-03, s29;
	_ =	sdelay $0x1  }
0x276: {  	v1 =	vmov s0  }
.Ltmp9:
0x277: {  	s31 =	simm.s32 $0x4880;
	s30 =	rddreg [dreg:$0xa];
	[tilespmem:$0x4880] =	vst v1;
	(pc) =	sbr.rel .LBB2_15-.Ltmp9, $4  }
0x278: {  	[hbm4b:s30+s1] =	stream.linear.scatter [tilespmem:s31], [sflag:$0x2], $0x80, $0x38;
	[tilespmem:$0x6C00] =	vst v63  }
0x279: {  	_ =	swait.ge [sflag:s13], $0x80  }
0x27a: {  	[sflag:s13] =	ssyncset.done $0x0  }
0x27b: {  	[sflag:s13] =	ssyncadd.s32 $0xFFFFFF80  }
.LBB2_16:
0x27c: {  	_ =	sfence.sel $0x180000  }
0x27d: {  	[bflag:$0x0] =	sbarrier.arrive $0xFFFF  }
0x27e: {  	_ =	strace $0x90000047  }
0x27f: {  	[bflag:$0x2] =	sbarrier.arrive $0xFFFF  }
0x280: {  	s0 =	rddreg [dreg:$0x3]  }
0x281: {  	s0 =	sadd.s32 @!p0 $0x100000, s0  }
0x282: {  	[sflag:s0] =	ssyncadd.tile.s32 @!p0 $0x1;
	_ =	shalt  }
.Lfunc_end2:
_tile_overlayer_lowered:
.L_overlay_start_2:
0x283: {  	(tag) =	ssettag $0x2  }
0x284: {  	s0 =	rddreg [dreg:$0x0];
	s2 =	stileid.u32  }
0x285: {  	s1 =	rddreg [dreg:$0x1];
	p0 =	sne.s32 s2, $0x0  }
0x286: {  	s3 =	rddreg [dreg:$0x2];
	[bflag:$0x3] =	sbarrier.arrive $0xFFFF;
	s2 =	simm.s32 @!p0 $0x1C02  }
0x287: {  	[timem:s3], [sflag:s2] =	dma.local @!p0 [hbm:s0], s1  }
0x288: {  	s0 =	simm.s32 @!p0 $0x2  }
0x289: {  	_ =	swait.ge @!p0 [sflag:s0], s1  }
0x28a: {  	s1 =	ssub.s32 @!p0 $0x0, s1;
	[sflag:s0] =	ssyncset.done @!p0 $0x0  }
0x28b: {  	[sflag:s0] =	ssyncadd.s32 @!p0 s1  }
0x28c: {  	[bflag:$0x3] =	sbarrier.arrive $0xFFFF  }
0x28d: {  	_ =	shalt  }

</sc_bundles>
